<compile_context>
chip_gen: v7x
topology: tpu7x:2x2x1
jax: 0.10.2.dev20260603
libtpu: 0.0.44.dev20260713+nightly
codegen_flags: <defaults>
</compile_context>

<pallas_src>
import functools

import jax
import jax.numpy as jnp
from jax import lax
from jax.experimental import pallas as pl
from jax.experimental.pallas import tpu as pltpu
from jax.experimental.pallas import tpu_sc as plsc

N = 10000
E = 30000
G = 256
NTILES = 32
EPAD = 30720
EC = EPAD // NTILES
NCH = 8
SCH = EC // NCH
GCH = EC // 2
NPAD = 10240
NROWS = NPAD // 16
D1 = 80
D2 = 128
TE1 = 1920
TE2 = 960


def _sc_mesh():
    return plsc.VectorSubcoreMesh(core_axis_name="c", subcore_axis_name="s",
                                  num_cores=2, num_subcores=16)


@functools.lru_cache(maxsize=None)
def _make_gather(D):

    @functools.partial(
        pl.kernel,
        out_type=jax.ShapeDtypeStruct((EPAD, D), jnp.float32),
        mesh=_sc_mesh(),
        compiler_params=pltpu.CompilerParams(use_tc_tiling_on_sc=False),
        scratch_types=[
            pltpu.VMEM((2, GCH), jnp.int32),
            pltpu.VMEM((2, GCH, D), jnp.float32),
            pltpu.SemaphoreType.DMA,
            pltpu.SemaphoreType.DMA,
        ],
    )
    def gather_k(table_hbm, idx_hbm, out_hbm, idx_v, rows_v, sem0, sem1):
        wid = lax.axis_index("s") * 2 + lax.axis_index("c")
        base = wid * EC
        pltpu.sync_copy(idx_hbm.at[wid], idx_v)
        d0 = pltpu.async_copy(table_hbm.at[idx_v.at[0]], rows_v.at[0], sem0)
        d1 = pltpu.async_copy(table_hbm.at[idx_v.at[1]], rows_v.at[1], sem1)
        d0.wait()
        pltpu.sync_copy(rows_v.at[0], out_hbm.at[pl.ds(base, GCH)])
        d1.wait()
        pltpu.sync_copy(rows_v.at[1], out_hbm.at[pl.ds(base + GCH, GCH)])

    return gather_k


@functools.lru_cache(maxsize=None)
def _make_scatter(D):

    @functools.partial(
        pl.kernel,
        out_type=jax.ShapeDtypeStruct((2, NPAD, D), jnp.float32),
        mesh=_sc_mesh(),
        compiler_params=pltpu.CompilerParams(use_tc_tiling_on_sc=False),
        scratch_types=[
            pltpu.VMEM((NCH, SCH), jnp.int32),
            pltpu.VMEM((2, SCH, D), jnp.float32),
            pltpu.VMEM_SHARED((NPAD, D), jnp.float32),
            pltpu.SemaphoreType.DMA,
            pltpu.SemaphoreType.DMA,
        ],
    )
    def scatter_k(msg_hbm, dst_hbm, zero_hbm, out_hbm, idx_v, rows_v, acc_sh,
                  sem0, sem1):
        cid = lax.axis_index("c")
        sid = lax.axis_index("s")
        wid = cid * 16 + sid
        nbase = sid * NROWS
        pltpu.sync_copy(zero_hbm.at[pl.ds(nbase, NROWS)],
                        acc_sh.at[pl.ds(nbase, NROWS)])
        pltpu.sync_copy(dst_hbm.at[wid], idx_v)
        sems = (sem0, sem1)
        base = wid * EC
        pend = pltpu.async_copy(msg_hbm.at[pl.ds(base, SCH)],
                                rows_v.at[0], sems[0])
        plsc.subcore_barrier()
        for j in range(NCH):
            nxt = None
            if j + 1 < NCH:
                nxt = pltpu.async_copy(
                    msg_hbm.at[pl.ds(base + (j + 1) * SCH, SCH)],
                    rows_v.at[(j + 1) % 2], sems[(j + 1) % 2])
            pend.wait()
            pltpu.sync_copy(rows_v.at[j % 2], acc_sh.at[idx_v.at[j]],
                            add=True)
            pend = nxt
        plsc.subcore_barrier()
        pltpu.sync_copy(acc_sh.at[pl.ds(nbase, NROWS)],
                        out_hbm.at[cid, pl.ds(nbase, NROWS)])

    return scatter_k


def _bf16x3(a, b, dims):
    ah = a.astype(jnp.bfloat16)
    al = (a - ah.astype(jnp.float32)).astype(jnp.bfloat16)
    bh = b.astype(jnp.bfloat16)
    bl = (b - bh.astype(jnp.float32)).astype(jnp.bfloat16)
    d = functools.partial(lax.dot_general, dimension_numbers=dims,
                          preferred_element_type=jnp.float32)
    return d(ah, bh) + d(ah, bl) + d(al, bh)


def _mm(a, b):
    return _bf16x3(a, b, (((1,), (0,)), ((), ())))


def _split_mm(a, bh_ref, bc_ref):
    ah = a.astype(jnp.bfloat16)
    al = (a - ah.astype(jnp.float32)).astype(jnp.bfloat16)
    d = functools.partial(lax.dot_general,
                          dimension_numbers=(((1,), (0,)), ((), ())),
                          preferred_element_type=jnp.float32)
    corr = d(jnp.concatenate([ah, al], axis=1), bc_ref[...])
    return d(ah, bh_ref[...]) + corr


def _rep(h, rd_ref):
    hh = h.astype(jnp.bfloat16)
    hl = (h - hh.astype(jnp.float32)).astype(jnp.bfloat16)
    return lax.dot_general(jnp.concatenate([hh, hl], axis=1), rd_ref[...],
                           (((1,), (0,)), ((), ())),
                           preferred_element_type=jnp.float32)


def _msg1_body(ea_ref, xs_ref, w1_ref, b1_ref, wa_hi_ref, wa_lo_ref,
               rd_ref, out_ref):
    i = pl.program_id(0)
    xs = xs_ref[...]
    h = jnp.maximum(_mm(ea_ref[...], w1_ref[...]) + b1_ref[...], 0.0)
    y = _split_mm(xs, wa_hi_ref, wa_lo_ref)
    hrep = _rep(h, rd_ref)
    prod = hrep * y[:, :2048]
    acc = prod[:, :128]
    for t in range(1, 16):
        acc = acc + prod[:, t * 128:(t + 1) * 128]
    msg = acc[:, :64] + acc[:, 64:128] + y[:, 2048:2112]
    rows = i * TE1 + lax.broadcasted_iota(jnp.int32, (TE1, 1), 0)
    valid = rows < E
    out_ref[:, :64] = jnp.where(valid, msg, 0.0)
    lane = lax.broadcasted_iota(jnp.int32, (TE1, 16), 1)
    out_ref[:, 64:] = jnp.where(valid & (lane == 0), 1.0, 0.0)


def _msg2_body(ea_ref, hs_ref, w1_ref, b1_ref, wa_hi_ref, wa_lo_ref,
               rd_ref, out_ref):
    i = pl.program_id(0)
    hs = hs_ref[...]
    h = jnp.maximum(_mm(ea_ref[...], w1_ref[...]) + b1_ref[...], 0.0)
    y = _split_mm(hs, wa_hi_ref, wa_lo_ref)
    hrep = _rep(h, rd_ref)
    prod = hrep * y[:, :4096]
    acc = prod[:, :128]
    for t in range(1, 32):
        acc = acc + prod[:, t * 128:(t + 1) * 128]
    msg = acc + y[:, 4096:4224]
    rows = i * TE2 + lax.broadcasted_iota(jnp.int32, (TE2, 1), 0)
    out_ref[...] = jnp.where(rows < E, msg, 0.0)


def _node1_body(parts_ref, x_ref, root_ref, bias_ref, g_ref, b_ref,
                h1_ref, cinv_ref):
    s = parts_ref[0] + parts_ref[1]
    agg = s[:N, :64]
    cnt = s[:N, 64:65]
    cinv = 1.0 / jnp.maximum(cnt, 1.0)
    r = agg * cinv + _mm(x_ref[...], root_ref[...]) + bias_ref[...]
    r = jnp.maximum(r, 0.0)
    m = jnp.mean(r, axis=0, keepdims=True)
    v = jnp.mean((r - m) * (r - m), axis=0, keepdims=True)
    h1_ref[...] = (r - m) * lax.rsqrt(v + 1e-5) * g_ref[...] + b_ref[...]
    cinv_ref[...] = cinv


def _node2_body(parts_ref, h1_ref, cinv_ref, root_ref, bias_ref, g_ref, b_ref,
                batch_ref, l1w_ref, l1b_ref, l2w_ref, l2b_ref, out_ref):
    s = parts_ref[0] + parts_ref[1]
    h1 = h1_ref[...]
    r = s[:N, :] * cinv_ref[...] + _mm(h1, root_ref[...]) + bias_ref[...]
    r = jnp.maximum(r, 0.0)
    m = jnp.mean(r, axis=0, keepdims=True)
    v = jnp.mean((r - m) * (r - m), axis=0, keepdims=True)
    h2 = (r - m) * lax.rsqrt(v + 1e-5) * g_ref[...] + b_ref[...]
    gid = lax.broadcasted_iota(jnp.int32, (N, G), 1)
    oh = (batch_ref[...] == gid).astype(jnp.float32)
    c0 = (((0,), (0,)), ((), ()))
    ohb = oh.astype(jnp.bfloat16)
    h2h = h2.astype(jnp.bfloat16)
    h2l = (h2 - h2h.astype(jnp.float32)).astype(jnp.bfloat16)
    d0 = functools.partial(lax.dot_general, dimension_numbers=c0,
                           preferred_element_type=jnp.float32)
    pooled = d0(ohb, h2h) + d0(ohb, h2l)
    cntg = lax.dot_general(oh.astype(jnp.bfloat16),
                           jnp.ones((N, 8), jnp.bfloat16), c0,
                           preferred_element_type=jnp.float32)[:, 0:1]
    pooled = pooled / jnp.maximum(cntg, 1.0)
    hh = jnp.maximum(_mm(pooled, l1w_ref[...]) + l1b_ref[...], 0.0)
    out_ref[...] = _mm(hh, l2w_ref[...]) + l2b_ref[...]


def kernel(x, edge_index, edge_attr, batch,
           nn1_w1, nn1_b1, nn1_w2, nn1_b2, root1, bias1, bn1_g, bn1_b,
           nn2_w1, nn2_b1, nn2_w2, nn2_b2, root2, bias2, bn2_g, bn2_b,
           lin1_w, lin1_b, lin2_w, lin2_b):
    f32 = jnp.float32
    pad = EPAD - E
    srcp = jnp.concatenate([edge_index[0], jnp.zeros((pad,), jnp.int32)])
    dstp = jnp.concatenate([edge_index[1], jnp.zeros((pad,), jnp.int32)])
    src3 = srcp.reshape(NTILES, 2, GCH)
    dst3 = dstp.reshape(NTILES, NCH, SCH)
    eap = jnp.pad(edge_attr, ((0, pad), (0, 0)))
    w1a = nn1_w2.reshape(32, 32, 64).transpose(1, 0, 2).reshape(32, 2048)
    w1a = jnp.concatenate([w1a, nn1_b2.reshape(32, 64)], axis=1)
    w1a_hi = w1a.astype(jnp.bfloat16)
    w1a_lo = (w1a - w1a_hi.astype(f32)).astype(jnp.bfloat16)
    w1a_c = jnp.concatenate([w1a_lo, w1a_hi], axis=0)
    r1 = (jnp.arange(2048)[None, :] // 64 == jnp.arange(32)[:, None])
    r1d = jnp.concatenate([r1, r1], axis=0).astype(jnp.bfloat16)
    w2a = nn2_w2.reshape(32, 64, 128).transpose(1, 0, 2).reshape(64, 4096)
    w2a = jnp.concatenate([w2a, nn2_b2.reshape(64, 128)], axis=1)
    w2a_hi = w2a.astype(jnp.bfloat16)
    w2a_lo = (w2a - w2a_hi.astype(f32)).astype(jnp.bfloat16)
    w2a_c = jnp.concatenate([w2a_lo, w2a_hi], axis=0)
    r2 = (jnp.arange(4096)[None, :] // 128 == jnp.arange(32)[:, None])
    r2d = jnp.concatenate([r2, r2], axis=0).astype(jnp.bfloat16)
    zeros1 = jnp.zeros((NPAD, D1), f32)
    zeros2 = jnp.zeros((NPAD, D2), f32)

    xs = _make_gather(32)(x, src3)

    msg1 = pl.pallas_call(
        _msg1_body,
        grid=(EPAD // TE1,),
        in_specs=[
            pl.BlockSpec((TE1, 16), lambda i: (i, 0)),
            pl.BlockSpec((TE1, 32), lambda i: (i, 0)),
            pl.BlockSpec((16, 32), lambda i: (0, 0)),
            pl.BlockSpec((1, 32), lambda i: (0, 0)),
            pl.BlockSpec((32, 2112), lambda i: (0, 0)),
            pl.BlockSpec((64, 2112), lambda i: (0, 0)),
            pl.BlockSpec((64, 2048), lambda i: (0, 0)),
        ],
        out_specs=pl.BlockSpec((TE1, D1), lambda i: (i, 0)),
        out_shape=jax.ShapeDtypeStruct((EPAD, D1), f32),
        compiler_params=pltpu.CompilerParams(
            vmem_limit_bytes=100 * 1024 * 1024),
    )(eap, xs, nn1_w1, nn1_b1.reshape(1, 32), w1a_hi, w1a_c, r1d)

    parts1 = _make_scatter(D1)(msg1, dst3, zeros1)

    h1, cinv = pl.pallas_call(
        _node1_body,
        compiler_params=pltpu.CompilerParams(
            vmem_limit_bytes=100 * 1024 * 1024),
        out_shape=[jax.ShapeDtypeStruct((N, 64), f32),
                   jax.ShapeDtypeStruct((N, 1), f32)],
    )(parts1, x, root1, bias1.reshape(1, 64),
      bn1_g.reshape(1, 64), bn1_b.reshape(1, 64))

    hs = _make_gather(64)(h1, src3)

    msg2 = pl.pallas_call(
        _msg2_body,
        grid=(EPAD // TE2,),
        in_specs=[
            pl.BlockSpec((TE2, 16), lambda i: (i, 0)),
            pl.BlockSpec((TE2, 64), lambda i: (i, 0)),
            pl.BlockSpec((16, 32), lambda i: (0, 0)),
            pl.BlockSpec((1, 32), lambda i: (0, 0)),
            pl.BlockSpec((64, 4224), lambda i: (0, 0)),
            pl.BlockSpec((128, 4224), lambda i: (0, 0)),
            pl.BlockSpec((64, 4096), lambda i: (0, 0)),
        ],
        out_specs=pl.BlockSpec((TE2, D2), lambda i: (i, 0)),
        out_shape=jax.ShapeDtypeStruct((EPAD, D2), f32),
        compiler_params=pltpu.CompilerParams(
            vmem_limit_bytes=100 * 1024 * 1024),
    )(eap, hs, nn2_w1, nn2_b1.reshape(1, 32), w2a_hi, w2a_c, r2d)

    parts2 = _make_scatter(D2)(msg2, dst3, zeros2)

    out = pl.pallas_call(
        _node2_body,
        compiler_params=pltpu.CompilerParams(
            vmem_limit_bytes=100 * 1024 * 1024),
        out_shape=jax.ShapeDtypeStruct((G, 1), f32),
    )(parts2, h1, cinv, root2, bias2.reshape(1, 128),
      bn2_g.reshape(1, 128), bn2_b.reshape(1, 128),
      batch.reshape(N, 1), lin1_w, lin1_b.reshape(1, 64),
      lin2_w, lin2_b.reshape(1, 1))

    return out.reshape(G)

# --- scband reference (transcript-rebuilt; emitter-appended) ---
"""Pipeline reference for scband-mpnn-29411936043070 (READ-ONLY COPY).

The authoritative reference and input builder live on the scoring server;
editing this copy changes nothing except your own understanding.
"""

import jax, jax.numpy as jnp
import numpy as np

N = 10000
E = 30000
IN_CH = 32
EDGE_CH = 16
G = 256

def _init_params(key):
    ks = jax.random.split(key, 8)
    s = 0.1
    p = {}
    p['nn1_w1'] = jax.random.normal(ks[0], (EDGE_CH, 32), dtype=jnp.float32) * s
    p['nn1_b1'] = jnp.zeros((32,), jnp.float32)
    p['nn1_w2'] = jax.random.normal(ks[1], (32, IN_CH * 64), dtype=jnp.float32) * s
    p['nn1_b2'] = jnp.zeros((IN_CH * 64,), jnp.float32)
    p['root1'] = jax.random.normal(ks[2], (IN_CH, 64), dtype=jnp.float32) * s
    p['bias1'] = jnp.zeros((64,), jnp.float32)
    p['bn1_g'] = jnp.ones((64,), jnp.float32)
    p['bn1_b'] = jnp.zeros((64,), jnp.float32)
    p['nn2_w1'] = jax.random.normal(ks[3], (EDGE_CH, 32), dtype=jnp.float32) * s
    p['nn2_b1'] = jnp.zeros((32,), jnp.float32)
    p['nn2_w2'] = jax.random.normal(ks[4], (32, 64 * 128), dtype=jnp.float32) * s
    p['nn2_b2'] = jnp.zeros((64 * 128,), jnp.float32)
    p['root2'] = jax.random.normal(ks[5], (64, 128), dtype=jnp.float32) * s
    p['bias2'] = jnp.zeros((128,), jnp.float32)
    p['bn2_g'] = jnp.ones((128,), jnp.float32)
    p['bn2_b'] = jnp.zeros((128,), jnp.float32)
    p['lin1_w'] = jax.random.normal(ks[6], (128, 64), dtype=jnp.float32) * s
    p['lin1_b'] = jnp.zeros((64,), jnp.float32)
    p['lin2_w'] = jax.random.normal(ks[7], (64, 1), dtype=jnp.float32) * s
    p['lin2_b'] = jnp.zeros((1,), jnp.float32)
    return p

def setup_inputs(seed: int = 0):
    key = jax.random.key(seed)
    ks = jax.random.split(key, 5)
    inp = {}
    inp['x'] = jax.random.normal(ks[0], (N, IN_CH), dtype=jnp.float32)
    inp['edge_index'] = jax.random.randint(ks[1], (2, E), 0, N, dtype=jnp.int32)
    inp['edge_attr'] = jax.random.normal(ks[2], (E, EDGE_CH), dtype=jnp.float32)
    inp['batch'] = jnp.sort(jax.random.randint(ks[3], (N,), 0, G, dtype=jnp.int32))
    inp.update(_init_params(ks[4]))
    return inp

def _nnconv(x, src, dst, edge_attr, w1, b1, w2, b2, root, bias, out_ch, n_nodes):
    # edge network producing a per-edge [in, out] weight matrix (PyG NNConv)
    h = jax.nn.relu(edge_attr @ w1 + b1)
    W = (h @ w2 + b2).reshape(edge_attr.shape[0], x.shape[1], out_ch)
    msg = jnp.einsum('ei,eio->eo', jnp.take(x, src, axis=0), W)
    agg = jax.ops.segment_sum(msg, dst, num_segments=n_nodes)
    cnt = jax.ops.segment_sum(jnp.ones((dst.shape[0],), jnp.float32), dst, num_segments=n_nodes)
    agg = agg / jnp.clip(cnt, 1.0, None)[:, None]
    return agg + x @ root + bias

def _bn(h, g, b):
    # BatchNorm1d in training mode: biased batch statistics
    m = jnp.mean(h, axis=0)
    v = jnp.mean((h - m) ** 2, axis=0)
    return (h - m) / jnp.sqrt(v + 1e-5) * g + b

def reference(x, edge_index, edge_attr, batch, nn1_w1, nn1_b1, nn1_w2, nn1_b2, root1, bias1, bn1_g, bn1_b, nn2_w1, nn2_b1, nn2_w2, nn2_b2, root2, bias2, bn2_g, bn2_b, lin1_w, lin1_b, lin2_w, lin2_b):
    src = edge_index[0]
    dst = edge_index[1]
    h = jax.nn.relu(_nnconv(x, src, dst, edge_attr, nn1_w1, nn1_b1, nn1_w2, nn1_b2, root1, bias1, 64, N))
    h = _bn(h, bn1_g, bn1_b)
    h = jax.nn.relu(_nnconv(h, src, dst, edge_attr, nn2_w1, nn2_b1, nn2_w2, nn2_b2, root2, bias2, 128, N))
    h = _bn(h, bn2_g, bn2_b)
    pooled = jax.ops.segment_sum(h, batch, num_segments=G)
    counts = jax.ops.segment_sum(jnp.ones((N,), jnp.float32), batch, num_segments=G)
    pooled = pooled / jnp.clip(counts, 1.0, None)[:, None]
    h = jax.nn.relu(pooled @ lin1_w + lin1_b)
    # Dropout(0.5) is identity in eval mode
    out = h @ lin2_w + lin2_b
    return out.squeeze(1)

if __name__ == "__main__":
    import jax
    _d = setup_inputs()
    print(jax.jit(kernel)(*tuple(_d.values())))

</pallas_src>

<mosaic_0001>
#map = affine_map<(d0, d1) -> (0, 0)>
#map1 = affine_map<(d0, d1) -> (0, 0, 0)>
module attributes {stable_mosaic.version = 14 : i64} {
  func.func @scatter_k(%arg0: i32, %arg1: i32, %arg2: memref<30720x128xf32, #tpu.memory_space<hbm>>, %arg3: memref<32x8x120xi32, #tpu.memory_space<hbm>>, %arg4: memref<10240x128xf32, #tpu.memory_space<hbm>>, %arg5: memref<2x10240x128xf32, #tpu.memory_space<hbm>>, %arg6: memref<8x120xi32, #tpu.memory_space<vmem>>, %arg7: memref<2x120x128xf32, #tpu.memory_space<vmem>>, %arg8: memref<10240x128xf32, #tpu.memory_space<vmem_shared>>, %arg9: memref<!tpu.dma_semaphore, #tpu.memory_space<semaphore_mem>>, %arg10: memref<!tpu.dma_semaphore, #tpu.memory_space<semaphore_mem>>) attributes {dimension_semantics = [#tpu.dimension_semantics<core_parallel>, #tpu.dimension_semantics<subcore_parallel>], iteration_bounds = array<i64: 2, 16>, scalar_prefetch = 0 : i64, scratch_operands = 5 : i64, tpu.core_type = #tpu.core_type<sc_vector_subcore>, window_params = [{transform_indices = #map}, {transform_indices = #map1}, {transform_indices = #map}, {transform_indices = #map1}]} {
    %mul3A = arith.constant 16 : i32
    %mul3A_0 = arith.muli %arg0, %mul3A : i32
    %add3A = arith.addi %mul3A_0, %arg1 : i32
    %mul3A_1 = arith.constant 640 : i32
    %mul3A_2 = arith.muli %arg1, %mul3A_1 : i32
    "tpu.region"() ({
      %run_scoped3A_241 = tpu.sem_alloc : memref<!tpu.dma_semaphore, #tpu.memory_space<semaphore_mem>>
      %dma_start3A_242 = arith.constant 0 : i32
      %dma_start3A_243 = tpu.memref_slice %arg8[%mul3A_2, %dma_start3A_242] : memref<10240x128xf32, #tpu.memory_space<vmem_shared>> -> memref<640x128xf32, #tpu.memory_space<vmem_shared>>
      %dma_start3A_244 = arith.constant 0 : i32
      %dma_start3A_245 = tpu.memref_slice %arg4[%mul3A_2, %dma_start3A_244] : memref<10240x128xf32, #tpu.memory_space<hbm>> -> memref<640x128xf32, #tpu.memory_space<hbm>>
      tpu.enqueue_dma source(%dma_start3A_245 : memref<640x128xf32, #tpu.memory_space<hbm>>) target(%dma_start3A_243 : memref<640x128xf32, #tpu.memory_space<vmem_shared>>) target_semaphore(%run_scoped3A_241 : memref<!tpu.dma_semaphore, #tpu.memory_space<semaphore_mem>>)
      %dma_wait3A_246 = arith.constant 0 : i32
      %dma_wait3A_247 = tpu.memref_slice %arg8[%mul3A_2, %dma_wait3A_246] : memref<10240x128xf32, #tpu.memory_space<vmem_shared>> -> memref<640x128xf32, #tpu.memory_space<vmem_shared>>
      %dma_wait3A_248 = arith.constant 0 : i32
      %dma_wait3A_249 = tpu.memref_slice %arg4[%mul3A_2, %dma_wait3A_248] : memref<10240x128xf32, #tpu.memory_space<hbm>> -> memref<640x128xf32, #tpu.memory_space<hbm>>
      tpu.wait_dma2 semaphore(%run_scoped3A_241 : memref<!tpu.dma_semaphore, #tpu.memory_space<semaphore_mem>>) src(%dma_wait3A_249 : memref<640x128xf32, #tpu.memory_space<hbm>>) dst(%dma_wait3A_247 : memref<640x128xf32, #tpu.memory_space<vmem_shared>>)
      tpu.yield
    }) : () -> ()
    "tpu.region"() ({
      %run_scoped3A_241 = tpu.sem_alloc : memref<!tpu.dma_semaphore, #tpu.memory_space<semaphore_mem>>
      %dma_start3A_242 = arith.constant 0 : i32
      %dma_start3A_243 = arith.constant 0 : i32
      %dma_start3A_244 = tpu.memref_slice %arg3[%add3A, %dma_start3A_242, %dma_start3A_243] : memref<32x8x120xi32, #tpu.memory_space<hbm>> -> memref<1x8x120xi32, #tpu.memory_space<hbm>>
      %dma_start3A_245 = tpu.memref_squeeze %dma_start3A_244 : memref<1x8x120xi32, #tpu.memory_space<hbm>> -> memref<8x120xi32, #tpu.memory_space<hbm>>
      %dma_start3A_246 = arith.constant 0 : i32
      %dma_start3A_247 = arith.constant 0 : i32
      %dma_start3A_248 = tpu.memref_slice %arg3[%add3A, %dma_start3A_246, %dma_start3A_247] : memref<32x8x120xi32, #tpu.memory_space<hbm>> -> memref<1x8x120xi32, #tpu.memory_space<hbm>>
      %dma_start3A_249 = tpu.memref_squeeze %dma_start3A_248 : memref<1x8x120xi32, #tpu.memory_space<hbm>> -> memref<8x120xi32, #tpu.memory_space<hbm>>
      tpu.enqueue_dma source(%dma_start3A_249 : memref<8x120xi32, #tpu.memory_space<hbm>>) target(%arg6 : memref<8x120xi32, #tpu.memory_space<vmem>>) target_semaphore(%run_scoped3A_241 : memref<!tpu.dma_semaphore, #tpu.memory_space<semaphore_mem>>)
      %dma_wait3A_250 = arith.constant 0 : i32
      %dma_wait3A_251 = arith.constant 0 : i32
      %dma_wait3A_252 = tpu.memref_slice %arg3[%add3A, %dma_wait3A_250, %dma_wait3A_251] : memref<32x8x120xi32, #tpu.memory_space<hbm>> -> memref<1x8x120xi32, #tpu.memory_space<hbm>>
      %dma_wait3A_253 = tpu.memref_squeeze %dma_wait3A_252 : memref<1x8x120xi32, #tpu.memory_space<hbm>> -> memref<8x120xi32, #tpu.memory_space<hbm>>
      %dma_wait3A_254 = arith.constant 0 : i32
      %dma_wait3A_255 = arith.constant 0 : i32
      %dma_wait3A_256 = tpu.memref_slice %arg3[%add3A, %dma_wait3A_254, %dma_wait3A_255] : memref<32x8x120xi32, #tpu.memory_space<hbm>> -> memref<1x8x120xi32, #tpu.memory_space<hbm>>
      %dma_wait3A_257 = tpu.memref_squeeze %dma_wait3A_256 : memref<1x8x120xi32, #tpu.memory_space<hbm>> -> memref<8x120xi32, #tpu.memory_space<hbm>>
      tpu.wait_dma2 semaphore(%run_scoped3A_241 : memref<!tpu.dma_semaphore, #tpu.memory_space<semaphore_mem>>) src(%dma_wait3A_257 : memref<8x120xi32, #tpu.memory_space<hbm>>) dst(%arg6 : memref<8x120xi32, #tpu.memory_space<vmem>>)
      tpu.yield
    }) : () -> ()
    %mul3A_3 = arith.constant 960 : i32
    %mul3A_4 = arith.muli %add3A, %mul3A_3 : i32
    %dma_start3A = arith.constant 0 : i32
    %dma_start3A_5 = arith.constant 0 : i32
    %dma_start3A_6 = arith.constant 0 : i32
    %dma_start3A_7 = tpu.memref_slice %arg7[%dma_start3A, %dma_start3A_5, %dma_start3A_6] : memref<2x120x128xf32, #tpu.memory_space<vmem>> -> memref<1x120x128xf32, #tpu.memory_space<vmem>>
    %dma_start3A_8 = tpu.memref_squeeze %dma_start3A_7 : memref<1x120x128xf32, #tpu.memory_space<vmem>> -> memref<120x128xf32, #tpu.memory_space<vmem>>
    %dma_start3A_9 = arith.constant 0 : i32
    %dma_start3A_10 = tpu.memref_slice %arg2[%mul3A_4, %dma_start3A_9] : memref<30720x128xf32, #tpu.memory_space<hbm>> -> memref<120x128xf32, #tpu.memory_space<hbm>>
    %dma_start3A_11 = arith.constant 0 : i32
    %dma_start3A_12 = arith.constant 0 : i32
    %dma_start3A_13 = tpu.memref_slice %arg7[%dma_start3A, %dma_start3A_11, %dma_start3A_12] : memref<2x120x128xf32, #tpu.memory_space<vmem>> -> memref<1x120x128xf32, #tpu.memory_space<vmem>>
    %dma_start3A_14 = tpu.memref_squeeze %dma_start3A_13 : memref<1x120x128xf32, #tpu.memory_space<vmem>> -> memref<120x128xf32, #tpu.memory_space<vmem>>
    %dma_start3A_15 = arith.constant 0 : i32
    %dma_start3A_16 = tpu.memref_slice %arg2[%mul3A_4, %dma_start3A_15] : memref<30720x128xf32, #tpu.memory_space<hbm>> -> memref<120x128xf32, #tpu.memory_space<hbm>>
    tpu.enqueue_dma source(%dma_start3A_16 : memref<120x128xf32, #tpu.memory_space<hbm>>) target(%dma_start3A_14 : memref<120x128xf32, #tpu.memory_space<vmem>>) target_semaphore(%arg9 : memref<!tpu.dma_semaphore, #tpu.memory_space<semaphore_mem>>)
    %barrier3A = arith.constant 0 : index
    tpu.barrier barrier_id(%barrier3A)
    %add3A_17 = arith.constant 120 : i32
    %add3A_18 = arith.addi %mul3A_4, %add3A_17 : i32
    %dma_start3A_19 = arith.constant 1 : i32
    %dma_start3A_20 = arith.constant 0 : i32
    %dma_start3A_21 = arith.constant 0 : i32
    %dma_start3A_22 = tpu.memref_slice %arg7[%dma_start3A_19, %dma_start3A_20, %dma_start3A_21] : memref<2x120x128xf32, #tpu.memory_space<vmem>> -> memref<1x120x128xf32, #tpu.memory_space<vmem>>
    %dma_start3A_23 = tpu.memref_squeeze %dma_start3A_22 : memref<1x120x128xf32, #tpu.memory_space<vmem>> -> memref<120x128xf32, #tpu.memory_space<vmem>>
    %dma_start3A_24 = arith.constant 0 : i32
    %dma_start3A_25 = tpu.memref_slice %arg2[%add3A_18, %dma_start3A_24] : memref<30720x128xf32, #tpu.memory_space<hbm>> -> memref<120x128xf32, #tpu.memory_space<hbm>>
    %dma_start3A_26 = arith.constant 0 : i32
    %dma_start3A_27 = arith.constant 0 : i32
    %dma_start3A_28 = tpu.memref_slice %arg7[%dma_start3A_19, %dma_start3A_26, %dma_start3A_27] : memref<2x120x128xf32, #tpu.memory_space<vmem>> -> memref<1x120x128xf32, #tpu.memory_space<vmem>>
    %dma_start3A_29 = tpu.memref_squeeze %dma_start3A_28 : memref<1x120x128xf32, #tpu.memory_space<vmem>> -> memref<120x128xf32, #tpu.memory_space<vmem>>
    %dma_start3A_30 = arith.constant 0 : i32
    %dma_start3A_31 = tpu.memref_slice %arg2[%add3A_18, %dma_start3A_30] : memref<30720x128xf32, #tpu.memory_space<hbm>> -> memref<120x128xf32, #tpu.memory_space<hbm>>
    tpu.enqueue_dma source(%dma_start3A_31 : memref<120x128xf32, #tpu.memory_space<hbm>>) target(%dma_start3A_29 : memref<120x128xf32, #tpu.memory_space<vmem>>) target_semaphore(%arg10 : memref<!tpu.dma_semaphore, #tpu.memory_space<semaphore_mem>>)
    %dma_wait3A = arith.constant 0 : i32
    %dma_wait3A_32 = arith.constant 0 : i32
    %dma_wait3A_33 = arith.constant 0 : i32
    %dma_wait3A_34 = tpu.memref_slice %arg7[%dma_wait3A, %dma_wait3A_32, %dma_wait3A_33] : memref<2x120x128xf32, #tpu.memory_space<vmem>> -> memref<1x120x128xf32, #tpu.memory_space<vmem>>
    %dma_wait3A_35 = tpu.memref_squeeze %dma_wait3A_34 : memref<1x120x128xf32, #tpu.memory_space<vmem>> -> memref<120x128xf32, #tpu.memory_space<vmem>>
    %dma_wait3A_36 = arith.constant 0 : i32
    %dma_wait3A_37 = tpu.memref_slice %arg2[%mul3A_4, %dma_wait3A_36] : memref<30720x128xf32, #tpu.memory_space<hbm>> -> memref<120x128xf32, #tpu.memory_space<hbm>>
    %dma_wait3A_38 = arith.constant 0 : i32
    %dma_wait3A_39 = arith.constant 0 : i32
    %dma_wait3A_40 = tpu.memref_slice %arg7[%dma_wait3A, %dma_wait3A_38, %dma_wait3A_39] : memref<2x120x128xf32, #tpu.memory_space<vmem>> -> memref<1x120x128xf32, #tpu.memory_space<vmem>>
    %dma_wait3A_41 = tpu.memref_squeeze %dma_wait3A_40 : memref<1x120x128xf32, #tpu.memory_space<vmem>> -> memref<120x128xf32, #tpu.memory_space<vmem>>
    %dma_wait3A_42 = arith.constant 0 : i32
    %dma_wait3A_43 = tpu.memref_slice %arg2[%mul3A_4, %dma_wait3A_42] : memref<30720x128xf32, #tpu.memory_space<hbm>> -> memref<120x128xf32, #tpu.memory_space<hbm>>
    tpu.wait_dma2 semaphore(%arg9 : memref<!tpu.dma_semaphore, #tpu.memory_space<semaphore_mem>>) src(%dma_wait3A_43 : memref<120x128xf32, #tpu.memory_space<hbm>>) dst(%dma_wait3A_41 : memref<120x128xf32, #tpu.memory_space<vmem>>)
    %run_scoped3A = arith.constant 0 : i32
    %run_scoped3A_44 = arith.constant 0 : i32
    "tpu.region"() ({
      %run_scoped3A_241 = tpu.sem_alloc : memref<!tpu.dma_semaphore, #tpu.memory_space<semaphore_mem>>
      %dma_start3A_242 = arith.constant 0 : i32
      %dma_start3A_243 = arith.constant 0 : i32
      %dma_start3A_244 = tpu.memref_slice %arg7[%run_scoped3A, %dma_start3A_242, %dma_start3A_243] : memref<2x120x128xf32, #tpu.memory_space<vmem>> -> memref<1x120x128xf32, #tpu.memory_space<vmem>>
      %dma_start3A_245 = tpu.memref_squeeze %dma_start3A_244 : memref<1x120x128xf32, #tpu.memory_space<vmem>> -> memref<120x128xf32, #tpu.memory_space<vmem>>
      %dma_start3A_246 = arith.constant 0 : i32
      %dma_start3A_247 = tpu.memref_slice %arg6[%run_scoped3A_44, %dma_start3A_246] : memref<8x120xi32, #tpu.memory_space<vmem>> -> memref<1x120xi32, #tpu.memory_space<vmem>>
      %dma_start3A_248 = tpu.memref_squeeze %dma_start3A_247 : memref<1x120xi32, #tpu.memory_space<vmem>> -> memref<120xi32, #tpu.memory_space<vmem>>
      %dma_start3A_249 = arith.constant 0 : i32
      %dma_start3A_250 = arith.constant 0 : i32
      %dma_start3A_251 = tpu.memref_slice %arg8[%dma_start3A_249, %dma_start3A_250] : memref<10240x128xf32, #tpu.memory_space<vmem_shared>> -> memref<10240x128xf32, #tpu.memory_space<vmem_shared>>
      tpu.enqueue_indirect_dma source(%dma_start3A_245 : memref<120x128xf32, #tpu.memory_space<vmem>>) target(%dma_start3A_251 : memref<10240x128xf32, #tpu.memory_space<vmem_shared>>) offsets(%dma_start3A_248 : memref<120xi32, #tpu.memory_space<vmem>>) semaphore(%run_scoped3A_241 : memref<!tpu.dma_semaphore, #tpu.memory_space<semaphore_mem>>) {add = true}
      %dma_wait3A_252 = arith.constant 0 : i32
      %dma_wait3A_253 = arith.constant 0 : i32
      %dma_wait3A_254 = tpu.memref_slice %arg7[%run_scoped3A, %dma_wait3A_252, %dma_wait3A_253] : memref<2x120x128xf32, #tpu.memory_space<vmem>> -> memref<1x120x128xf32, #tpu.memory_space<vmem>>
      %dma_wait3A_255 = tpu.memref_squeeze %dma_wait3A_254 : memref<1x120x128xf32, #tpu.memory_space<vmem>> -> memref<120x128xf32, #tpu.memory_space<vmem>>
      %dma_wait3A_256 = arith.constant 0 : i32
      %dma_wait3A_257 = tpu.memref_slice %arg6[%run_scoped3A_44, %dma_wait3A_256] : memref<8x120xi32, #tpu.memory_space<vmem>> -> memref<1x120xi32, #tpu.memory_space<vmem>>
      %dma_wait3A_258 = tpu.memref_squeeze %dma_wait3A_257 : memref<1x120xi32, #tpu.memory_space<vmem>> -> memref<120xi32, #tpu.memory_space<vmem>>
      %dma_wait3A_259 = arith.constant 0 : i32
      %dma_wait3A_260 = arith.constant 0 : i32
      %dma_wait3A_261 = tpu.memref_slice %arg8[%dma_wait3A_259, %dma_wait3A_260] : memref<10240x128xf32, #tpu.memory_space<vmem_shared>> -> memref<10240x128xf32, #tpu.memory_space<vmem_shared>>
      tpu.wait_indirect_dma semaphore(%run_scoped3A_241 : memref<!tpu.dma_semaphore, #tpu.memory_space<semaphore_mem>>) src(%dma_wait3A_255 : memref<120x128xf32, #tpu.memory_space<vmem>>) dst(%dma_wait3A_261 : memref<10240x128xf32, #tpu.memory_space<vmem_shared>>)
      tpu.yield
    }) : () -> ()
    %add3A_45 = arith.constant 240 : i32
    %add3A_46 = arith.addi %mul3A_4, %add3A_45 : i32
    %dma_start3A_47 = arith.constant 0 : i32
    %dma_start3A_48 = arith.constant 0 : i32
    %dma_start3A_49 = arith.constant 0 : i32
    %dma_start3A_50 = tpu.memref_slice %arg7[%dma_start3A_47, %dma_start3A_48, %dma_start3A_49] : memref<2x120x128xf32, #tpu.memory_space<vmem>> -> memref<1x120x128xf32, #tpu.memory_space<vmem>>
    %dma_start3A_51 = tpu.memref_squeeze %dma_start3A_50 : memref<1x120x128xf32, #tpu.memory_space<vmem>> -> memref<120x128xf32, #tpu.memory_space<vmem>>
    %dma_start3A_52 = arith.constant 0 : i32
    %dma_start3A_53 = tpu.memref_slice %arg2[%add3A_46, %dma_start3A_52] : memref<30720x128xf32, #tpu.memory_space<hbm>> -> memref<120x128xf32, #tpu.memory_space<hbm>>
    %dma_start3A_54 = arith.constant 0 : i32
    %dma_start3A_55 = arith.constant 0 : i32
    %dma_start3A_56 = tpu.memref_slice %arg7[%dma_start3A_47, %dma_start3A_54, %dma_start3A_55] : memref<2x120x128xf32, #tpu.memory_space<vmem>> -> memref<1x120x128xf32, #tpu.memory_space<vmem>>
    %dma_start3A_57 = tpu.memref_squeeze %dma_start3A_56 : memref<1x120x128xf32, #tpu.memory_space<vmem>> -> memref<120x128xf32, #tpu.memory_space<vmem>>
    %dma_start3A_58 = arith.constant 0 : i32
    %dma_start3A_59 = tpu.memref_slice %arg2[%add3A_46, %dma_start3A_58] : memref<30720x128xf32, #tpu.memory_space<hbm>> -> memref<120x128xf32, #tpu.memory_space<hbm>>
    tpu.enqueue_dma source(%dma_start3A_59 : memref<120x128xf32, #tpu.memory_space<hbm>>) target(%dma_start3A_57 : memref<120x128xf32, #tpu.memory_space<vmem>>) target_semaphore(%arg9 : memref<!tpu.dma_semaphore, #tpu.memory_space<semaphore_mem>>)
    %dma_wait3A_60 = arith.constant 1 : i32
    %dma_wait3A_61 = arith.constant 0 : i32
    %dma_wait3A_62 = arith.constant 0 : i32
    %dma_wait3A_63 = tpu.memref_slice %arg7[%dma_wait3A_60, %dma_wait3A_61, %dma_wait3A_62] : memref<2x120x128xf32, #tpu.memory_space<vmem>> -> memref<1x120x128xf32, #tpu.memory_space<vmem>>
    %dma_wait3A_64 = tpu.memref_squeeze %dma_wait3A_63 : memref<1x120x128xf32, #tpu.memory_space<vmem>> -> memref<120x128xf32, #tpu.memory_space<vmem>>
    %dma_wait3A_65 = arith.constant 0 : i32
    %dma_wait3A_66 = tpu.memref_slice %arg2[%add3A_18, %dma_wait3A_65] : memref<30720x128xf32, #tpu.memory_space<hbm>> -> memref<120x128xf32, #tpu.memory_space<hbm>>
    %dma_wait3A_67 = arith.constant 0 : i32
    %dma_wait3A_68 = arith.constant 0 : i32
    %dma_wait3A_69 = tpu.memref_slice %arg7[%dma_wait3A_60, %dma_wait3A_67, %dma_wait3A_68] : memref<2x120x128xf32, #tpu.memory_space<vmem>> -> memref<1x120x128xf32, #tpu.memory_space<vmem>>
    %dma_wait3A_70 = tpu.memref_squeeze %dma_wait3A_69 : memref<1x120x128xf32, #tpu.memory_space<vmem>> -> memref<120x128xf32, #tpu.memory_space<vmem>>
    %dma_wait3A_71 = arith.constant 0 : i32
    %dma_wait3A_72 = tpu.memref_slice %arg2[%add3A_18, %dma_wait3A_71] : memref<30720x128xf32, #tpu.memory_space<hbm>> -> memref<120x128xf32, #tpu.memory_space<hbm>>
    tpu.wait_dma2 semaphore(%arg10 : memref<!tpu.dma_semaphore, #tpu.memory_space<semaphore_mem>>) src(%dma_wait3A_72 : memref<120x128xf32, #tpu.memory_space<hbm>>) dst(%dma_wait3A_70 : memref<120x128xf32, #tpu.memory_space<vmem>>)
    %run_scoped3A_73 = arith.constant 1 : i32
    %run_scoped3A_74 = arith.constant 1 : i32
    "tpu.region"() ({
      %run_scoped3A_241 = tpu.sem_alloc : memref<!tpu.dma_semaphore, #tpu.memory_space<semaphore_mem>>
      %dma_start3A_242 = arith.constant 0 : i32
      %dma_start3A_243 = arith.constant 0 : i32
      %dma_start3A_244 = tpu.memref_slice %arg7[%run_scoped3A_73, %dma_start3A_242, %dma_start3A_243] : memref<2x120x128xf32, #tpu.memory_space<vmem>> -> memref<1x120x128xf32, #tpu.memory_space<vmem>>
      %dma_start3A_245 = tpu.memref_squeeze %dma_start3A_244 : memref<1x120x128xf32, #tpu.memory_space<vmem>> -> memref<120x128xf32, #tpu.memory_space<vmem>>
      %dma_start3A_246 = arith.constant 0 : i32
      %dma_start3A_247 = tpu.memref_slice %arg6[%run_scoped3A_74, %dma_start3A_246] : memref<8x120xi32, #tpu.memory_space<vmem>> -> memref<1x120xi32, #tpu.memory_space<vmem>>
      %dma_start3A_248 = tpu.memref_squeeze %dma_start3A_247 : memref<1x120xi32, #tpu.memory_space<vmem>> -> memref<120xi32, #tpu.memory_space<vmem>>
      %dma_start3A_249 = arith.constant 0 : i32
      %dma_start3A_250 = arith.constant 0 : i32
      %dma_start3A_251 = tpu.memref_slice %arg8[%dma_start3A_249, %dma_start3A_250] : memref<10240x128xf32, #tpu.memory_space<vmem_shared>> -> memref<10240x128xf32, #tpu.memory_space<vmem_shared>>
      tpu.enqueue_indirect_dma source(%dma_start3A_245 : memref<120x128xf32, #tpu.memory_space<vmem>>) target(%dma_start3A_251 : memref<10240x128xf32, #tpu.memory_space<vmem_shared>>) offsets(%dma_start3A_248 : memref<120xi32, #tpu.memory_space<vmem>>) semaphore(%run_scoped3A_241 : memref<!tpu.dma_semaphore, #tpu.memory_space<semaphore_mem>>) {add = true}
      %dma_wait3A_252 = arith.constant 0 : i32
      %dma_wait3A_253 = arith.constant 0 : i32
      %dma_wait3A_254 = tpu.memref_slice %arg7[%run_scoped3A_73, %dma_wait3A_252, %dma_wait3A_253] : memref<2x120x128xf32, #tpu.memory_space<vmem>> -> memref<1x120x128xf32, #tpu.memory_space<vmem>>
      %dma_wait3A_255 = tpu.memref_squeeze %dma_wait3A_254 : memref<1x120x128xf32, #tpu.memory_space<vmem>> -> memref<120x128xf32, #tpu.memory_space<vmem>>
      %dma_wait3A_256 = arith.constant 0 : i32
      %dma_wait3A_257 = tpu.memref_slice %arg6[%run_scoped3A_74, %dma_wait3A_256] : memref<8x120xi32, #tpu.memory_space<vmem>> -> memref<1x120xi32, #tpu.memory_space<vmem>>
      %dma_wait3A_258 = tpu.memref_squeeze %dma_wait3A_257 : memref<1x120xi32, #tpu.memory_space<vmem>> -> memref<120xi32, #tpu.memory_space<vmem>>
      %dma_wait3A_259 = arith.constant 0 : i32
      %dma_wait3A_260 = arith.constant 0 : i32
      %dma_wait3A_261 = tpu.memref_slice %arg8[%dma_wait3A_259, %dma_wait3A_260] : memref<10240x128xf32, #tpu.memory_space<vmem_shared>> -> memref<10240x128xf32, #tpu.memory_space<vmem_shared>>
      tpu.wait_indirect_dma semaphore(%run_scoped3A_241 : memref<!tpu.dma_semaphore, #tpu.memory_space<semaphore_mem>>) src(%dma_wait3A_255 : memref<120x128xf32, #tpu.memory_space<vmem>>) dst(%dma_wait3A_261 : memref<10240x128xf32, #tpu.memory_space<vmem_shared>>)
      tpu.yield
    }) : () -> ()
    %add3A_75 = arith.constant 360 : i32
    %add3A_76 = arith.addi %mul3A_4, %add3A_75 : i32
    %dma_start3A_77 = arith.constant 1 : i32
    %dma_start3A_78 = arith.constant 0 : i32
    %dma_start3A_79 = arith.constant 0 : i32
    %dma_start3A_80 = tpu.memref_slice %arg7[%dma_start3A_77, %dma_start3A_78, %dma_start3A_79] : memref<2x120x128xf32, #tpu.memory_space<vmem>> -> memref<1x120x128xf32, #tpu.memory_space<vmem>>
    %dma_start3A_81 = tpu.memref_squeeze %dma_start3A_80 : memref<1x120x128xf32, #tpu.memory_space<vmem>> -> memref<120x128xf32, #tpu.memory_space<vmem>>
    %dma_start3A_82 = arith.constant 0 : i32
    %dma_start3A_83 = tpu.memref_slice %arg2[%add3A_76, %dma_start3A_82] : memref<30720x128xf32, #tpu.memory_space<hbm>> -> memref<120x128xf32, #tpu.memory_space<hbm>>
    %dma_start3A_84 = arith.constant 0 : i32
    %dma_start3A_85 = arith.constant 0 : i32
    %dma_start3A_86 = tpu.memref_slice %arg7[%dma_start3A_77, %dma_start3A_84, %dma_start3A_85] : memref<2x120x128xf32, #tpu.memory_space<vmem>> -> memref<1x120x128xf32, #tpu.memory_space<vmem>>
    %dma_start3A_87 = tpu.memref_squeeze %dma_start3A_86 : memref<1x120x128xf32, #tpu.memory_space<vmem>> -> memref<120x128xf32, #tpu.memory_space<vmem>>
    %dma_start3A_88 = arith.constant 0 : i32
    %dma_start3A_89 = tpu.memref_slice %arg2[%add3A_76, %dma_start3A_88] : memref<30720x128xf32, #tpu.memory_space<hbm>> -> memref<120x128xf32, #tpu.memory_space<hbm>>
    tpu.enqueue_dma source(%dma_start3A_89 : memref<120x128xf32, #tpu.memory_space<hbm>>) target(%dma_start3A_87 : memref<120x128xf32, #tpu.memory_space<vmem>>) target_semaphore(%arg10 : memref<!tpu.dma_semaphore, #tpu.memory_space<semaphore_mem>>)
    %dma_wait3A_90 = arith.constant 0 : i32
    %dma_wait3A_91 = arith.constant 0 : i32
    %dma_wait3A_92 = arith.constant 0 : i32
    %dma_wait3A_93 = tpu.memref_slice %arg7[%dma_wait3A_90, %dma_wait3A_91, %dma_wait3A_92] : memref<2x120x128xf32, #tpu.memory_space<vmem>> -> memref<1x120x128xf32, #tpu.memory_space<vmem>>
    %dma_wait3A_94 = tpu.memref_squeeze %dma_wait3A_93 : memref<1x120x128xf32, #tpu.memory_space<vmem>> -> memref<120x128xf32, #tpu.memory_space<vmem>>
    %dma_wait3A_95 = arith.constant 0 : i32
    %dma_wait3A_96 = tpu.memref_slice %arg2[%add3A_46, %dma_wait3A_95] : memref<30720x128xf32, #tpu.memory_space<hbm>> -> memref<120x128xf32, #tpu.memory_space<hbm>>
    %dma_wait3A_97 = arith.constant 0 : i32
    %dma_wait3A_98 = arith.constant 0 : i32
    %dma_wait3A_99 = tpu.memref_slice %arg7[%dma_wait3A_90, %dma_wait3A_97, %dma_wait3A_98] : memref<2x120x128xf32, #tpu.memory_space<vmem>> -> memref<1x120x128xf32, #tpu.memory_space<vmem>>
    %dma_wait3A_100 = tpu.memref_squeeze %dma_wait3A_99 : memref<1x120x128xf32, #tpu.memory_space<vmem>> -> memref<120x128xf32, #tpu.memory_space<vmem>>
    %dma_wait3A_101 = arith.constant 0 : i32
    %dma_wait3A_102 = tpu.memref_slice %arg2[%add3A_46, %dma_wait3A_101] : memref<30720x128xf32, #tpu.memory_space<hbm>> -> memref<120x128xf32, #tpu.memory_space<hbm>>
    tpu.wait_dma2 semaphore(%arg9 : memref<!tpu.dma_semaphore, #tpu.memory_space<semaphore_mem>>) src(%dma_wait3A_102 : memref<120x128xf32, #tpu.memory_space<hbm>>) dst(%dma_wait3A_100 : memref<120x128xf32, #tpu.memory_space<vmem>>)
    %run_scoped3A_103 = arith.constant 0 : i32
    %run_scoped3A_104 = arith.constant 2 : i32
    "tpu.region"() ({
      %run_scoped3A_241 = tpu.sem_alloc : memref<!tpu.dma_semaphore, #tpu.memory_space<semaphore_mem>>
      %dma_start3A_242 = arith.constant 0 : i32
      %dma_start3A_243 = arith.constant 0 : i32
      %dma_start3A_244 = tpu.memref_slice %arg7[%run_scoped3A_103, %dma_start3A_242, %dma_start3A_243] : memref<2x120x128xf32, #tpu.memory_space<vmem>> -> memref<1x120x128xf32, #tpu.memory_space<vmem>>
      %dma_start3A_245 = tpu.memref_squeeze %dma_start3A_244 : memref<1x120x128xf32, #tpu.memory_space<vmem>> -> memref<120x128xf32, #tpu.memory_space<vmem>>
      %dma_start3A_246 = arith.constant 0 : i32
      %dma_start3A_247 = tpu.memref_slice %arg6[%run_scoped3A_104, %dma_start3A_246] : memref<8x120xi32, #tpu.memory_space<vmem>> -> memref<1x120xi32, #tpu.memory_space<vmem>>
      %dma_start3A_248 = tpu.memref_squeeze %dma_start3A_247 : memref<1x120xi32, #tpu.memory_space<vmem>> -> memref<120xi32, #tpu.memory_space<vmem>>
      %dma_start3A_249 = arith.constant 0 : i32
      %dma_start3A_250 = arith.constant 0 : i32
      %dma_start3A_251 = tpu.memref_slice %arg8[%dma_start3A_249, %dma_start3A_250] : memref<10240x128xf32, #tpu.memory_space<vmem_shared>> -> memref<10240x128xf32, #tpu.memory_space<vmem_shared>>
      tpu.enqueue_indirect_dma source(%dma_start3A_245 : memref<120x128xf32, #tpu.memory_space<vmem>>) target(%dma_start3A_251 : memref<10240x128xf32, #tpu.memory_space<vmem_shared>>) offsets(%dma_start3A_248 : memref<120xi32, #tpu.memory_space<vmem>>) semaphore(%run_scoped3A_241 : memref<!tpu.dma_semaphore, #tpu.memory_space<semaphore_mem>>) {add = true}
      %dma_wait3A_252 = arith.constant 0 : i32
      %dma_wait3A_253 = arith.constant 0 : i32
      %dma_wait3A_254 = tpu.memref_slice %arg7[%run_scoped3A_103, %dma_wait3A_252, %dma_wait3A_253] : memref<2x120x128xf32, #tpu.memory_space<vmem>> -> memref<1x120x128xf32, #tpu.memory_space<vmem>>
      %dma_wait3A_255 = tpu.memref_squeeze %dma_wait3A_254 : memref<1x120x128xf32, #tpu.memory_space<vmem>> -> memref<120x128xf32, #tpu.memory_space<vmem>>
      %dma_wait3A_256 = arith.constant 0 : i32
      %dma_wait3A_257 = tpu.memref_slice %arg6[%run_scoped3A_104, %dma_wait3A_256] : memref<8x120xi32, #tpu.memory_space<vmem>> -> memref<1x120xi32, #tpu.memory_space<vmem>>
      %dma_wait3A_258 = tpu.memref_squeeze %dma_wait3A_257 : memref<1x120xi32, #tpu.memory_space<vmem>> -> memref<120xi32, #tpu.memory_space<vmem>>
      %dma_wait3A_259 = arith.constant 0 : i32
      %dma_wait3A_260 = arith.constant 0 : i32
      %dma_wait3A_261 = tpu.memref_slice %arg8[%dma_wait3A_259, %dma_wait3A_260] : memref<10240x128xf32, #tpu.memory_space<vmem_shared>> -> memref<10240x128xf32, #tpu.memory_space<vmem_shared>>
      tpu.wait_indirect_dma semaphore(%run_scoped3A_241 : memref<!tpu.dma_semaphore, #tpu.memory_space<semaphore_mem>>) src(%dma_wait3A_255 : memref<120x128xf32, #tpu.memory_space<vmem>>) dst(%dma_wait3A_261 : memref<10240x128xf32, #tpu.memory_space<vmem_shared>>)
      tpu.yield
    }) : () -> ()
    %add3A_105 = arith.constant 480 : i32
    %add3A_106 = arith.addi %mul3A_4, %add3A_105 : i32
    %dma_start3A_107 = arith.constant 0 : i32
    %dma_start3A_108 = arith.constant 0 : i32
    %dma_start3A_109 = arith.constant 0 : i32
    %dma_start3A_110 = tpu.memref_slice %arg7[%dma_start3A_107, %dma_start3A_108, %dma_start3A_109] : memref<2x120x128xf32, #tpu.memory_space<vmem>> -> memref<1x120x128xf32, #tpu.memory_space<vmem>>
    %dma_start3A_111 = tpu.memref_squeeze %dma_start3A_110 : memref<1x120x128xf32, #tpu.memory_space<vmem>> -> memref<120x128xf32, #tpu.memory_space<vmem>>
    %dma_start3A_112 = arith.constant 0 : i32
    %dma_start3A_113 = tpu.memref_slice %arg2[%add3A_106, %dma_start3A_112] : memref<30720x128xf32, #tpu.memory_space<hbm>> -> memref<120x128xf32, #tpu.memory_space<hbm>>
    %dma_start3A_114 = arith.constant 0 : i32
    %dma_start3A_115 = arith.constant 0 : i32
    %dma_start3A_116 = tpu.memref_slice %arg7[%dma_start3A_107, %dma_start3A_114, %dma_start3A_115] : memref<2x120x128xf32, #tpu.memory_space<vmem>> -> memref<1x120x128xf32, #tpu.memory_space<vmem>>
    %dma_start3A_117 = tpu.memref_squeeze %dma_start3A_116 : memref<1x120x128xf32, #tpu.memory_space<vmem>> -> memref<120x128xf32, #tpu.memory_space<vmem>>
    %dma_start3A_118 = arith.constant 0 : i32
    %dma_start3A_119 = tpu.memref_slice %arg2[%add3A_106, %dma_start3A_118] : memref<30720x128xf32, #tpu.memory_space<hbm>> -> memref<120x128xf32, #tpu.memory_space<hbm>>
    tpu.enqueue_dma source(%dma_start3A_119 : memref<120x128xf32, #tpu.memory_space<hbm>>) target(%dma_start3A_117 : memref<120x128xf32, #tpu.memory_space<vmem>>) target_semaphore(%arg9 : memref<!tpu.dma_semaphore, #tpu.memory_space<semaphore_mem>>)
    %dma_wait3A_120 = arith.constant 1 : i32
    %dma_wait3A_121 = arith.constant 0 : i32
    %dma_wait3A_122 = arith.constant 0 : i32
    %dma_wait3A_123 = tpu.memref_slice %arg7[%dma_wait3A_120, %dma_wait3A_121, %dma_wait3A_122] : memref<2x120x128xf32, #tpu.memory_space<vmem>> -> memref<1x120x128xf32, #tpu.memory_space<vmem>>
    %dma_wait3A_124 = tpu.memref_squeeze %dma_wait3A_123 : memref<1x120x128xf32, #tpu.memory_space<vmem>> -> memref<120x128xf32, #tpu.memory_space<vmem>>
    %dma_wait3A_125 = arith.constant 0 : i32
    %dma_wait3A_126 = tpu.memref_slice %arg2[%add3A_76, %dma_wait3A_125] : memref<30720x128xf32, #tpu.memory_space<hbm>> -> memref<120x128xf32, #tpu.memory_space<hbm>>
    %dma_wait3A_127 = arith.constant 0 : i32
    %dma_wait3A_128 = arith.constant 0 : i32
    %dma_wait3A_129 = tpu.memref_slice %arg7[%dma_wait3A_120, %dma_wait3A_127, %dma_wait3A_128] : memref<2x120x128xf32, #tpu.memory_space<vmem>> -> memref<1x120x128xf32, #tpu.memory_space<vmem>>
    %dma_wait3A_130 = tpu.memref_squeeze %dma_wait3A_129 : memref<1x120x128xf32, #tpu.memory_space<vmem>> -> memref<120x128xf32, #tpu.memory_space<vmem>>
    %dma_wait3A_131 = arith.constant 0 : i32
    %dma_wait3A_132 = tpu.memref_slice %arg2[%add3A_76, %dma_wait3A_131] : memref<30720x128xf32, #tpu.memory_space<hbm>> -> memref<120x128xf32, #tpu.memory_space<hbm>>
    tpu.wait_dma2 semaphore(%arg10 : memref<!tpu.dma_semaphore, #tpu.memory_space<semaphore_mem>>) src(%dma_wait3A_132 : memref<120x128xf32, #tpu.memory_space<hbm>>) dst(%dma_wait3A_130 : memref<120x128xf32, #tpu.memory_space<vmem>>)
    %run_scoped3A_133 = arith.constant 1 : i32
    %run_scoped3A_134 = arith.constant 3 : i32
    "tpu.region"() ({
      %run_scoped3A_241 = tpu.sem_alloc : memref<!tpu.dma_semaphore, #tpu.memory_space<semaphore_mem>>
      %dma_start3A_242 = arith.constant 0 : i32
      %dma_start3A_243 = arith.constant 0 : i32
      %dma_start3A_244 = tpu.memref_slice %arg7[%run_scoped3A_133, %dma_start3A_242, %dma_start3A_243] : memref<2x120x128xf32, #tpu.memory_space<vmem>> -> memref<1x120x128xf32, #tpu.memory_space<vmem>>
      %dma_start3A_245 = tpu.memref_squeeze %dma_start3A_244 : memref<1x120x128xf32, #tpu.memory_space<vmem>> -> memref<120x128xf32, #tpu.memory_space<vmem>>
      %dma_start3A_246 = arith.constant 0 : i32
      %dma_start3A_247 = tpu.memref_slice %arg6[%run_scoped3A_134, %dma_start3A_246] : memref<8x120xi32, #tpu.memory_space<vmem>> -> memref<1x120xi32, #tpu.memory_space<vmem>>
      %dma_start3A_248 = tpu.memref_squeeze %dma_start3A_247 : memref<1x120xi32, #tpu.memory_space<vmem>> -> memref<120xi32, #tpu.memory_space<vmem>>
      %dma_start3A_249 = arith.constant 0 : i32
      %dma_start3A_250 = arith.constant 0 : i32
      %dma_start3A_251 = tpu.memref_slice %arg8[%dma_start3A_249, %dma_start3A_250] : memref<10240x128xf32, #tpu.memory_space<vmem_shared>> -> memref<10240x128xf32, #tpu.memory_space<vmem_shared>>
      tpu.enqueue_indirect_dma source(%dma_start3A_245 : memref<120x128xf32, #tpu.memory_space<vmem>>) target(%dma_start3A_251 : memref<10240x128xf32, #tpu.memory_space<vmem_shared>>) offsets(%dma_start3A_248 : memref<120xi32, #tpu.memory_space<vmem>>) semaphore(%run_scoped3A_241 : memref<!tpu.dma_semaphore, #tpu.memory_space<semaphore_mem>>) {add = true}
      %dma_wait3A_252 = arith.constant 0 : i32
      %dma_wait3A_253 = arith.constant 0 : i32
      %dma_wait3A_254 = tpu.memref_slice %arg7[%run_scoped3A_133, %dma_wait3A_252, %dma_wait3A_253] : memref<2x120x128xf32, #tpu.memory_space<vmem>> -> memref<1x120x128xf32, #tpu.memory_space<vmem>>
      %dma_wait3A_255 = tpu.memref_squeeze %dma_wait3A_254 : memref<1x120x128xf32, #tpu.memory_space<vmem>> -> memref<120x128xf32, #tpu.memory_space<vmem>>
      %dma_wait3A_256 = arith.constant 0 : i32
      %dma_wait3A_257 = tpu.memref_slice %arg6[%run_scoped3A_134, %dma_wait3A_256] : memref<8x120xi32, #tpu.memory_space<vmem>> -> memref<1x120xi32, #tpu.memory_space<vmem>>
      %dma_wait3A_258 = tpu.memref_squeeze %dma_wait3A_257 : memref<1x120xi32, #tpu.memory_space<vmem>> -> memref<120xi32, #tpu.memory_space<vmem>>
      %dma_wait3A_259 = arith.constant 0 : i32
      %dma_wait3A_260 = arith.constant 0 : i32
      %dma_wait3A_261 = tpu.memref_slice %arg8[%dma_wait3A_259, %dma_wait3A_260] : memref<10240x128xf32, #tpu.memory_space<vmem_shared>> -> memref<10240x128xf32, #tpu.memory_space<vmem_shared>>
      tpu.wait_indirect_dma semaphore(%run_scoped3A_241 : memref<!tpu.dma_semaphore, #tpu.memory_space<semaphore_mem>>) src(%dma_wait3A_255 : memref<120x128xf32, #tpu.memory_space<vmem>>) dst(%dma_wait3A_261 : memref<10240x128xf32, #tpu.memory_space<vmem_shared>>)
      tpu.yield
    }) : () -> ()
    %add3A_135 = arith.constant 600 : i32
    %add3A_136 = arith.addi %mul3A_4, %add3A_135 : i32
    %dma_start3A_137 = arith.constant 1 : i32
    %dma_start3A_138 = arith.constant 0 : i32
    %dma_start3A_139 = arith.constant 0 : i32
    %dma_start3A_140 = tpu.memref_slice %arg7[%dma_start3A_137, %dma_start3A_138, %dma_start3A_139] : memref<2x120x128xf32, #tpu.memory_space<vmem>> -> memref<1x120x128xf32, #tpu.memory_space<vmem>>
    %dma_start3A_141 = tpu.memref_squeeze %dma_start3A_140 : memref<1x120x128xf32, #tpu.memory_space<vmem>> -> memref<120x128xf32, #tpu.memory_space<vmem>>
    %dma_start3A_142 = arith.constant 0 : i32
    %dma_start3A_143 = tpu.memref_slice %arg2[%add3A_136, %dma_start3A_142] : memref<30720x128xf32, #tpu.memory_space<hbm>> -> memref<120x128xf32, #tpu.memory_space<hbm>>
    %dma_start3A_144 = arith.constant 0 : i32
    %dma_start3A_145 = arith.constant 0 : i32
    %dma_start3A_146 = tpu.memref_slice %arg7[%dma_start3A_137, %dma_start3A_144, %dma_start3A_145] : memref<2x120x128xf32, #tpu.memory_space<vmem>> -> memref<1x120x128xf32, #tpu.memory_space<vmem>>
    %dma_start3A_147 = tpu.memref_squeeze %dma_start3A_146 : memref<1x120x128xf32, #tpu.memory_space<vmem>> -> memref<120x128xf32, #tpu.memory_space<vmem>>
    %dma_start3A_148 = arith.constant 0 : i32
    %dma_start3A_149 = tpu.memref_slice %arg2[%add3A_136, %dma_start3A_148] : memref<30720x128xf32, #tpu.memory_space<hbm>> -> memref<120x128xf32, #tpu.memory_space<hbm>>
    tpu.enqueue_dma source(%dma_start3A_149 : memref<120x128xf32, #tpu.memory_space<hbm>>) target(%dma_start3A_147 : memref<120x128xf32, #tpu.memory_space<vmem>>) target_semaphore(%arg10 : memref<!tpu.dma_semaphore, #tpu.memory_space<semaphore_mem>>)
    %dma_wait3A_150 = arith.constant 0 : i32
    %dma_wait3A_151 = arith.constant 0 : i32
    %dma_wait3A_152 = arith.constant 0 : i32
    %dma_wait3A_153 = tpu.memref_slice %arg7[%dma_wait3A_150, %dma_wait3A_151, %dma_wait3A_152] : memref<2x120x128xf32, #tpu.memory_space<vmem>> -> memref<1x120x128xf32, #tpu.memory_space<vmem>>
    %dma_wait3A_154 = tpu.memref_squeeze %dma_wait3A_153 : memref<1x120x128xf32, #tpu.memory_space<vmem>> -> memref<120x128xf32, #tpu.memory_space<vmem>>
    %dma_wait3A_155 = arith.constant 0 : i32
    %dma_wait3A_156 = tpu.memref_slice %arg2[%add3A_106, %dma_wait3A_155] : memref<30720x128xf32, #tpu.memory_space<hbm>> -> memref<120x128xf32, #tpu.memory_space<hbm>>
    %dma_wait3A_157 = arith.constant 0 : i32
    %dma_wait3A_158 = arith.constant 0 : i32
    %dma_wait3A_159 = tpu.memref_slice %arg7[%dma_wait3A_150, %dma_wait3A_157, %dma_wait3A_158] : memref<2x120x128xf32, #tpu.memory_space<vmem>> -> memref<1x120x128xf32, #tpu.memory_space<vmem>>
    %dma_wait3A_160 = tpu.memref_squeeze %dma_wait3A_159 : memref<1x120x128xf32, #tpu.memory_space<vmem>> -> memref<120x128xf32, #tpu.memory_space<vmem>>
    %dma_wait3A_161 = arith.constant 0 : i32
    %dma_wait3A_162 = tpu.memref_slice %arg2[%add3A_106, %dma_wait3A_161] : memref<30720x128xf32, #tpu.memory_space<hbm>> -> memref<120x128xf32, #tpu.memory_space<hbm>>
    tpu.wait_dma2 semaphore(%arg9 : memref<!tpu.dma_semaphore, #tpu.memory_space<semaphore_mem>>) src(%dma_wait3A_162 : memref<120x128xf32, #tpu.memory_space<hbm>>) dst(%dma_wait3A_160 : memref<120x128xf32, #tpu.memory_space<vmem>>)
    %run_scoped3A_163 = arith.constant 0 : i32
    %run_scoped3A_164 = arith.constant 4 : i32
    "tpu.region"() ({
      %run_scoped3A_241 = tpu.sem_alloc : memref<!tpu.dma_semaphore, #tpu.memory_space<semaphore_mem>>
      %dma_start3A_242 = arith.constant 0 : i32
      %dma_start3A_243 = arith.constant 0 : i32
      %dma_start3A_244 = tpu.memref_slice %arg7[%run_scoped3A_163, %dma_start3A_242, %dma_start3A_243] : memref<2x120x128xf32, #tpu.memory_space<vmem>> -> memref<1x120x128xf32, #tpu.memory_space<vmem>>
      %dma_start3A_245 = tpu.memref_squeeze %dma_start3A_244 : memref<1x120x128xf32, #tpu.memory_space<vmem>> -> memref<120x128xf32, #tpu.memory_space<vmem>>
      %dma_start3A_246 = arith.constant 0 : i32
      %dma_start3A_247 = tpu.memref_slice %arg6[%run_scoped3A_164, %dma_start3A_246] : memref<8x120xi32, #tpu.memory_space<vmem>> -> memref<1x120xi32, #tpu.memory_space<vmem>>
      %dma_start3A_248 = tpu.memref_squeeze %dma_start3A_247 : memref<1x120xi32, #tpu.memory_space<vmem>> -> memref<120xi32, #tpu.memory_space<vmem>>
      %dma_start3A_249 = arith.constant 0 : i32
      %dma_start3A_250 = arith.constant 0 : i32
      %dma_start3A_251 = tpu.memref_slice %arg8[%dma_start3A_249, %dma_start3A_250] : memref<10240x128xf32, #tpu.memory_space<vmem_shared>> -> memref<10240x128xf32, #tpu.memory_space<vmem_shared>>
      tpu.enqueue_indirect_dma source(%dma_start3A_245 : memref<120x128xf32, #tpu.memory_space<vmem>>) target(%dma_start3A_251 : memref<10240x128xf32, #tpu.memory_space<vmem_shared>>) offsets(%dma_start3A_248 : memref<120xi32, #tpu.memory_space<vmem>>) semaphore(%run_scoped3A_241 : memref<!tpu.dma_semaphore, #tpu.memory_space<semaphore_mem>>) {add = true}
      %dma_wait3A_252 = arith.constant 0 : i32
      %dma_wait3A_253 = arith.constant 0 : i32
      %dma_wait3A_254 = tpu.memref_slice %arg7[%run_scoped3A_163, %dma_wait3A_252, %dma_wait3A_253] : memref<2x120x128xf32, #tpu.memory_space<vmem>> -> memref<1x120x128xf32, #tpu.memory_space<vmem>>
      %dma_wait3A_255 = tpu.memref_squeeze %dma_wait3A_254 : memref<1x120x128xf32, #tpu.memory_space<vmem>> -> memref<120x128xf32, #tpu.memory_space<vmem>>
      %dma_wait3A_256 = arith.constant 0 : i32
      %dma_wait3A_257 = tpu.memref_slice %arg6[%run_scoped3A_164, %dma_wait3A_256] : memref<8x120xi32, #tpu.memory_space<vmem>> -> memref<1x120xi32, #tpu.memory_space<vmem>>
      %dma_wait3A_258 = tpu.memref_squeeze %dma_wait3A_257 : memref<1x120xi32, #tpu.memory_space<vmem>> -> memref<120xi32, #tpu.memory_space<vmem>>
      %dma_wait3A_259 = arith.constant 0 : i32
      %dma_wait3A_260 = arith.constant 0 : i32
      %dma_wait3A_261 = tpu.memref_slice %arg8[%dma_wait3A_259, %dma_wait3A_260] : memref<10240x128xf32, #tpu.memory_space<vmem_shared>> -> memref<10240x128xf32, #tpu.memory_space<vmem_shared>>
      tpu.wait_indirect_dma semaphore(%run_scoped3A_241 : memref<!tpu.dma_semaphore, #tpu.memory_space<semaphore_mem>>) src(%dma_wait3A_255 : memref<120x128xf32, #tpu.memory_space<vmem>>) dst(%dma_wait3A_261 : memref<10240x128xf32, #tpu.memory_space<vmem_shared>>)
      tpu.yield
    }) : () -> ()
    %add3A_165 = arith.constant 720 : i32
    %add3A_166 = arith.addi %mul3A_4, %add3A_165 : i32
    %dma_start3A_167 = arith.constant 0 : i32
    %dma_start3A_168 = arith.constant 0 : i32
    %dma_start3A_169 = arith.constant 0 : i32
    %dma_start3A_170 = tpu.memref_slice %arg7[%dma_start3A_167, %dma_start3A_168, %dma_start3A_169] : memref<2x120x128xf32, #tpu.memory_space<vmem>> -> memref<1x120x128xf32, #tpu.memory_space<vmem>>
    %dma_start3A_171 = tpu.memref_squeeze %dma_start3A_170 : memref<1x120x128xf32, #tpu.memory_space<vmem>> -> memref<120x128xf32, #tpu.memory_space<vmem>>
    %dma_start3A_172 = arith.constant 0 : i32
    %dma_start3A_173 = tpu.memref_slice %arg2[%add3A_166, %dma_start3A_172] : memref<30720x128xf32, #tpu.memory_space<hbm>> -> memref<120x128xf32, #tpu.memory_space<hbm>>
    %dma_start3A_174 = arith.constant 0 : i32
    %dma_start3A_175 = arith.constant 0 : i32
    %dma_start3A_176 = tpu.memref_slice %arg7[%dma_start3A_167, %dma_start3A_174, %dma_start3A_175] : memref<2x120x128xf32, #tpu.memory_space<vmem>> -> memref<1x120x128xf32, #tpu.memory_space<vmem>>
    %dma_start3A_177 = tpu.memref_squeeze %dma_start3A_176 : memref<1x120x128xf32, #tpu.memory_space<vmem>> -> memref<120x128xf32, #tpu.memory_space<vmem>>
    %dma_start3A_178 = arith.constant 0 : i32
    %dma_start3A_179 = tpu.memref_slice %arg2[%add3A_166, %dma_start3A_178] : memref<30720x128xf32, #tpu.memory_space<hbm>> -> memref<120x128xf32, #tpu.memory_space<hbm>>
    tpu.enqueue_dma source(%dma_start3A_179 : memref<120x128xf32, #tpu.memory_space<hbm>>) target(%dma_start3A_177 : memref<120x128xf32, #tpu.memory_space<vmem>>) target_semaphore(%arg9 : memref<!tpu.dma_semaphore, #tpu.memory_space<semaphore_mem>>)
    %dma_wait3A_180 = arith.constant 1 : i32
    %dma_wait3A_181 = arith.constant 0 : i32
    %dma_wait3A_182 = arith.constant 0 : i32
    %dma_wait3A_183 = tpu.memref_slice %arg7[%dma_wait3A_180, %dma_wait3A_181, %dma_wait3A_182] : memref<2x120x128xf32, #tpu.memory_space<vmem>> -> memref<1x120x128xf32, #tpu.memory_space<vmem>>
    %dma_wait3A_184 = tpu.memref_squeeze %dma_wait3A_183 : memref<1x120x128xf32, #tpu.memory_space<vmem>> -> memref<120x128xf32, #tpu.memory_space<vmem>>
    %dma_wait3A_185 = arith.constant 0 : i32
    %dma_wait3A_186 = tpu.memref_slice %arg2[%add3A_136, %dma_wait3A_185] : memref<30720x128xf32, #tpu.memory_space<hbm>> -> memref<120x128xf32, #tpu.memory_space<hbm>>
    %dma_wait3A_187 = arith.constant 0 : i32
    %dma_wait3A_188 = arith.constant 0 : i32
    %dma_wait3A_189 = tpu.memref_slice %arg7[%dma_wait3A_180, %dma_wait3A_187, %dma_wait3A_188] : memref<2x120x128xf32, #tpu.memory_space<vmem>> -> memref<1x120x128xf32, #tpu.memory_space<vmem>>
    %dma_wait3A_190 = tpu.memref_squeeze %dma_wait3A_189 : memref<1x120x128xf32, #tpu.memory_space<vmem>> -> memref<120x128xf32, #tpu.memory_space<vmem>>
    %dma_wait3A_191 = arith.constant 0 : i32
    %dma_wait3A_192 = tpu.memref_slice %arg2[%add3A_136, %dma_wait3A_191] : memref<30720x128xf32, #tpu.memory_space<hbm>> -> memref<120x128xf32, #tpu.memory_space<hbm>>
    tpu.wait_dma2 semaphore(%arg10 : memref<!tpu.dma_semaphore, #tpu.memory_space<semaphore_mem>>) src(%dma_wait3A_192 : memref<120x128xf32, #tpu.memory_space<hbm>>) dst(%dma_wait3A_190 : memref<120x128xf32, #tpu.memory_space<vmem>>)
    %run_scoped3A_193 = arith.constant 1 : i32
    %run_scoped3A_194 = arith.constant 5 : i32
    "tpu.region"() ({
      %run_scoped3A_241 = tpu.sem_alloc : memref<!tpu.dma_semaphore, #tpu.memory_space<semaphore_mem>>
      %dma_start3A_242 = arith.constant 0 : i32
      %dma_start3A_243 = arith.constant 0 : i32
      %dma_start3A_244 = tpu.memref_slice %arg7[%run_scoped3A_193, %dma_start3A_242, %dma_start3A_243] : memref<2x120x128xf32, #tpu.memory_space<vmem>> -> memref<1x120x128xf32, #tpu.memory_space<vmem>>
      %dma_start3A_245 = tpu.memref_squeeze %dma_start3A_244 : memref<1x120x128xf32, #tpu.memory_space<vmem>> -> memref<120x128xf32, #tpu.memory_space<vmem>>
      %dma_start3A_246 = arith.constant 0 : i32
      %dma_start3A_247 = tpu.memref_slice %arg6[%run_scoped3A_194, %dma_start3A_246] : memref<8x120xi32, #tpu.memory_space<vmem>> -> memref<1x120xi32, #tpu.memory_space<vmem>>
      %dma_start3A_248 = tpu.memref_squeeze %dma_start3A_247 : memref<1x120xi32, #tpu.memory_space<vmem>> -> memref<120xi32, #tpu.memory_space<vmem>>
      %dma_start3A_249 = arith.constant 0 : i32
      %dma_start3A_250 = arith.constant 0 : i32
      %dma_start3A_251 = tpu.memref_slice %arg8[%dma_start3A_249, %dma_start3A_250] : memref<10240x128xf32, #tpu.memory_space<vmem_shared>> -> memref<10240x128xf32, #tpu.memory_space<vmem_shared>>
      tpu.enqueue_indirect_dma source(%dma_start3A_245 : memref<120x128xf32, #tpu.memory_space<vmem>>) target(%dma_start3A_251 : memref<10240x128xf32, #tpu.memory_space<vmem_shared>>) offsets(%dma_start3A_248 : memref<120xi32, #tpu.memory_space<vmem>>) semaphore(%run_scoped3A_241 : memref<!tpu.dma_semaphore, #tpu.memory_space<semaphore_mem>>) {add = true}
      %dma_wait3A_252 = arith.constant 0 : i32
      %dma_wait3A_253 = arith.constant 0 : i32
      %dma_wait3A_254 = tpu.memref_slice %arg7[%run_scoped3A_193, %dma_wait3A_252, %dma_wait3A_253] : memref<2x120x128xf32, #tpu.memory_space<vmem>> -> memref<1x120x128xf32, #tpu.memory_space<vmem>>
      %dma_wait3A_255 = tpu.memref_squeeze %dma_wait3A_254 : memref<1x120x128xf32, #tpu.memory_space<vmem>> -> memref<120x128xf32, #tpu.memory_space<vmem>>
      %dma_wait3A_256 = arith.constant 0 : i32
      %dma_wait3A_257 = tpu.memref_slice %arg6[%run_scoped3A_194, %dma_wait3A_256] : memref<8x120xi32, #tpu.memory_space<vmem>> -> memref<1x120xi32, #tpu.memory_space<vmem>>
      %dma_wait3A_258 = tpu.memref_squeeze %dma_wait3A_257 : memref<1x120xi32, #tpu.memory_space<vmem>> -> memref<120xi32, #tpu.memory_space<vmem>>
      %dma_wait3A_259 = arith.constant 0 : i32
      %dma_wait3A_260 = arith.constant 0 : i32
      %dma_wait3A_261 = tpu.memref_slice %arg8[%dma_wait3A_259, %dma_wait3A_260] : memref<10240x128xf32, #tpu.memory_space<vmem_shared>> -> memref<10240x128xf32, #tpu.memory_space<vmem_shared>>
      tpu.wait_indirect_dma semaphore(%run_scoped3A_241 : memref<!tpu.dma_semaphore, #tpu.memory_space<semaphore_mem>>) src(%dma_wait3A_255 : memref<120x128xf32, #tpu.memory_space<vmem>>) dst(%dma_wait3A_261 : memref<10240x128xf32, #tpu.memory_space<vmem_shared>>)
      tpu.yield
    }) : () -> ()
    %add3A_195 = arith.constant 840 : i32
    %add3A_196 = arith.addi %mul3A_4, %add3A_195 : i32
    %dma_start3A_197 = arith.constant 1 : i32
    %dma_start3A_198 = arith.constant 0 : i32
    %dma_start3A_199 = arith.constant 0 : i32
    %dma_start3A_200 = tpu.memref_slice %arg7[%dma_start3A_197, %dma_start3A_198, %dma_start3A_199] : memref<2x120x128xf32, #tpu.memory_space<vmem>> -> memref<1x120x128xf32, #tpu.memory_space<vmem>>
    %dma_start3A_201 = tpu.memref_squeeze %dma_start3A_200 : memref<1x120x128xf32, #tpu.memory_space<vmem>> -> memref<120x128xf32, #tpu.memory_space<vmem>>
    %dma_start3A_202 = arith.constant 0 : i32
    %dma_start3A_203 = tpu.memref_slice %arg2[%add3A_196, %dma_start3A_202] : memref<30720x128xf32, #tpu.memory_space<hbm>> -> memref<120x128xf32, #tpu.memory_space<hbm>>
    %dma_start3A_204 = arith.constant 0 : i32
    %dma_start3A_205 = arith.constant 0 : i32
    %dma_start3A_206 = tpu.memref_slice %arg7[%dma_start3A_197, %dma_start3A_204, %dma_start3A_205] : memref<2x120x128xf32, #tpu.memory_space<vmem>> -> memref<1x120x128xf32, #tpu.memory_space<vmem>>
    %dma_start3A_207 = tpu.memref_squeeze %dma_start3A_206 : memref<1x120x128xf32, #tpu.memory_space<vmem>> -> memref<120x128xf32, #tpu.memory_space<vmem>>
    %dma_start3A_208 = arith.constant 0 : i32
    %dma_start3A_209 = tpu.memref_slice %arg2[%add3A_196, %dma_start3A_208] : memref<30720x128xf32, #tpu.memory_space<hbm>> -> memref<120x128xf32, #tpu.memory_space<hbm>>
    tpu.enqueue_dma source(%dma_start3A_209 : memref<120x128xf32, #tpu.memory_space<hbm>>) target(%dma_start3A_207 : memref<120x128xf32, #tpu.memory_space<vmem>>) target_semaphore(%arg10 : memref<!tpu.dma_semaphore, #tpu.memory_space<semaphore_mem>>)
    %dma_wait3A_210 = arith.constant 0 : i32
    %dma_wait3A_211 = arith.constant 0 : i32
    %dma_wait3A_212 = arith.constant 0 : i32
    %dma_wait3A_213 = tpu.memref_slice %arg7[%dma_wait3A_210, %dma_wait3A_211, %dma_wait3A_212] : memref<2x120x128xf32, #tpu.memory_space<vmem>> -> memref<1x120x128xf32, #tpu.memory_space<vmem>>
    %dma_wait3A_214 = tpu.memref_squeeze %dma_wait3A_213 : memref<1x120x128xf32, #tpu.memory_space<vmem>> -> memref<120x128xf32, #tpu.memory_space<vmem>>
    %dma_wait3A_215 = arith.constant 0 : i32
    %dma_wait3A_216 = tpu.memref_slice %arg2[%add3A_166, %dma_wait3A_215] : memref<30720x128xf32, #tpu.memory_space<hbm>> -> memref<120x128xf32, #tpu.memory_space<hbm>>
    %dma_wait3A_217 = arith.constant 0 : i32
    %dma_wait3A_218 = arith.constant 0 : i32
    %dma_wait3A_219 = tpu.memref_slice %arg7[%dma_wait3A_210, %dma_wait3A_217, %dma_wait3A_218] : memref<2x120x128xf32, #tpu.memory_space<vmem>> -> memref<1x120x128xf32, #tpu.memory_space<vmem>>
    %dma_wait3A_220 = tpu.memref_squeeze %dma_wait3A_219 : memref<1x120x128xf32, #tpu.memory_space<vmem>> -> memref<120x128xf32, #tpu.memory_space<vmem>>
    %dma_wait3A_221 = arith.constant 0 : i32
    %dma_wait3A_222 = tpu.memref_slice %arg2[%add3A_166, %dma_wait3A_221] : memref<30720x128xf32, #tpu.memory_space<hbm>> -> memref<120x128xf32, #tpu.memory_space<hbm>>
    tpu.wait_dma2 semaphore(%arg9 : memref<!tpu.dma_semaphore, #tpu.memory_space<semaphore_mem>>) src(%dma_wait3A_222 : memref<120x128xf32, #tpu.memory_space<hbm>>) dst(%dma_wait3A_220 : memref<120x128xf32, #tpu.memory_space<vmem>>)
    %run_scoped3A_223 = arith.constant 0 : i32
    %run_scoped3A_224 = arith.constant 6 : i32
    "tpu.region"() ({
      %run_scoped3A_241 = tpu.sem_alloc : memref<!tpu.dma_semaphore, #tpu.memory_space<semaphore_mem>>
      %dma_start3A_242 = arith.constant 0 : i32
      %dma_start3A_243 = arith.constant 0 : i32
      %dma_start3A_244 = tpu.memref_slice %arg7[%run_scoped3A_223, %dma_start3A_242, %dma_start3A_243] : memref<2x120x128xf32, #tpu.memory_space<vmem>> -> memref<1x120x128xf32, #tpu.memory_space<vmem>>
      %dma_start3A_245 = tpu.memref_squeeze %dma_start3A_244 : memref<1x120x128xf32, #tpu.memory_space<vmem>> -> memref<120x128xf32, #tpu.memory_space<vmem>>
      %dma_start3A_246 = arith.constant 0 : i32
      %dma_start3A_247 = tpu.memref_slice %arg6[%run_scoped3A_224, %dma_start3A_246] : memref<8x120xi32, #tpu.memory_space<vmem>> -> memref<1x120xi32, #tpu.memory_space<vmem>>
      %dma_start3A_248 = tpu.memref_squeeze %dma_start3A_247 : memref<1x120xi32, #tpu.memory_space<vmem>> -> memref<120xi32, #tpu.memory_space<vmem>>
      %dma_start3A_249 = arith.constant 0 : i32
      %dma_start3A_250 = arith.constant 0 : i32
      %dma_start3A_251 = tpu.memref_slice %arg8[%dma_start3A_249, %dma_start3A_250] : memref<10240x128xf32, #tpu.memory_space<vmem_shared>> -> memref<10240x128xf32, #tpu.memory_space<vmem_shared>>
      tpu.enqueue_indirect_dma source(%dma_start3A_245 : memref<120x128xf32, #tpu.memory_space<vmem>>) target(%dma_start3A_251 : memref<10240x128xf32, #tpu.memory_space<vmem_shared>>) offsets(%dma_start3A_248 : memref<120xi32, #tpu.memory_space<vmem>>) semaphore(%run_scoped3A_241 : memref<!tpu.dma_semaphore, #tpu.memory_space<semaphore_mem>>) {add = true}
      %dma_wait3A_252 = arith.constant 0 : i32
      %dma_wait3A_253 = arith.constant 0 : i32
      %dma_wait3A_254 = tpu.memref_slice %arg7[%run_scoped3A_223, %dma_wait3A_252, %dma_wait3A_253] : memref<2x120x128xf32, #tpu.memory_space<vmem>> -> memref<1x120x128xf32, #tpu.memory_space<vmem>>
      %dma_wait3A_255 = tpu.memref_squeeze %dma_wait3A_254 : memref<1x120x128xf32, #tpu.memory_space<vmem>> -> memref<120x128xf32, #tpu.memory_space<vmem>>
      %dma_wait3A_256 = arith.constant 0 : i32
      %dma_wait3A_257 = tpu.memref_slice %arg6[%run_scoped3A_224, %dma_wait3A_256] : memref<8x120xi32, #tpu.memory_space<vmem>> -> memref<1x120xi32, #tpu.memory_space<vmem>>
      %dma_wait3A_258 = tpu.memref_squeeze %dma_wait3A_257 : memref<1x120xi32, #tpu.memory_space<vmem>> -> memref<120xi32, #tpu.memory_space<vmem>>
      %dma_wait3A_259 = arith.constant 0 : i32
      %dma_wait3A_260 = arith.constant 0 : i32
      %dma_wait3A_261 = tpu.memref_slice %arg8[%dma_wait3A_259, %dma_wait3A_260] : memref<10240x128xf32, #tpu.memory_space<vmem_shared>> -> memref<10240x128xf32, #tpu.memory_space<vmem_shared>>
      tpu.wait_indirect_dma semaphore(%run_scoped3A_241 : memref<!tpu.dma_semaphore, #tpu.memory_space<semaphore_mem>>) src(%dma_wait3A_255 : memref<120x128xf32, #tpu.memory_space<vmem>>) dst(%dma_wait3A_261 : memref<10240x128xf32, #tpu.memory_space<vmem_shared>>)
      tpu.yield
    }) : () -> ()
    %dma_wait3A_225 = arith.constant 1 : i32
    %dma_wait3A_226 = arith.constant 0 : i32
    %dma_wait3A_227 = arith.constant 0 : i32
    %dma_wait3A_228 = tpu.memref_slice %arg7[%dma_wait3A_225, %dma_wait3A_226, %dma_wait3A_227] : memref<2x120x128xf32, #tpu.memory_space<vmem>> -> memref<1x120x128xf32, #tpu.memory_space<vmem>>
    %dma_wait3A_229 = tpu.memref_squeeze %dma_wait3A_228 : memref<1x120x128xf32, #tpu.memory_space<vmem>> -> memref<120x128xf32, #tpu.memory_space<vmem>>
    %dma_wait3A_230 = arith.constant 0 : i32
    %dma_wait3A_231 = tpu.memref_slice %arg2[%add3A_196, %dma_wait3A_230] : memref<30720x128xf32, #tpu.memory_space<hbm>> -> memref<120x128xf32, #tpu.memory_space<hbm>>
    %dma_wait3A_232 = arith.constant 0 : i32
    %dma_wait3A_233 = arith.constant 0 : i32
    %dma_wait3A_234 = tpu.memref_slice %arg7[%dma_wait3A_225, %dma_wait3A_232, %dma_wait3A_233] : memref<2x120x128xf32, #tpu.memory_space<vmem>> -> memref<1x120x128xf32, #tpu.memory_space<vmem>>
    %dma_wait3A_235 = tpu.memref_squeeze %dma_wait3A_234 : memref<1x120x128xf32, #tpu.memory_space<vmem>> -> memref<120x128xf32, #tpu.memory_space<vmem>>
    %dma_wait3A_236 = arith.constant 0 : i32
    %dma_wait3A_237 = tpu.memref_slice %arg2[%add3A_196, %dma_wait3A_236] : memref<30720x128xf32, #tpu.memory_space<hbm>> -> memref<120x128xf32, #tpu.memory_space<hbm>>
    tpu.wait_dma2 semaphore(%arg10 : memref<!tpu.dma_semaphore, #tpu.memory_space<semaphore_mem>>) src(%dma_wait3A_237 : memref<120x128xf32, #tpu.memory_space<hbm>>) dst(%dma_wait3A_235 : memref<120x128xf32, #tpu.memory_space<vmem>>)
    %run_scoped3A_238 = arith.constant 1 : i32
    %run_scoped3A_239 = arith.constant 7 : i32
    "tpu.region"() ({
      %run_scoped3A_241 = tpu.sem_alloc : memref<!tpu.dma_semaphore, #tpu.memory_space<semaphore_mem>>
      %dma_start3A_242 = arith.constant 0 : i32
      %dma_start3A_243 = arith.constant 0 : i32
      %dma_start3A_244 = tpu.memref_slice %arg7[%run_scoped3A_238, %dma_start3A_242, %dma_start3A_243] : memref<2x120x128xf32, #tpu.memory_space<vmem>> -> memref<1x120x128xf32, #tpu.memory_space<vmem>>
      %dma_start3A_245 = tpu.memref_squeeze %dma_start3A_244 : memref<1x120x128xf32, #tpu.memory_space<vmem>> -> memref<120x128xf32, #tpu.memory_space<vmem>>
      %dma_start3A_246 = arith.constant 0 : i32
      %dma_start3A_247 = tpu.memref_slice %arg6[%run_scoped3A_239, %dma_start3A_246] : memref<8x120xi32, #tpu.memory_space<vmem>> -> memref<1x120xi32, #tpu.memory_space<vmem>>
      %dma_start3A_248 = tpu.memref_squeeze %dma_start3A_247 : memref<1x120xi32, #tpu.memory_space<vmem>> -> memref<120xi32, #tpu.memory_space<vmem>>
      %dma_start3A_249 = arith.constant 0 : i32
      %dma_start3A_250 = arith.constant 0 : i32
      %dma_start3A_251 = tpu.memref_slice %arg8[%dma_start3A_249, %dma_start3A_250] : memref<10240x128xf32, #tpu.memory_space<vmem_shared>> -> memref<10240x128xf32, #tpu.memory_space<vmem_shared>>
      tpu.enqueue_indirect_dma source(%dma_start3A_245 : memref<120x128xf32, #tpu.memory_space<vmem>>) target(%dma_start3A_251 : memref<10240x128xf32, #tpu.memory_space<vmem_shared>>) offsets(%dma_start3A_248 : memref<120xi32, #tpu.memory_space<vmem>>) semaphore(%run_scoped3A_241 : memref<!tpu.dma_semaphore, #tpu.memory_space<semaphore_mem>>) {add = true}
      %dma_wait3A_252 = arith.constant 0 : i32
      %dma_wait3A_253 = arith.constant 0 : i32
      %dma_wait3A_254 = tpu.memref_slice %arg7[%run_scoped3A_238, %dma_wait3A_252, %dma_wait3A_253] : memref<2x120x128xf32, #tpu.memory_space<vmem>> -> memref<1x120x128xf32, #tpu.memory_space<vmem>>
      %dma_wait3A_255 = tpu.memref_squeeze %dma_wait3A_254 : memref<1x120x128xf32, #tpu.memory_space<vmem>> -> memref<120x128xf32, #tpu.memory_space<vmem>>
      %dma_wait3A_256 = arith.constant 0 : i32
      %dma_wait3A_257 = tpu.memref_slice %arg6[%run_scoped3A_239, %dma_wait3A_256] : memref<8x120xi32, #tpu.memory_space<vmem>> -> memref<1x120xi32, #tpu.memory_space<vmem>>
      %dma_wait3A_258 = tpu.memref_squeeze %dma_wait3A_257 : memref<1x120xi32, #tpu.memory_space<vmem>> -> memref<120xi32, #tpu.memory_space<vmem>>
      %dma_wait3A_259 = arith.constant 0 : i32
      %dma_wait3A_260 = arith.constant 0 : i32
      %dma_wait3A_261 = tpu.memref_slice %arg8[%dma_wait3A_259, %dma_wait3A_260] : memref<10240x128xf32, #tpu.memory_space<vmem_shared>> -> memref<10240x128xf32, #tpu.memory_space<vmem_shared>>
      tpu.wait_indirect_dma semaphore(%run_scoped3A_241 : memref<!tpu.dma_semaphore, #tpu.memory_space<semaphore_mem>>) src(%dma_wait3A_255 : memref<120x128xf32, #tpu.memory_space<vmem>>) dst(%dma_wait3A_261 : memref<10240x128xf32, #tpu.memory_space<vmem_shared>>)
      tpu.yield
    }) : () -> ()
    %barrier3A_240 = arith.constant 0 : index
    tpu.barrier barrier_id(%barrier3A_240)
    "tpu.region"() ({
      %run_scoped3A_241 = tpu.sem_alloc : memref<!tpu.dma_semaphore, #tpu.memory_space<semaphore_mem>>
      %dma_start3A_242 = arith.constant 0 : i32
      %dma_start3A_243 = tpu.memref_slice %arg5[%arg0, %mul3A_2, %dma_start3A_242] : memref<2x10240x128xf32, #tpu.memory_space<hbm>> -> memref<1x640x128xf32, #tpu.memory_space<hbm>>
      %dma_start3A_244 = tpu.memref_squeeze %dma_start3A_243 : memref<1x640x128xf32, #tpu.memory_space<hbm>> -> memref<640x128xf32, #tpu.memory_space<hbm>>
      %dma_start3A_245 = arith.constant 0 : i32
      %dma_start3A_246 = tpu.memref_slice %arg8[%mul3A_2, %dma_start3A_245] : memref<10240x128xf32, #tpu.memory_space<vmem_shared>> -> memref<640x128xf32, #tpu.memory_space<vmem_shared>>
      tpu.enqueue_dma source(%dma_start3A_246 : memref<640x128xf32, #tpu.memory_space<vmem_shared>>) target(%dma_start3A_244 : memref<640x128xf32, #tpu.memory_space<hbm>>) target_semaphore(%run_scoped3A_241 : memref<!tpu.dma_semaphore, #tpu.memory_space<semaphore_mem>>)
      %dma_wait3A_247 = arith.constant 0 : i32
      %dma_wait3A_248 = tpu.memref_slice %arg5[%arg0, %mul3A_2, %dma_wait3A_247] : memref<2x10240x128xf32, #tpu.memory_space<hbm>> -> memref<1x640x128xf32, #tpu.memory_space<hbm>>
      %dma_wait3A_249 = tpu.memref_squeeze %dma_wait3A_248 : memref<1x640x128xf32, #tpu.memory_space<hbm>> -> memref<640x128xf32, #tpu.memory_space<hbm>>
      %dma_wait3A_250 = arith.constant 0 : i32
      %dma_wait3A_251 = tpu.memref_slice %arg8[%mul3A_2, %dma_wait3A_250] : memref<10240x128xf32, #tpu.memory_space<vmem_shared>> -> memref<640x128xf32, #tpu.memory_space<vmem_shared>>
      tpu.wait_dma2 semaphore(%run_scoped3A_241 : memref<!tpu.dma_semaphore, #tpu.memory_space<semaphore_mem>>) src(%dma_wait3A_251 : memref<640x128xf32, #tpu.memory_space<vmem_shared>>) dst(%dma_wait3A_249 : memref<640x128xf32, #tpu.memory_space<hbm>>)
      tpu.yield
    }) : () -> ()
    return
  }
}

#map = affine_map<(d0, d1) -> (0, 0)>
#map1 = affine_map<(d0, d1) -> (0, 0, 0)>
module attributes {stable_mosaic.version = 14 : i64} {
  func.func @gather_k(%arg0: i32, %arg1: i32, %arg2: memref<10000x32xf32, #tpu.memory_space<hbm>>, %arg3: memref<32x2x480xi32, #tpu.memory_space<hbm>>, %arg4: memref<30720x32xf32, #tpu.memory_space<hbm>>, %arg5: memref<2x480xi32, #tpu.memory_space<vmem>>, %arg6: memref<2x480x32xf32, #tpu.memory_space<vmem>>, %arg7: memref<!tpu.dma_semaphore, #tpu.memory_space<semaphore_mem>>, %arg8: memref<!tpu.dma_semaphore, #tpu.memory_space<semaphore_mem>>) attributes {dimension_semantics = [#tpu.dimension_semantics<core_parallel>, #tpu.dimension_semantics<subcore_parallel>], iteration_bounds = array<i64: 2, 16>, scalar_prefetch = 0 : i64, scratch_operands = 4 : i64, tpu.core_type = #tpu.core_type<sc_vector_subcore>, window_params = [{transform_indices = #map}, {transform_indices = #map1}, {transform_indices = #map}]} {
    %mul3A = arith.constant 2 : i32
    %mul3A_0 = arith.muli %arg1, %mul3A : i32
    %add3A = arith.addi %mul3A_0, %arg0 : i32
    %mul3A_1 = arith.constant 960 : i32
    %mul3A_2 = arith.muli %add3A, %mul3A_1 : i32
    "tpu.region"() ({
      %run_scoped3A_52 = tpu.sem_alloc : memref<!tpu.dma_semaphore, #tpu.memory_space<semaphore_mem>>
      %dma_start3A_53 = arith.constant 0 : i32
      %dma_start3A_54 = arith.constant 0 : i32
      %dma_start3A_55 = tpu.memref_slice %arg3[%add3A, %dma_start3A_53, %dma_start3A_54] : memref<32x2x480xi32, #tpu.memory_space<hbm>> -> memref<1x2x480xi32, #tpu.memory_space<hbm>>
      %dma_start3A_56 = tpu.memref_squeeze %dma_start3A_55 : memref<1x2x480xi32, #tpu.memory_space<hbm>> -> memref<2x480xi32, #tpu.memory_space<hbm>>
      %dma_start3A_57 = arith.constant 0 : i32
      %dma_start3A_58 = arith.constant 0 : i32
      %dma_start3A_59 = tpu.memref_slice %arg3[%add3A, %dma_start3A_57, %dma_start3A_58] : memref<32x2x480xi32, #tpu.memory_space<hbm>> -> memref<1x2x480xi32, #tpu.memory_space<hbm>>
      %dma_start3A_60 = tpu.memref_squeeze %dma_start3A_59 : memref<1x2x480xi32, #tpu.memory_space<hbm>> -> memref<2x480xi32, #tpu.memory_space<hbm>>
      tpu.enqueue_dma source(%dma_start3A_60 : memref<2x480xi32, #tpu.memory_space<hbm>>) target(%arg5 : memref<2x480xi32, #tpu.memory_space<vmem>>) target_semaphore(%run_scoped3A_52 : memref<!tpu.dma_semaphore, #tpu.memory_space<semaphore_mem>>)
      %dma_wait3A_61 = arith.constant 0 : i32
      %dma_wait3A_62 = arith.constant 0 : i32
      %dma_wait3A_63 = tpu.memref_slice %arg3[%add3A, %dma_wait3A_61, %dma_wait3A_62] : memref<32x2x480xi32, #tpu.memory_space<hbm>> -> memref<1x2x480xi32, #tpu.memory_space<hbm>>
      %dma_wait3A_64 = tpu.memref_squeeze %dma_wait3A_63 : memref<1x2x480xi32, #tpu.memory_space<hbm>> -> memref<2x480xi32, #tpu.memory_space<hbm>>
      %dma_wait3A_65 = arith.constant 0 : i32
      %dma_wait3A_66 = arith.constant 0 : i32
      %dma_wait3A_67 = tpu.memref_slice %arg3[%add3A, %dma_wait3A_65, %dma_wait3A_66] : memref<32x2x480xi32, #tpu.memory_space<hbm>> -> memref<1x2x480xi32, #tpu.memory_space<hbm>>
      %dma_wait3A_68 = tpu.memref_squeeze %dma_wait3A_67 : memref<1x2x480xi32, #tpu.memory_space<hbm>> -> memref<2x480xi32, #tpu.memory_space<hbm>>
      tpu.wait_dma2 semaphore(%run_scoped3A_52 : memref<!tpu.dma_semaphore, #tpu.memory_space<semaphore_mem>>) src(%dma_wait3A_68 : memref<2x480xi32, #tpu.memory_space<hbm>>) dst(%arg5 : memref<2x480xi32, #tpu.memory_space<vmem>>)
      tpu.yield
    }) : () -> ()
    %dma_start3A = arith.constant 0 : i32
    %dma_start3A_3 = arith.constant 0 : i32
    %dma_start3A_4 = arith.constant 0 : i32
    %dma_start3A_5 = arith.constant 0 : i32
    %dma_start3A_6 = tpu.memref_slice %arg6[%dma_start3A_3, %dma_start3A_4, %dma_start3A_5] : memref<2x480x32xf32, #tpu.memory_space<vmem>> -> memref<1x480x32xf32, #tpu.memory_space<vmem>>
    %dma_start3A_7 = tpu.memref_squeeze %dma_start3A_6 : memref<1x480x32xf32, #tpu.memory_space<vmem>> -> memref<480x32xf32, #tpu.memory_space<vmem>>
    %dma_start3A_8 = arith.constant 0 : i32
    %dma_start3A_9 = tpu.memref_slice %arg5[%dma_start3A, %dma_start3A_8] : memref<2x480xi32, #tpu.memory_space<vmem>> -> memref<1x480xi32, #tpu.memory_space<vmem>>
    %dma_start3A_10 = tpu.memref_squeeze %dma_start3A_9 : memref<1x480xi32, #tpu.memory_space<vmem>> -> memref<480xi32, #tpu.memory_space<vmem>>
    %dma_start3A_11 = arith.constant 0 : i32
    %dma_start3A_12 = arith.constant 0 : i32
    %dma_start3A_13 = tpu.memref_slice %arg2[%dma_start3A_11, %dma_start3A_12] : memref<10000x32xf32, #tpu.memory_space<hbm>> -> memref<10000x32xf32, #tpu.memory_space<hbm>>
    tpu.enqueue_indirect_dma source(%dma_start3A_13 : memref<10000x32xf32, #tpu.memory_space<hbm>>) target(%dma_start3A_7 : memref<480x32xf32, #tpu.memory_space<vmem>>) offsets(%dma_start3A_10 : memref<480xi32, #tpu.memory_space<vmem>>) semaphore(%arg7 : memref<!tpu.dma_semaphore, #tpu.memory_space<semaphore_mem>>)
    %dma_start3A_14 = arith.constant 1 : i32
    %dma_start3A_15 = arith.constant 1 : i32
    %dma_start3A_16 = arith.constant 0 : i32
    %dma_start3A_17 = arith.constant 0 : i32
    %dma_start3A_18 = tpu.memref_slice %arg6[%dma_start3A_15, %dma_start3A_16, %dma_start3A_17] : memref<2x480x32xf32, #tpu.memory_space<vmem>> -> memref<1x480x32xf32, #tpu.memory_space<vmem>>
    %dma_start3A_19 = tpu.memref_squeeze %dma_start3A_18 : memref<1x480x32xf32, #tpu.memory_space<vmem>> -> memref<480x32xf32, #tpu.memory_space<vmem>>
    %dma_start3A_20 = arith.constant 0 : i32
    %dma_start3A_21 = tpu.memref_slice %arg5[%dma_start3A_14, %dma_start3A_20] : memref<2x480xi32, #tpu.memory_space<vmem>> -> memref<1x480xi32, #tpu.memory_space<vmem>>
    %dma_start3A_22 = tpu.memref_squeeze %dma_start3A_21 : memref<1x480xi32, #tpu.memory_space<vmem>> -> memref<480xi32, #tpu.memory_space<vmem>>
    %dma_start3A_23 = arith.constant 0 : i32
    %dma_start3A_24 = arith.constant 0 : i32
    %dma_start3A_25 = tpu.memref_slice %arg2[%dma_start3A_23, %dma_start3A_24] : memref<10000x32xf32, #tpu.memory_space<hbm>> -> memref<10000x32xf32, #tpu.memory_space<hbm>>
    tpu.enqueue_indirect_dma source(%dma_start3A_25 : memref<10000x32xf32, #tpu.memory_space<hbm>>) target(%dma_start3A_19 : memref<480x32xf32, #tpu.memory_space<vmem>>) offsets(%dma_start3A_22 : memref<480xi32, #tpu.memory_space<vmem>>) semaphore(%arg8 : memref<!tpu.dma_semaphore, #tpu.memory_space<semaphore_mem>>)
    %dma_wait3A = arith.constant 0 : i32
    %dma_wait3A_26 = arith.constant 0 : i32
    %dma_wait3A_27 = arith.constant 0 : i32
    %dma_wait3A_28 = arith.constant 0 : i32
    %dma_wait3A_29 = tpu.memref_slice %arg6[%dma_wait3A_26, %dma_wait3A_27, %dma_wait3A_28] : memref<2x480x32xf32, #tpu.memory_space<vmem>> -> memref<1x480x32xf32, #tpu.memory_space<vmem>>
    %dma_wait3A_30 = tpu.memref_squeeze %dma_wait3A_29 : memref<1x480x32xf32, #tpu.memory_space<vmem>> -> memref<480x32xf32, #tpu.memory_space<vmem>>
    %dma_wait3A_31 = arith.constant 0 : i32
    %dma_wait3A_32 = tpu.memref_slice %arg5[%dma_wait3A, %dma_wait3A_31] : memref<2x480xi32, #tpu.memory_space<vmem>> -> memref<1x480xi32, #tpu.memory_space<vmem>>
    %dma_wait3A_33 = tpu.memref_squeeze %dma_wait3A_32 : memref<1x480xi32, #tpu.memory_space<vmem>> -> memref<480xi32, #tpu.memory_space<vmem>>
    %dma_wait3A_34 = arith.constant 0 : i32
    %dma_wait3A_35 = arith.constant 0 : i32
    %dma_wait3A_36 = tpu.memref_slice %arg2[%dma_wait3A_34, %dma_wait3A_35] : memref<10000x32xf32, #tpu.memory_space<hbm>> -> memref<10000x32xf32, #tpu.memory_space<hbm>>
    tpu.wait_indirect_dma semaphore(%arg7 : memref<!tpu.dma_semaphore, #tpu.memory_space<semaphore_mem>>) src(%dma_wait3A_36 : memref<10000x32xf32, #tpu.memory_space<hbm>>) dst(%dma_wait3A_30 : memref<480x32xf32, #tpu.memory_space<vmem>>)
    %run_scoped3A = arith.constant 0 : i32
    "tpu.region"() ({
      %run_scoped3A_52 = tpu.sem_alloc : memref<!tpu.dma_semaphore, #tpu.memory_space<semaphore_mem>>
      %dma_start3A_53 = arith.constant 0 : i32
      %dma_start3A_54 = arith.constant 0 : i32
      %dma_start3A_55 = tpu.memref_slice %arg6[%run_scoped3A, %dma_start3A_53, %dma_start3A_54] : memref<2x480x32xf32, #tpu.memory_space<vmem>> -> memref<1x480x32xf32, #tpu.memory_space<vmem>>
      %dma_start3A_56 = tpu.memref_squeeze %dma_start3A_55 : memref<1x480x32xf32, #tpu.memory_space<vmem>> -> memref<480x32xf32, #tpu.memory_space<vmem>>
      %dma_start3A_57 = arith.constant 0 : i32
      %dma_start3A_58 = tpu.memref_slice %arg4[%mul3A_2, %dma_start3A_57] : memref<30720x32xf32, #tpu.memory_space<hbm>> -> memref<480x32xf32, #tpu.memory_space<hbm>>
      %dma_start3A_59 = arith.constant 0 : i32
      %dma_start3A_60 = tpu.memref_slice %arg4[%mul3A_2, %dma_start3A_59] : memref<30720x32xf32, #tpu.memory_space<hbm>> -> memref<480x32xf32, #tpu.memory_space<hbm>>
      %dma_start3A_61 = arith.constant 0 : i32
      %dma_start3A_62 = arith.constant 0 : i32
      %dma_start3A_63 = tpu.memref_slice %arg6[%run_scoped3A, %dma_start3A_61, %dma_start3A_62] : memref<2x480x32xf32, #tpu.memory_space<vmem>> -> memref<1x480x32xf32, #tpu.memory_space<vmem>>
      %dma_start3A_64 = tpu.memref_squeeze %dma_start3A_63 : memref<1x480x32xf32, #tpu.memory_space<vmem>> -> memref<480x32xf32, #tpu.memory_space<vmem>>
      tpu.enqueue_dma source(%dma_start3A_64 : memref<480x32xf32, #tpu.memory_space<vmem>>) target(%dma_start3A_60 : memref<480x32xf32, #tpu.memory_space<hbm>>) target_semaphore(%run_scoped3A_52 : memref<!tpu.dma_semaphore, #tpu.memory_space<semaphore_mem>>)
      %dma_wait3A_65 = arith.constant 0 : i32
      %dma_wait3A_66 = arith.constant 0 : i32
      %dma_wait3A_67 = tpu.memref_slice %arg6[%run_scoped3A, %dma_wait3A_65, %dma_wait3A_66] : memref<2x480x32xf32, #tpu.memory_space<vmem>> -> memref<1x480x32xf32, #tpu.memory_space<vmem>>
      %dma_wait3A_68 = tpu.memref_squeeze %dma_wait3A_67 : memref<1x480x32xf32, #tpu.memory_space<vmem>> -> memref<480x32xf32, #tpu.memory_space<vmem>>
      %dma_wait3A_69 = arith.constant 0 : i32
      %dma_wait3A_70 = tpu.memref_slice %arg4[%mul3A_2, %dma_wait3A_69] : memref<30720x32xf32, #tpu.memory_space<hbm>> -> memref<480x32xf32, #tpu.memory_space<hbm>>
      %dma_wait3A_71 = arith.constant 0 : i32
      %dma_wait3A_72 = tpu.memref_slice %arg4[%mul3A_2, %dma_wait3A_71] : memref<30720x32xf32, #tpu.memory_space<hbm>> -> memref<480x32xf32, #tpu.memory_space<hbm>>
      %dma_wait3A_73 = arith.constant 0 : i32
      %dma_wait3A_74 = arith.constant 0 : i32
      %dma_wait3A_75 = tpu.memref_slice %arg6[%run_scoped3A, %dma_wait3A_73, %dma_wait3A_74] : memref<2x480x32xf32, #tpu.memory_space<vmem>> -> memref<1x480x32xf32, #tpu.memory_space<vmem>>
      %dma_wait3A_76 = tpu.memref_squeeze %dma_wait3A_75 : memref<1x480x32xf32, #tpu.memory_space<vmem>> -> memref<480x32xf32, #tpu.memory_space<vmem>>
      tpu.wait_dma2 semaphore(%run_scoped3A_52 : memref<!tpu.dma_semaphore, #tpu.memory_space<semaphore_mem>>) src(%dma_wait3A_76 : memref<480x32xf32, #tpu.memory_space<vmem>>) dst(%dma_wait3A_72 : memref<480x32xf32, #tpu.memory_space<hbm>>)
      tpu.yield
    }) : () -> ()
    %dma_wait3A_37 = arith.constant 1 : i32
    %dma_wait3A_38 = arith.constant 1 : i32
    %dma_wait3A_39 = arith.constant 0 : i32
    %dma_wait3A_40 = arith.constant 0 : i32
    %dma_wait3A_41 = tpu.memref_slice %arg6[%dma_wait3A_38, %dma_wait3A_39, %dma_wait3A_40] : memref<2x480x32xf32, #tpu.memory_space<vmem>> -> memref<1x480x32xf32, #tpu.memory_space<vmem>>
    %dma_wait3A_42 = tpu.memref_squeeze %dma_wait3A_41 : memref<1x480x32xf32, #tpu.memory_space<vmem>> -> memref<480x32xf32, #tpu.memory_space<vmem>>
    %dma_wait3A_43 = arith.constant 0 : i32
    %dma_wait3A_44 = tpu.memref_slice %arg5[%dma_wait3A_37, %dma_wait3A_43] : memref<2x480xi32, #tpu.memory_space<vmem>> -> memref<1x480xi32, #tpu.memory_space<vmem>>
    %dma_wait3A_45 = tpu.memref_squeeze %dma_wait3A_44 : memref<1x480xi32, #tpu.memory_space<vmem>> -> memref<480xi32, #tpu.memory_space<vmem>>
    %dma_wait3A_46 = arith.constant 0 : i32
    %dma_wait3A_47 = arith.constant 0 : i32
    %dma_wait3A_48 = tpu.memref_slice %arg2[%dma_wait3A_46, %dma_wait3A_47] : memref<10000x32xf32, #tpu.memory_space<hbm>> -> memref<10000x32xf32, #tpu.memory_space<hbm>>
    tpu.wait_indirect_dma semaphore(%arg8 : memref<!tpu.dma_semaphore, #tpu.memory_space<semaphore_mem>>) src(%dma_wait3A_48 : memref<10000x32xf32, #tpu.memory_space<hbm>>) dst(%dma_wait3A_42 : memref<480x32xf32, #tpu.memory_space<vmem>>)
    %add3A_49 = arith.constant 480 : i32
    %add3A_50 = arith.addi %mul3A_2, %add3A_49 : i32
    %run_scoped3A_51 = arith.constant 1 : i32
    "tpu.region"() ({
      %run_scoped3A_52 = tpu.sem_alloc : memref<!tpu.dma_semaphore, #tpu.memory_space<semaphore_mem>>
      %dma_start3A_53 = arith.constant 0 : i32
      %dma_start3A_54 = arith.constant 0 : i32
      %dma_start3A_55 = tpu.memref_slice %arg6[%run_scoped3A_51, %dma_start3A_53, %dma_start3A_54] : memref<2x480x32xf32, #tpu.memory_space<vmem>> -> memref<1x480x32xf32, #tpu.memory_space<vmem>>
      %dma_start3A_56 = tpu.memref_squeeze %dma_start3A_55 : memref<1x480x32xf32, #tpu.memory_space<vmem>> -> memref<480x32xf32, #tpu.memory_space<vmem>>
      %dma_start3A_57 = arith.constant 0 : i32
      %dma_start3A_58 = tpu.memref_slice %arg4[%add3A_50, %dma_start3A_57] : memref<30720x32xf32, #tpu.memory_space<hbm>> -> memref<480x32xf32, #tpu.memory_space<hbm>>
      %dma_start3A_59 = arith.constant 0 : i32
      %dma_start3A_60 = tpu.memref_slice %arg4[%add3A_50, %dma_start3A_59] : memref<30720x32xf32, #tpu.memory_space<hbm>> -> memref<480x32xf32, #tpu.memory_space<hbm>>
      %dma_start3A_61 = arith.constant 0 : i32
      %dma_start3A_62 = arith.constant 0 : i32
      %dma_start3A_63 = tpu.memref_slice %arg6[%run_scoped3A_51, %dma_start3A_61, %dma_start3A_62] : memref<2x480x32xf32, #tpu.memory_space<vmem>> -> memref<1x480x32xf32, #tpu.memory_space<vmem>>
      %dma_start3A_64 = tpu.memref_squeeze %dma_start3A_63 : memref<1x480x32xf32, #tpu.memory_space<vmem>> -> memref<480x32xf32, #tpu.memory_space<vmem>>
      tpu.enqueue_dma source(%dma_start3A_64 : memref<480x32xf32, #tpu.memory_space<vmem>>) target(%dma_start3A_60 : memref<480x32xf32, #tpu.memory_space<hbm>>) target_semaphore(%run_scoped3A_52 : memref<!tpu.dma_semaphore, #tpu.memory_space<semaphore_mem>>)
      %dma_wait3A_65 = arith.constant 0 : i32
      %dma_wait3A_66 = arith.constant 0 : i32
      %dma_wait3A_67 = tpu.memref_slice %arg6[%run_scoped3A_51, %dma_wait3A_65, %dma_wait3A_66] : memref<2x480x32xf32, #tpu.memory_space<vmem>> -> memref<1x480x32xf32, #tpu.memory_space<vmem>>
      %dma_wait3A_68 = tpu.memref_squeeze %dma_wait3A_67 : memref<1x480x32xf32, #tpu.memory_space<vmem>> -> memref<480x32xf32, #tpu.memory_space<vmem>>
      %dma_wait3A_69 = arith.constant 0 : i32
      %dma_wait3A_70 = tpu.memref_slice %arg4[%add3A_50, %dma_wait3A_69] : memref<30720x32xf32, #tpu.memory_space<hbm>> -> memref<480x32xf32, #tpu.memory_space<hbm>>
      %dma_wait3A_71 = arith.constant 0 : i32
      %dma_wait3A_72 = tpu.memref_slice %arg4[%add3A_50, %dma_wait3A_71] : memref<30720x32xf32, #tpu.memory_space<hbm>> -> memref<480x32xf32, #tpu.memory_space<hbm>>
      %dma_wait3A_73 = arith.constant 0 : i32
      %dma_wait3A_74 = arith.constant 0 : i32
      %dma_wait3A_75 = tpu.memref_slice %arg6[%run_scoped3A_51, %dma_wait3A_73, %dma_wait3A_74] : memref<2x480x32xf32, #tpu.memory_space<vmem>> -> memref<1x480x32xf32, #tpu.memory_space<vmem>>
      %dma_wait3A_76 = tpu.memref_squeeze %dma_wait3A_75 : memref<1x480x32xf32, #tpu.memory_space<vmem>> -> memref<480x32xf32, #tpu.memory_space<vmem>>
      tpu.wait_dma2 semaphore(%run_scoped3A_52 : memref<!tpu.dma_semaphore, #tpu.memory_space<semaphore_mem>>) src(%dma_wait3A_76 : memref<480x32xf32, #tpu.memory_space<vmem>>) dst(%dma_wait3A_72 : memref<480x32xf32, #tpu.memory_space<hbm>>)
      tpu.yield
    }) : () -> ()
    return
  }
}

#map = affine_map<(d0, d1) -> (0, 0)>
#map1 = affine_map<(d0, d1) -> (0, 0, 0)>
module attributes {stable_mosaic.version = 14 : i64} {
  func.func @scatter_k(%arg0: i32, %arg1: i32, %arg2: memref<30720x80xf32, #tpu.memory_space<hbm>>, %arg3: memref<32x8x120xi32, #tpu.memory_space<hbm>>, %arg4: memref<10240x80xf32, #tpu.memory_space<hbm>>, %arg5: memref<2x10240x80xf32, #tpu.memory_space<hbm>>, %arg6: memref<8x120xi32, #tpu.memory_space<vmem>>, %arg7: memref<2x120x80xf32, #tpu.memory_space<vmem>>, %arg8: memref<10240x80xf32, #tpu.memory_space<vmem_shared>>, %arg9: memref<!tpu.dma_semaphore, #tpu.memory_space<semaphore_mem>>, %arg10: memref<!tpu.dma_semaphore, #tpu.memory_space<semaphore_mem>>) attributes {dimension_semantics = [#tpu.dimension_semantics<core_parallel>, #tpu.dimension_semantics<subcore_parallel>], iteration_bounds = array<i64: 2, 16>, scalar_prefetch = 0 : i64, scratch_operands = 5 : i64, tpu.core_type = #tpu.core_type<sc_vector_subcore>, window_params = [{transform_indices = #map}, {transform_indices = #map1}, {transform_indices = #map}, {transform_indices = #map1}]} {
    %mul3A = arith.constant 16 : i32
    %mul3A_0 = arith.muli %arg0, %mul3A : i32
    %add3A = arith.addi %mul3A_0, %arg1 : i32
    %mul3A_1 = arith.constant 640 : i32
    %mul3A_2 = arith.muli %arg1, %mul3A_1 : i32
    "tpu.region"() ({
      %run_scoped3A_241 = tpu.sem_alloc : memref<!tpu.dma_semaphore, #tpu.memory_space<semaphore_mem>>
      %dma_start3A_242 = arith.constant 0 : i32
      %dma_start3A_243 = tpu.memref_slice %arg8[%mul3A_2, %dma_start3A_242] : memref<10240x80xf32, #tpu.memory_space<vmem_shared>> -> memref<640x80xf32, #tpu.memory_space<vmem_shared>>
      %dma_start3A_244 = arith.constant 0 : i32
      %dma_start3A_245 = tpu.memref_slice %arg4[%mul3A_2, %dma_start3A_244] : memref<10240x80xf32, #tpu.memory_space<hbm>> -> memref<640x80xf32, #tpu.memory_space<hbm>>
      tpu.enqueue_dma source(%dma_start3A_245 : memref<640x80xf32, #tpu.memory_space<hbm>>) target(%dma_start3A_243 : memref<640x80xf32, #tpu.memory_space<vmem_shared>>) target_semaphore(%run_scoped3A_241 : memref<!tpu.dma_semaphore, #tpu.memory_space<semaphore_mem>>)
      %dma_wait3A_246 = arith.constant 0 : i32
      %dma_wait3A_247 = tpu.memref_slice %arg8[%mul3A_2, %dma_wait3A_246] : memref<10240x80xf32, #tpu.memory_space<vmem_shared>> -> memref<640x80xf32, #tpu.memory_space<vmem_shared>>
      %dma_wait3A_248 = arith.constant 0 : i32
      %dma_wait3A_249 = tpu.memref_slice %arg4[%mul3A_2, %dma_wait3A_248] : memref<10240x80xf32, #tpu.memory_space<hbm>> -> memref<640x80xf32, #tpu.memory_space<hbm>>
      tpu.wait_dma2 semaphore(%run_scoped3A_241 : memref<!tpu.dma_semaphore, #tpu.memory_space<semaphore_mem>>) src(%dma_wait3A_249 : memref<640x80xf32, #tpu.memory_space<hbm>>) dst(%dma_wait3A_247 : memref<640x80xf32, #tpu.memory_space<vmem_shared>>)
      tpu.yield
    }) : () -> ()
    "tpu.region"() ({
      %run_scoped3A_241 = tpu.sem_alloc : memref<!tpu.dma_semaphore, #tpu.memory_space<semaphore_mem>>
      %dma_start3A_242 = arith.constant 0 : i32
      %dma_start3A_243 = arith.constant 0 : i32
      %dma_start3A_244 = tpu.memref_slice %arg3[%add3A, %dma_start3A_242, %dma_start3A_243] : memref<32x8x120xi32, #tpu.memory_space<hbm>> -> memref<1x8x120xi32, #tpu.memory_space<hbm>>
      %dma_start3A_245 = tpu.memref_squeeze %dma_start3A_244 : memref<1x8x120xi32, #tpu.memory_space<hbm>> -> memref<8x120xi32, #tpu.memory_space<hbm>>
      %dma_start3A_246 = arith.constant 0 : i32
      %dma_start3A_247 = arith.constant 0 : i32
      %dma_start3A_248 = tpu.memref_slice %arg3[%add3A, %dma_start3A_246, %dma_start3A_247] : memref<32x8x120xi32, #tpu.memory_space<hbm>> -> memref<1x8x120xi32, #tpu.memory_space<hbm>>
      %dma_start3A_249 = tpu.memref_squeeze %dma_start3A_248 : memref<1x8x120xi32, #tpu.memory_space<hbm>> -> memref<8x120xi32, #tpu.memory_space<hbm>>
      tpu.enqueue_dma source(%dma_start3A_249 : memref<8x120xi32, #tpu.memory_space<hbm>>) target(%arg6 : memref<8x120xi32, #tpu.memory_space<vmem>>) target_semaphore(%run_scoped3A_241 : memref<!tpu.dma_semaphore, #tpu.memory_space<semaphore_mem>>)
      %dma_wait3A_250 = arith.constant 0 : i32
      %dma_wait3A_251 = arith.constant 0 : i32
      %dma_wait3A_252 = tpu.memref_slice %arg3[%add3A, %dma_wait3A_250, %dma_wait3A_251] : memref<32x8x120xi32, #tpu.memory_space<hbm>> -> memref<1x8x120xi32, #tpu.memory_space<hbm>>
      %dma_wait3A_253 = tpu.memref_squeeze %dma_wait3A_252 : memref<1x8x120xi32, #tpu.memory_space<hbm>> -> memref<8x120xi32, #tpu.memory_space<hbm>>
      %dma_wait3A_254 = arith.constant 0 : i32
      %dma_wait3A_255 = arith.constant 0 : i32
      %dma_wait3A_256 = tpu.memref_slice %arg3[%add3A, %dma_wait3A_254, %dma_wait3A_255] : memref<32x8x120xi32, #tpu.memory_space<hbm>> -> memref<1x8x120xi32, #tpu.memory_space<hbm>>
      %dma_wait3A_257 = tpu.memref_squeeze %dma_wait3A_256 : memref<1x8x120xi32, #tpu.memory_space<hbm>> -> memref<8x120xi32, #tpu.memory_space<hbm>>
      tpu.wait_dma2 semaphore(%run_scoped3A_241 : memref<!tpu.dma_semaphore, #tpu.memory_space<semaphore_mem>>) src(%dma_wait3A_257 : memref<8x120xi32, #tpu.memory_space<hbm>>) dst(%arg6 : memref<8x120xi32, #tpu.memory_space<vmem>>)
      tpu.yield
    }) : () -> ()
    %mul3A_3 = arith.constant 960 : i32
    %mul3A_4 = arith.muli %add3A, %mul3A_3 : i32
    %dma_start3A = arith.constant 0 : i32
    %dma_start3A_5 = arith.constant 0 : i32
    %dma_start3A_6 = arith.constant 0 : i32
    %dma_start3A_7 = tpu.memref_slice %arg7[%dma_start3A, %dma_start3A_5, %dma_start3A_6] : memref<2x120x80xf32, #tpu.memory_space<vmem>> -> memref<1x120x80xf32, #tpu.memory_space<vmem>>
    %dma_start3A_8 = tpu.memref_squeeze %dma_start3A_7 : memref<1x120x80xf32, #tpu.memory_space<vmem>> -> memref<120x80xf32, #tpu.memory_space<vmem>>
    %dma_start3A_9 = arith.constant 0 : i32
    %dma_start3A_10 = tpu.memref_slice %arg2[%mul3A_4, %dma_start3A_9] : memref<30720x80xf32, #tpu.memory_space<hbm>> -> memref<120x80xf32, #tpu.memory_space<hbm>>
    %dma_start3A_11 = arith.constant 0 : i32
    %dma_start3A_12 = arith.constant 0 : i32
    %dma_start3A_13 = tpu.memref_slice %arg7[%dma_start3A, %dma_start3A_11, %dma_start3A_12] : memref<2x120x80xf32, #tpu.memory_space<vmem>> -> memref<1x120x80xf32, #tpu.memory_space<vmem>>
    %dma_start3A_14 = tpu.memref_squeeze %dma_start3A_13 : memref<1x120x80xf32, #tpu.memory_space<vmem>> -> memref<120x80xf32, #tpu.memory_space<vmem>>
    %dma_start3A_15 = arith.constant 0 : i32
    %dma_start3A_16 = tpu.memref_slice %arg2[%mul3A_4, %dma_start3A_15] : memref<30720x80xf32, #tpu.memory_space<hbm>> -> memref<120x80xf32, #tpu.memory_space<hbm>>
    tpu.enqueue_dma source(%dma_start3A_16 : memref<120x80xf32, #tpu.memory_space<hbm>>) target(%dma_start3A_14 : memref<120x80xf32, #tpu.memory_space<vmem>>) target_semaphore(%arg9 : memref<!tpu.dma_semaphore, #tpu.memory_space<semaphore_mem>>)
    %barrier3A = arith.constant 0 : index
    tpu.barrier barrier_id(%barrier3A)
    %add3A_17 = arith.constant 120 : i32
    %add3A_18 = arith.addi %mul3A_4, %add3A_17 : i32
    %dma_start3A_19 = arith.constant 1 : i32
    %dma_start3A_20 = arith.constant 0 : i32
    %dma_start3A_21 = arith.constant 0 : i32
    %dma_start3A_22 = tpu.memref_slice %arg7[%dma_start3A_19, %dma_start3A_20, %dma_start3A_21] : memref<2x120x80xf32, #tpu.memory_space<vmem>> -> memref<1x120x80xf32, #tpu.memory_space<vmem>>
    %dma_start3A_23 = tpu.memref_squeeze %dma_start3A_22 : memref<1x120x80xf32, #tpu.memory_space<vmem>> -> memref<120x80xf32, #tpu.memory_space<vmem>>
    %dma_start3A_24 = arith.constant 0 : i32
    %dma_start3A_25 = tpu.memref_slice %arg2[%add3A_18, %dma_start3A_24] : memref<30720x80xf32, #tpu.memory_space<hbm>> -> memref<120x80xf32, #tpu.memory_space<hbm>>
    %dma_start3A_26 = arith.constant 0 : i32
    %dma_start3A_27 = arith.constant 0 : i32
    %dma_start3A_28 = tpu.memref_slice %arg7[%dma_start3A_19, %dma_start3A_26, %dma_start3A_27] : memref<2x120x80xf32, #tpu.memory_space<vmem>> -> memref<1x120x80xf32, #tpu.memory_space<vmem>>
    %dma_start3A_29 = tpu.memref_squeeze %dma_start3A_28 : memref<1x120x80xf32, #tpu.memory_space<vmem>> -> memref<120x80xf32, #tpu.memory_space<vmem>>
    %dma_start3A_30 = arith.constant 0 : i32
    %dma_start3A_31 = tpu.memref_slice %arg2[%add3A_18, %dma_start3A_30] : memref<30720x80xf32, #tpu.memory_space<hbm>> -> memref<120x80xf32, #tpu.memory_space<hbm>>
    tpu.enqueue_dma source(%dma_start3A_31 : memref<120x80xf32, #tpu.memory_space<hbm>>) target(%dma_start3A_29 : memref<120x80xf32, #tpu.memory_space<vmem>>) target_semaphore(%arg10 : memref<!tpu.dma_semaphore, #tpu.memory_space<semaphore_mem>>)
    %dma_wait3A = arith.constant 0 : i32
    %dma_wait3A_32 = arith.constant 0 : i32
    %dma_wait3A_33 = arith.constant 0 : i32
    %dma_wait3A_34 = tpu.memref_slice %arg7[%dma_wait3A, %dma_wait3A_32, %dma_wait3A_33] : memref<2x120x80xf32, #tpu.memory_space<vmem>> -> memref<1x120x80xf32, #tpu.memory_space<vmem>>
    %dma_wait3A_35 = tpu.memref_squeeze %dma_wait3A_34 : memref<1x120x80xf32, #tpu.memory_space<vmem>> -> memref<120x80xf32, #tpu.memory_space<vmem>>
    %dma_wait3A_36 = arith.constant 0 : i32
    %dma_wait3A_37 = tpu.memref_slice %arg2[%mul3A_4, %dma_wait3A_36] : memref<30720x80xf32, #tpu.memory_space<hbm>> -> memref<120x80xf32, #tpu.memory_space<hbm>>
    %dma_wait3A_38 = arith.constant 0 : i32
    %dma_wait3A_39 = arith.constant 0 : i32
    %dma_wait3A_40 = tpu.memref_slice %arg7[%dma_wait3A, %dma_wait3A_38, %dma_wait3A_39] : memref<2x120x80xf32, #tpu.memory_space<vmem>> -> memref<1x120x80xf32, #tpu.memory_space<vmem>>
    %dma_wait3A_41 = tpu.memref_squeeze %dma_wait3A_40 : memref<1x120x80xf32, #tpu.memory_space<vmem>> -> memref<120x80xf32, #tpu.memory_space<vmem>>
    %dma_wait3A_42 = arith.constant 0 : i32
    %dma_wait3A_43 = tpu.memref_slice %arg2[%mul3A_4, %dma_wait3A_42] : memref<30720x80xf32, #tpu.memory_space<hbm>> -> memref<120x80xf32, #tpu.memory_space<hbm>>
    tpu.wait_dma2 semaphore(%arg9 : memref<!tpu.dma_semaphore, #tpu.memory_space<semaphore_mem>>) src(%dma_wait3A_43 : memref<120x80xf32, #tpu.memory_space<hbm>>) dst(%dma_wait3A_41 : memref<120x80xf32, #tpu.memory_space<vmem>>)
    %run_scoped3A = arith.constant 0 : i32
    %run_scoped3A_44 = arith.constant 0 : i32
    "tpu.region"() ({
      %run_scoped3A_241 = tpu.sem_alloc : memref<!tpu.dma_semaphore, #tpu.memory_space<semaphore_mem>>
      %dma_start3A_242 = arith.constant 0 : i32
      %dma_start3A_243 = arith.constant 0 : i32
      %dma_start3A_244 = tpu.memref_slice %arg7[%run_scoped3A, %dma_start3A_242, %dma_start3A_243] : memref<2x120x80xf32, #tpu.memory_space<vmem>> -> memref<1x120x80xf32, #tpu.memory_space<vmem>>
      %dma_start3A_245 = tpu.memref_squeeze %dma_start3A_244 : memref<1x120x80xf32, #tpu.memory_space<vmem>> -> memref<120x80xf32, #tpu.memory_space<vmem>>
      %dma_start3A_246 = arith.constant 0 : i32
      %dma_start3A_247 = tpu.memref_slice %arg6[%run_scoped3A_44, %dma_start3A_246] : memref<8x120xi32, #tpu.memory_space<vmem>> -> memref<1x120xi32, #tpu.memory_space<vmem>>
      %dma_start3A_248 = tpu.memref_squeeze %dma_start3A_247 : memref<1x120xi32, #tpu.memory_space<vmem>> -> memref<120xi32, #tpu.memory_space<vmem>>
      %dma_start3A_249 = arith.constant 0 : i32
      %dma_start3A_250 = arith.constant 0 : i32
      %dma_start3A_251 = tpu.memref_slice %arg8[%dma_start3A_249, %dma_start3A_250] : memref<10240x80xf32, #tpu.memory_space<vmem_shared>> -> memref<10240x80xf32, #tpu.memory_space<vmem_shared>>
      tpu.enqueue_indirect_dma source(%dma_start3A_245 : memref<120x80xf32, #tpu.memory_space<vmem>>) target(%dma_start3A_251 : memref<10240x80xf32, #tpu.memory_space<vmem_shared>>) offsets(%dma_start3A_248 : memref<120xi32, #tpu.memory_space<vmem>>) semaphore(%run_scoped3A_241 : memref<!tpu.dma_semaphore, #tpu.memory_space<semaphore_mem>>) {add = true}
      %dma_wait3A_252 = arith.constant 0 : i32
      %dma_wait3A_253 = arith.constant 0 : i32
      %dma_wait3A_254 = tpu.memref_slice %arg7[%run_scoped3A, %dma_wait3A_252, %dma_wait3A_253] : memref<2x120x80xf32, #tpu.memory_space<vmem>> -> memref<1x120x80xf32, #tpu.memory_space<vmem>>
      %dma_wait3A_255 = tpu.memref_squeeze %dma_wait3A_254 : memref<1x120x80xf32, #tpu.memory_space<vmem>> -> memref<120x80xf32, #tpu.memory_space<vmem>>
      %dma_wait3A_256 = arith.constant 0 : i32
      %dma_wait3A_257 = tpu.memref_slice %arg6[%run_scoped3A_44, %dma_wait3A_256] : memref<8x120xi32, #tpu.memory_space<vmem>> -> memref<1x120xi32, #tpu.memory_space<vmem>>
      %dma_wait3A_258 = tpu.memref_squeeze %dma_wait3A_257 : memref<1x120xi32, #tpu.memory_space<vmem>> -> memref<120xi32, #tpu.memory_space<vmem>>
      %dma_wait3A_259 = arith.constant 0 : i32
      %dma_wait3A_260 = arith.constant 0 : i32
      %dma_wait3A_261 = tpu.memref_slice %arg8[%dma_wait3A_259, %dma_wait3A_260] : memref<10240x80xf32, #tpu.memory_space<vmem_shared>> -> memref<10240x80xf32, #tpu.memory_space<vmem_shared>>
      tpu.wait_indirect_dma semaphore(%run_scoped3A_241 : memref<!tpu.dma_semaphore, #tpu.memory_space<semaphore_mem>>) src(%dma_wait3A_255 : memref<120x80xf32, #tpu.memory_space<vmem>>) dst(%dma_wait3A_261 : memref<10240x80xf32, #tpu.memory_space<vmem_shared>>)
      tpu.yield
    }) : () -> ()
    %add3A_45 = arith.constant 240 : i32
    %add3A_46 = arith.addi %mul3A_4, %add3A_45 : i32
    %dma_start3A_47 = arith.constant 0 : i32
    %dma_start3A_48 = arith.constant 0 : i32
    %dma_start3A_49 = arith.constant 0 : i32
    %dma_start3A_50 = tpu.memref_slice %arg7[%dma_start3A_47, %dma_start3A_48, %dma_start3A_49] : memref<2x120x80xf32, #tpu.memory_space<vmem>> -> memref<1x120x80xf32, #tpu.memory_space<vmem>>
    %dma_start3A_51 = tpu.memref_squeeze %dma_start3A_50 : memref<1x120x80xf32, #tpu.memory_space<vmem>> -> memref<120x80xf32, #tpu.memory_space<vmem>>
    %dma_start3A_52 = arith.constant 0 : i32
    %dma_start3A_53 = tpu.memref_slice %arg2[%add3A_46, %dma_start3A_52] : memref<30720x80xf32, #tpu.memory_space<hbm>> -> memref<120x80xf32, #tpu.memory_space<hbm>>
    %dma_start3A_54 = arith.constant 0 : i32
    %dma_start3A_55 = arith.constant 0 : i32
    %dma_start3A_56 = tpu.memref_slice %arg7[%dma_start3A_47, %dma_start3A_54, %dma_start3A_55] : memref<2x120x80xf32, #tpu.memory_space<vmem>> -> memref<1x120x80xf32, #tpu.memory_space<vmem>>
    %dma_start3A_57 = tpu.memref_squeeze %dma_start3A_56 : memref<1x120x80xf32, #tpu.memory_space<vmem>> -> memref<120x80xf32, #tpu.memory_space<vmem>>
    %dma_start3A_58 = arith.constant 0 : i32
    %dma_start3A_59 = tpu.memref_slice %arg2[%add3A_46, %dma_start3A_58] : memref<30720x80xf32, #tpu.memory_space<hbm>> -> memref<120x80xf32, #tpu.memory_space<hbm>>
    tpu.enqueue_dma source(%dma_start3A_59 : memref<120x80xf32, #tpu.memory_space<hbm>>) target(%dma_start3A_57 : memref<120x80xf32, #tpu.memory_space<vmem>>) target_semaphore(%arg9 : memref<!tpu.dma_semaphore, #tpu.memory_space<semaphore_mem>>)
    %dma_wait3A_60 = arith.constant 1 : i32
    %dma_wait3A_61 = arith.constant 0 : i32
    %dma_wait3A_62 = arith.constant 0 : i32
    %dma_wait3A_63 = tpu.memref_slice %arg7[%dma_wait3A_60, %dma_wait3A_61, %dma_wait3A_62] : memref<2x120x80xf32, #tpu.memory_space<vmem>> -> memref<1x120x80xf32, #tpu.memory_space<vmem>>
    %dma_wait3A_64 = tpu.memref_squeeze %dma_wait3A_63 : memref<1x120x80xf32, #tpu.memory_space<vmem>> -> memref<120x80xf32, #tpu.memory_space<vmem>>
    %dma_wait3A_65 = arith.constant 0 : i32
    %dma_wait3A_66 = tpu.memref_slice %arg2[%add3A_18, %dma_wait3A_65] : memref<30720x80xf32, #tpu.memory_space<hbm>> -> memref<120x80xf32, #tpu.memory_space<hbm>>
    %dma_wait3A_67 = arith.constant 0 : i32
    %dma_wait3A_68 = arith.constant 0 : i32
    %dma_wait3A_69 = tpu.memref_slice %arg7[%dma_wait3A_60, %dma_wait3A_67, %dma_wait3A_68] : memref<2x120x80xf32, #tpu.memory_space<vmem>> -> memref<1x120x80xf32, #tpu.memory_space<vmem>>
    %dma_wait3A_70 = tpu.memref_squeeze %dma_wait3A_69 : memref<1x120x80xf32, #tpu.memory_space<vmem>> -> memref<120x80xf32, #tpu.memory_space<vmem>>
    %dma_wait3A_71 = arith.constant 0 : i32
    %dma_wait3A_72 = tpu.memref_slice %arg2[%add3A_18, %dma_wait3A_71] : memref<30720x80xf32, #tpu.memory_space<hbm>> -> memref<120x80xf32, #tpu.memory_space<hbm>>
    tpu.wait_dma2 semaphore(%arg10 : memref<!tpu.dma_semaphore, #tpu.memory_space<semaphore_mem>>) src(%dma_wait3A_72 : memref<120x80xf32, #tpu.memory_space<hbm>>) dst(%dma_wait3A_70 : memref<120x80xf32, #tpu.memory_space<vmem>>)
    %run_scoped3A_73 = arith.constant 1 : i32
    %run_scoped3A_74 = arith.constant 1 : i32
    "tpu.region"() ({
      %run_scoped3A_241 = tpu.sem_alloc : memref<!tpu.dma_semaphore, #tpu.memory_space<semaphore_mem>>
      %dma_start3A_242 = arith.constant 0 : i32
      %dma_start3A_243 = arith.constant 0 : i32
      %dma_start3A_244 = tpu.memref_slice %arg7[%run_scoped3A_73, %dma_start3A_242, %dma_start3A_243] : memref<2x120x80xf32, #tpu.memory_space<vmem>> -> memref<1x120x80xf32, #tpu.memory_space<vmem>>
      %dma_start3A_245 = tpu.memref_squeeze %dma_start3A_244 : memref<1x120x80xf32, #tpu.memory_space<vmem>> -> memref<120x80xf32, #tpu.memory_space<vmem>>
      %dma_start3A_246 = arith.constant 0 : i32
      %dma_start3A_247 = tpu.memref_slice %arg6[%run_scoped3A_74, %dma_start3A_246] : memref<8x120xi32, #tpu.memory_space<vmem>> -> memref<1x120xi32, #tpu.memory_space<vmem>>
      %dma_start3A_248 = tpu.memref_squeeze %dma_start3A_247 : memref<1x120xi32, #tpu.memory_space<vmem>> -> memref<120xi32, #tpu.memory_space<vmem>>
      %dma_start3A_249 = arith.constant 0 : i32
      %dma_start3A_250 = arith.constant 0 : i32
      %dma_start3A_251 = tpu.memref_slice %arg8[%dma_start3A_249, %dma_start3A_250] : memref<10240x80xf32, #tpu.memory_space<vmem_shared>> -> memref<10240x80xf32, #tpu.memory_space<vmem_shared>>
      tpu.enqueue_indirect_dma source(%dma_start3A_245 : memref<120x80xf32, #tpu.memory_space<vmem>>) target(%dma_start3A_251 : memref<10240x80xf32, #tpu.memory_space<vmem_shared>>) offsets(%dma_start3A_248 : memref<120xi32, #tpu.memory_space<vmem>>) semaphore(%run_scoped3A_241 : memref<!tpu.dma_semaphore, #tpu.memory_space<semaphore_mem>>) {add = true}
      %dma_wait3A_252 = arith.constant 0 : i32
      %dma_wait3A_253 = arith.constant 0 : i32
      %dma_wait3A_254 = tpu.memref_slice %arg7[%run_scoped3A_73, %dma_wait3A_252, %dma_wait3A_253] : memref<2x120x80xf32, #tpu.memory_space<vmem>> -> memref<1x120x80xf32, #tpu.memory_space<vmem>>
      %dma_wait3A_255 = tpu.memref_squeeze %dma_wait3A_254 : memref<1x120x80xf32, #tpu.memory_space<vmem>> -> memref<120x80xf32, #tpu.memory_space<vmem>>
      %dma_wait3A_256 = arith.constant 0 : i32
      %dma_wait3A_257 = tpu.memref_slice %arg6[%run_scoped3A_74, %dma_wait3A_256] : memref<8x120xi32, #tpu.memory_space<vmem>> -> memref<1x120xi32, #tpu.memory_space<vmem>>
      %dma_wait3A_258 = tpu.memref_squeeze %dma_wait3A_257 : memref<1x120xi32, #tpu.memory_space<vmem>> -> memref<120xi32, #tpu.memory_space<vmem>>
      %dma_wait3A_259 = arith.constant 0 : i32
      %dma_wait3A_260 = arith.constant 0 : i32
      %dma_wait3A_261 = tpu.memref_slice %arg8[%dma_wait3A_259, %dma_wait3A_260] : memref<10240x80xf32, #tpu.memory_space<vmem_shared>> -> memref<10240x80xf32, #tpu.memory_space<vmem_shared>>
      tpu.wait_indirect_dma semaphore(%run_scoped3A_241 : memref<!tpu.dma_semaphore, #tpu.memory_space<semaphore_mem>>) src(%dma_wait3A_255 : memref<120x80xf32, #tpu.memory_space<vmem>>) dst(%dma_wait3A_261 : memref<10240x80xf32, #tpu.memory_space<vmem_shared>>)
      tpu.yield
    }) : () -> ()
    %add3A_75 = arith.constant 360 : i32
    %add3A_76 = arith.addi %mul3A_4, %add3A_75 : i32
    %dma_start3A_77 = arith.constant 1 : i32
    %dma_start3A_78 = arith.constant 0 : i32
    %dma_start3A_79 = arith.constant 0 : i32
    %dma_start3A_80 = tpu.memref_slice %arg7[%dma_start3A_77, %dma_start3A_78, %dma_start3A_79] : memref<2x120x80xf32, #tpu.memory_space<vmem>> -> memref<1x120x80xf32, #tpu.memory_space<vmem>>
    %dma_start3A_81 = tpu.memref_squeeze %dma_start3A_80 : memref<1x120x80xf32, #tpu.memory_space<vmem>> -> memref<120x80xf32, #tpu.memory_space<vmem>>
    %dma_start3A_82 = arith.constant 0 : i32
    %dma_start3A_83 = tpu.memref_slice %arg2[%add3A_76, %dma_start3A_82] : memref<30720x80xf32, #tpu.memory_space<hbm>> -> memref<120x80xf32, #tpu.memory_space<hbm>>
    %dma_start3A_84 = arith.constant 0 : i32
    %dma_start3A_85 = arith.constant 0 : i32
    %dma_start3A_86 = tpu.memref_slice %arg7[%dma_start3A_77, %dma_start3A_84, %dma_start3A_85] : memref<2x120x80xf32, #tpu.memory_space<vmem>> -> memref<1x120x80xf32, #tpu.memory_space<vmem>>
    %dma_start3A_87 = tpu.memref_squeeze %dma_start3A_86 : memref<1x120x80xf32, #tpu.memory_space<vmem>> -> memref<120x80xf32, #tpu.memory_space<vmem>>
    %dma_start3A_88 = arith.constant 0 : i32
    %dma_start3A_89 = tpu.memref_slice %arg2[%add3A_76, %dma_start3A_88] : memref<30720x80xf32, #tpu.memory_space<hbm>> -> memref<120x80xf32, #tpu.memory_space<hbm>>
    tpu.enqueue_dma source(%dma_start3A_89 : memref<120x80xf32, #tpu.memory_space<hbm>>) target(%dma_start3A_87 : memref<120x80xf32, #tpu.memory_space<vmem>>) target_semaphore(%arg10 : memref<!tpu.dma_semaphore, #tpu.memory_space<semaphore_mem>>)
    %dma_wait3A_90 = arith.constant 0 : i32
    %dma_wait3A_91 = arith.constant 0 : i32
    %dma_wait3A_92 = arith.constant 0 : i32
    %dma_wait3A_93 = tpu.memref_slice %arg7[%dma_wait3A_90, %dma_wait3A_91, %dma_wait3A_92] : memref<2x120x80xf32, #tpu.memory_space<vmem>> -> memref<1x120x80xf32, #tpu.memory_space<vmem>>
    %dma_wait3A_94 = tpu.memref_squeeze %dma_wait3A_93 : memref<1x120x80xf32, #tpu.memory_space<vmem>> -> memref<120x80xf32, #tpu.memory_space<vmem>>
    %dma_wait3A_95 = arith.constant 0 : i32
    %dma_wait3A_96 = tpu.memref_slice %arg2[%add3A_46, %dma_wait3A_95] : memref<30720x80xf32, #tpu.memory_space<hbm>> -> memref<120x80xf32, #tpu.memory_space<hbm>>
    %dma_wait3A_97 = arith.constant 0 : i32
    %dma_wait3A_98 = arith.constant 0 : i32
    %dma_wait3A_99 = tpu.memref_slice %arg7[%dma_wait3A_90, %dma_wait3A_97, %dma_wait3A_98] : memref<2x120x80xf32, #tpu.memory_space<vmem>> -> memref<1x120x80xf32, #tpu.memory_space<vmem>>
    %dma_wait3A_100 = tpu.memref_squeeze %dma_wait3A_99 : memref<1x120x80xf32, #tpu.memory_space<vmem>> -> memref<120x80xf32, #tpu.memory_space<vmem>>
    %dma_wait3A_101 = arith.constant 0 : i32
    %dma_wait3A_102 = tpu.memref_slice %arg2[%add3A_46, %dma_wait3A_101] : memref<30720x80xf32, #tpu.memory_space<hbm>> -> memref<120x80xf32, #tpu.memory_space<hbm>>
    tpu.wait_dma2 semaphore(%arg9 : memref<!tpu.dma_semaphore, #tpu.memory_space<semaphore_mem>>) src(%dma_wait3A_102 : memref<120x80xf32, #tpu.memory_space<hbm>>) dst(%dma_wait3A_100 : memref<120x80xf32, #tpu.memory_space<vmem>>)
    %run_scoped3A_103 = arith.constant 0 : i32
    %run_scoped3A_104 = arith.constant 2 : i32
    "tpu.region"() ({
      %run_scoped3A_241 = tpu.sem_alloc : memref<!tpu.dma_semaphore, #tpu.memory_space<semaphore_mem>>
      %dma_start3A_242 = arith.constant 0 : i32
      %dma_start3A_243 = arith.constant 0 : i32
      %dma_start3A_244 = tpu.memref_slice %arg7[%run_scoped3A_103, %dma_start3A_242, %dma_start3A_243] : memref<2x120x80xf32, #tpu.memory_space<vmem>> -> memref<1x120x80xf32, #tpu.memory_space<vmem>>
      %dma_start3A_245 = tpu.memref_squeeze %dma_start3A_244 : memref<1x120x80xf32, #tpu.memory_space<vmem>> -> memref<120x80xf32, #tpu.memory_space<vmem>>
      %dma_start3A_246 = arith.constant 0 : i32
      %dma_start3A_247 = tpu.memref_slice %arg6[%run_scoped3A_104, %dma_start3A_246] : memref<8x120xi32, #tpu.memory_space<vmem>> -> memref<1x120xi32, #tpu.memory_space<vmem>>
      %dma_start3A_248 = tpu.memref_squeeze %dma_start3A_247 : memref<1x120xi32, #tpu.memory_space<vmem>> -> memref<120xi32, #tpu.memory_space<vmem>>
      %dma_start3A_249 = arith.constant 0 : i32
      %dma_start3A_250 = arith.constant 0 : i32
      %dma_start3A_251 = tpu.memref_slice %arg8[%dma_start3A_249, %dma_start3A_250] : memref<10240x80xf32, #tpu.memory_space<vmem_shared>> -> memref<10240x80xf32, #tpu.memory_space<vmem_shared>>
      tpu.enqueue_indirect_dma source(%dma_start3A_245 : memref<120x80xf32, #tpu.memory_space<vmem>>) target(%dma_start3A_251 : memref<10240x80xf32, #tpu.memory_space<vmem_shared>>) offsets(%dma_start3A_248 : memref<120xi32, #tpu.memory_space<vmem>>) semaphore(%run_scoped3A_241 : memref<!tpu.dma_semaphore, #tpu.memory_space<semaphore_mem>>) {add = true}
      %dma_wait3A_252 = arith.constant 0 : i32
      %dma_wait3A_253 = arith.constant 0 : i32
      %dma_wait3A_254 = tpu.memref_slice %arg7[%run_scoped3A_103, %dma_wait3A_252, %dma_wait3A_253] : memref<2x120x80xf32, #tpu.memory_space<vmem>> -> memref<1x120x80xf32, #tpu.memory_space<vmem>>
      %dma_wait3A_255 = tpu.memref_squeeze %dma_wait3A_254 : memref<1x120x80xf32, #tpu.memory_space<vmem>> -> memref<120x80xf32, #tpu.memory_space<vmem>>
      %dma_wait3A_256 = arith.constant 0 : i32
      %dma_wait3A_257 = tpu.memref_slice %arg6[%run_scoped3A_104, %dma_wait3A_256] : memref<8x120xi32, #tpu.memory_space<vmem>> -> memref<1x120xi32, #tpu.memory_space<vmem>>
      %dma_wait3A_258 = tpu.memref_squeeze %dma_wait3A_257 : memref<1x120xi32, #tpu.memory_space<vmem>> -> memref<120xi32, #tpu.memory_space<vmem>>
      %dma_wait3A_259 = arith.constant 0 : i32
      %dma_wait3A_260 = arith.constant 0 : i32
      %dma_wait3A_261 = tpu.memref_slice %arg8[%dma_wait3A_259, %dma_wait3A_260] : memref<10240x80xf32, #tpu.memory_space<vmem_shared>> -> memref<10240x80xf32, #tpu.memory_space<vmem_shared>>
      tpu.wait_indirect_dma semaphore(%run_scoped3A_241 : memref<!tpu.dma_semaphore, #tpu.memory_space<semaphore_mem>>) src(%dma_wait3A_255 : memref<120x80xf32, #tpu.memory_space<vmem>>) dst(%dma_wait3A_261 : memref<10240x80xf32, #tpu.memory_space<vmem_shared>>)
      tpu.yield
    }) : () -> ()
    %add3A_105 = arith.constant 480 : i32
    %add3A_106 = arith.addi %mul3A_4, %add3A_105 : i32
    %dma_start3A_107 = arith.constant 0 : i32
    %dma_start3A_108 = arith.constant 0 : i32
    %dma_start3A_109 = arith.constant 0 : i32
    %dma_start3A_110 = tpu.memref_slice %arg7[%dma_start3A_107, %dma_start3A_108, %dma_start3A_109] : memref<2x120x80xf32, #tpu.memory_space<vmem>> -> memref<1x120x80xf32, #tpu.memory_space<vmem>>
    %dma_start3A_111 = tpu.memref_squeeze %dma_start3A_110 : memref<1x120x80xf32, #tpu.memory_space<vmem>> -> memref<120x80xf32, #tpu.memory_space<vmem>>
    %dma_start3A_112 = arith.constant 0 : i32
    %dma_start3A_113 = tpu.memref_slice %arg2[%add3A_106, %dma_start3A_112] : memref<30720x80xf32, #tpu.memory_space<hbm>> -> memref<120x80xf32, #tpu.memory_space<hbm>>
    %dma_start3A_114 = arith.constant 0 : i32
    %dma_start3A_115 = arith.constant 0 : i32
    %dma_start3A_116 = tpu.memref_slice %arg7[%dma_start3A_107, %dma_start3A_114, %dma_start3A_115] : memref<2x120x80xf32, #tpu.memory_space<vmem>> -> memref<1x120x80xf32, #tpu.memory_space<vmem>>
    %dma_start3A_117 = tpu.memref_squeeze %dma_start3A_116 : memref<1x120x80xf32, #tpu.memory_space<vmem>> -> memref<120x80xf32, #tpu.memory_space<vmem>>
    %dma_start3A_118 = arith.constant 0 : i32
    %dma_start3A_119 = tpu.memref_slice %arg2[%add3A_106, %dma_start3A_118] : memref<30720x80xf32, #tpu.memory_space<hbm>> -> memref<120x80xf32, #tpu.memory_space<hbm>>
    tpu.enqueue_dma source(%dma_start3A_119 : memref<120x80xf32, #tpu.memory_space<hbm>>) target(%dma_start3A_117 : memref<120x80xf32, #tpu.memory_space<vmem>>) target_semaphore(%arg9 : memref<!tpu.dma_semaphore, #tpu.memory_space<semaphore_mem>>)
    %dma_wait3A_120 = arith.constant 1 : i32
    %dma_wait3A_121 = arith.constant 0 : i32
    %dma_wait3A_122 = arith.constant 0 : i32
    %dma_wait3A_123 = tpu.memref_slice %arg7[%dma_wait3A_120, %dma_wait3A_121, %dma_wait3A_122] : memref<2x120x80xf32, #tpu.memory_space<vmem>> -> memref<1x120x80xf32, #tpu.memory_space<vmem>>
    %dma_wait3A_124 = tpu.memref_squeeze %dma_wait3A_123 : memref<1x120x80xf32, #tpu.memory_space<vmem>> -> memref<120x80xf32, #tpu.memory_space<vmem>>
    %dma_wait3A_125 = arith.constant 0 : i32
    %dma_wait3A_126 = tpu.memref_slice %arg2[%add3A_76, %dma_wait3A_125] : memref<30720x80xf32, #tpu.memory_space<hbm>> -> memref<120x80xf32, #tpu.memory_space<hbm>>
    %dma_wait3A_127 = arith.constant 0 : i32
    %dma_wait3A_128 = arith.constant 0 : i32
    %dma_wait3A_129 = tpu.memref_slice %arg7[%dma_wait3A_120, %dma_wait3A_127, %dma_wait3A_128] : memref<2x120x80xf32, #tpu.memory_space<vmem>> -> memref<1x120x80xf32, #tpu.memory_space<vmem>>
    %dma_wait3A_130 = tpu.memref_squeeze %dma_wait3A_129 : memref<1x120x80xf32, #tpu.memory_space<vmem>> -> memref<120x80xf32, #tpu.memory_space<vmem>>
    %dma_wait3A_131 = arith.constant 0 : i32
    %dma_wait3A_132 = tpu.memref_slice %arg2[%add3A_76, %dma_wait3A_131] : memref<30720x80xf32, #tpu.memory_space<hbm>> -> memref<120x80xf32, #tpu.memory_space<hbm>>
    tpu.wait_dma2 semaphore(%arg10 : memref<!tpu.dma_semaphore, #tpu.memory_space<semaphore_mem>>) src(%dma_wait3A_132 : memref<120x80xf32, #tpu.memory_space<hbm>>) dst(%dma_wait3A_130 : memref<120x80xf32, #tpu.memory_space<vmem>>)
    %run_scoped3A_133 = arith.constant 1 : i32
    %run_scoped3A_134 = arith.constant 3 : i32
    "tpu.region"() ({
      %run_scoped3A_241 = tpu.sem_alloc : memref<!tpu.dma_semaphore, #tpu.memory_space<semaphore_mem>>
      %dma_start3A_242 = arith.constant 0 : i32
      %dma_start3A_243 = arith.constant 0 : i32
      %dma_start3A_244 = tpu.memref_slice %arg7[%run_scoped3A_133, %dma_start3A_242, %dma_start3A_243] : memref<2x120x80xf32, #tpu.memory_space<vmem>> -> memref<1x120x80xf32, #tpu.memory_space<vmem>>
      %dma_start3A_245 = tpu.memref_squeeze %dma_start3A_244 : memref<1x120x80xf32, #tpu.memory_space<vmem>> -> memref<120x80xf32, #tpu.memory_space<vmem>>
      %dma_start3A_246 = arith.constant 0 : i32
      %dma_start3A_247 = tpu.memref_slice %arg6[%run_scoped3A_134, %dma_start3A_246] : memref<8x120xi32, #tpu.memory_space<vmem>> -> memref<1x120xi32, #tpu.memory_space<vmem>>
      %dma_start3A_248 = tpu.memref_squeeze %dma_start3A_247 : memref<1x120xi32, #tpu.memory_space<vmem>> -> memref<120xi32, #tpu.memory_space<vmem>>
      %dma_start3A_249 = arith.constant 0 : i32
      %dma_start3A_250 = arith.constant 0 : i32
      %dma_start3A_251 = tpu.memref_slice %arg8[%dma_start3A_249, %dma_start3A_250] : memref<10240x80xf32, #tpu.memory_space<vmem_shared>> -> memref<10240x80xf32, #tpu.memory_space<vmem_shared>>
      tpu.enqueue_indirect_dma source(%dma_start3A_245 : memref<120x80xf32, #tpu.memory_space<vmem>>) target(%dma_start3A_251 : memref<10240x80xf32, #tpu.memory_space<vmem_shared>>) offsets(%dma_start3A_248 : memref<120xi32, #tpu.memory_space<vmem>>) semaphore(%run_scoped3A_241 : memref<!tpu.dma_semaphore, #tpu.memory_space<semaphore_mem>>) {add = true}
      %dma_wait3A_252 = arith.constant 0 : i32
      %dma_wait3A_253 = arith.constant 0 : i32
      %dma_wait3A_254 = tpu.memref_slice %arg7[%run_scoped3A_133, %dma_wait3A_252, %dma_wait3A_253] : memref<2x120x80xf32, #tpu.memory_space<vmem>> -> memref<1x120x80xf32, #tpu.memory_space<vmem>>
      %dma_wait3A_255 = tpu.memref_squeeze %dma_wait3A_254 : memref<1x120x80xf32, #tpu.memory_space<vmem>> -> memref<120x80xf32, #tpu.memory_space<vmem>>
      %dma_wait3A_256 = arith.constant 0 : i32
      %dma_wait3A_257 = tpu.memref_slice %arg6[%run_scoped3A_134, %dma_wait3A_256] : memref<8x120xi32, #tpu.memory_space<vmem>> -> memref<1x120xi32, #tpu.memory_space<vmem>>
      %dma_wait3A_258 = tpu.memref_squeeze %dma_wait3A_257 : memref<1x120xi32, #tpu.memory_space<vmem>> -> memref<120xi32, #tpu.memory_space<vmem>>
      %dma_wait3A_259 = arith.constant 0 : i32
      %dma_wait3A_260 = arith.constant 0 : i32
      %dma_wait3A_261 = tpu.memref_slice %arg8[%dma_wait3A_259, %dma_wait3A_260] : memref<10240x80xf32, #tpu.memory_space<vmem_shared>> -> memref<10240x80xf32, #tpu.memory_space<vmem_shared>>
      tpu.wait_indirect_dma semaphore(%run_scoped3A_241 : memref<!tpu.dma_semaphore, #tpu.memory_space<semaphore_mem>>) src(%dma_wait3A_255 : memref<120x80xf32, #tpu.memory_space<vmem>>) dst(%dma_wait3A_261 : memref<10240x80xf32, #tpu.memory_space<vmem_shared>>)
      tpu.yield
    }) : () -> ()
    %add3A_135 = arith.constant 600 : i32
    %add3A_136 = arith.addi %mul3A_4, %add3A_135 : i32
    %dma_start3A_137 = arith.constant 1 : i32
    %dma_start3A_138 = arith.constant 0 : i32
    %dma_start3A_139 = arith.constant 0 : i32
    %dma_start3A_140 = tpu.memref_slice %arg7[%dma_start3A_137, %dma_start3A_138, %dma_start3A_139] : memref<2x120x80xf32, #tpu.memory_space<vmem>> -> memref<1x120x80xf32, #tpu.memory_space<vmem>>
    %dma_start3A_141 = tpu.memref_squeeze %dma_start3A_140 : memref<1x120x80xf32, #tpu.memory_space<vmem>> -> memref<120x80xf32, #tpu.memory_space<vmem>>
    %dma_start3A_142 = arith.constant 0 : i32
    %dma_start3A_143 = tpu.memref_slice %arg2[%add3A_136, %dma_start3A_142] : memref<30720x80xf32, #tpu.memory_space<hbm>> -> memref<120x80xf32, #tpu.memory_space<hbm>>
    %dma_start3A_144 = arith.constant 0 : i32
    %dma_start3A_145 = arith.constant 0 : i32
    %dma_start3A_146 = tpu.memref_slice %arg7[%dma_start3A_137, %dma_start3A_144, %dma_start3A_145] : memref<2x120x80xf32, #tpu.memory_space<vmem>> -> memref<1x120x80xf32, #tpu.memory_space<vmem>>
    %dma_start3A_147 = tpu.memref_squeeze %dma_start3A_146 : memref<1x120x80xf32, #tpu.memory_space<vmem>> -> memref<120x80xf32, #tpu.memory_space<vmem>>
    %dma_start3A_148 = arith.constant 0 : i32
    %dma_start3A_149 = tpu.memref_slice %arg2[%add3A_136, %dma_start3A_148] : memref<30720x80xf32, #tpu.memory_space<hbm>> -> memref<120x80xf32, #tpu.memory_space<hbm>>
    tpu.enqueue_dma source(%dma_start3A_149 : memref<120x80xf32, #tpu.memory_space<hbm>>) target(%dma_start3A_147 : memref<120x80xf32, #tpu.memory_space<vmem>>) target_semaphore(%arg10 : memref<!tpu.dma_semaphore, #tpu.memory_space<semaphore_mem>>)
    %dma_wait3A_150 = arith.constant 0 : i32
    %dma_wait3A_151 = arith.constant 0 : i32
    %dma_wait3A_152 = arith.constant 0 : i32
    %dma_wait3A_153 = tpu.memref_slice %arg7[%dma_wait3A_150, %dma_wait3A_151, %dma_wait3A_152] : memref<2x120x80xf32, #tpu.memory_space<vmem>> -> memref<1x120x80xf32, #tpu.memory_space<vmem>>
    %dma_wait3A_154 = tpu.memref_squeeze %dma_wait3A_153 : memref<1x120x80xf32, #tpu.memory_space<vmem>> -> memref<120x80xf32, #tpu.memory_space<vmem>>
    %dma_wait3A_155 = arith.constant 0 : i32
    %dma_wait3A_156 = tpu.memref_slice %arg2[%add3A_106, %dma_wait3A_155] : memref<30720x80xf32, #tpu.memory_space<hbm>> -> memref<120x80xf32, #tpu.memory_space<hbm>>
    %dma_wait3A_157 = arith.constant 0 : i32
    %dma_wait3A_158 = arith.constant 0 : i32
    %dma_wait3A_159 = tpu.memref_slice %arg7[%dma_wait3A_150, %dma_wait3A_157, %dma_wait3A_158] : memref<2x120x80xf32, #tpu.memory_space<vmem>> -> memref<1x120x80xf32, #tpu.memory_space<vmem>>
    %dma_wait3A_160 = tpu.memref_squeeze %dma_wait3A_159 : memref<1x120x80xf32, #tpu.memory_space<vmem>> -> memref<120x80xf32, #tpu.memory_space<vmem>>
    %dma_wait3A_161 = arith.constant 0 : i32
    %dma_wait3A_162 = tpu.memref_slice %arg2[%add3A_106, %dma_wait3A_161] : memref<30720x80xf32, #tpu.memory_space<hbm>> -> memref<120x80xf32, #tpu.memory_space<hbm>>
    tpu.wait_dma2 semaphore(%arg9 : memref<!tpu.dma_semaphore, #tpu.memory_space<semaphore_mem>>) src(%dma_wait3A_162 : memref<120x80xf32, #tpu.memory_space<hbm>>) dst(%dma_wait3A_160 : memref<120x80xf32, #tpu.memory_space<vmem>>)
    %run_scoped3A_163 = arith.constant 0 : i32
    %run_scoped3A_164 = arith.constant 4 : i32
    "tpu.region"() ({
      %run_scoped3A_241 = tpu.sem_alloc : memref<!tpu.dma_semaphore, #tpu.memory_space<semaphore_mem>>
      %dma_start3A_242 = arith.constant 0 : i32
      %dma_start3A_243 = arith.constant 0 : i32
      %dma_start3A_244 = tpu.memref_slice %arg7[%run_scoped3A_163, %dma_start3A_242, %dma_start3A_243] : memref<2x120x80xf32, #tpu.memory_space<vmem>> -> memref<1x120x80xf32, #tpu.memory_space<vmem>>
      %dma_start3A_245 = tpu.memref_squeeze %dma_start3A_244 : memref<1x120x80xf32, #tpu.memory_space<vmem>> -> memref<120x80xf32, #tpu.memory_space<vmem>>
      %dma_start3A_246 = arith.constant 0 : i32
      %dma_start3A_247 = tpu.memref_slice %arg6[%run_scoped3A_164, %dma_start3A_246] : memref<8x120xi32, #tpu.memory_space<vmem>> -> memref<1x120xi32, #tpu.memory_space<vmem>>
      %dma_start3A_248 = tpu.memref_squeeze %dma_start3A_247 : memref<1x120xi32, #tpu.memory_space<vmem>> -> memref<120xi32, #tpu.memory_space<vmem>>
      %dma_start3A_249 = arith.constant 0 : i32
      %dma_start3A_250 = arith.constant 0 : i32
      %dma_start3A_251 = tpu.memref_slice %arg8[%dma_start3A_249, %dma_start3A_250] : memref<10240x80xf32, #tpu.memory_space<vmem_shared>> -> memref<10240x80xf32, #tpu.memory_space<vmem_shared>>
      tpu.enqueue_indirect_dma source(%dma_start3A_245 : memref<120x80xf32, #tpu.memory_space<vmem>>) target(%dma_start3A_251 : memref<10240x80xf32, #tpu.memory_space<vmem_shared>>) offsets(%dma_start3A_248 : memref<120xi32, #tpu.memory_space<vmem>>) semaphore(%run_scoped3A_241 : memref<!tpu.dma_semaphore, #tpu.memory_space<semaphore_mem>>) {add = true}
      %dma_wait3A_252 = arith.constant 0 : i32
      %dma_wait3A_253 = arith.constant 0 : i32
      %dma_wait3A_254 = tpu.memref_slice %arg7[%run_scoped3A_163, %dma_wait3A_252, %dma_wait3A_253] : memref<2x120x80xf32, #tpu.memory_space<vmem>> -> memref<1x120x80xf32, #tpu.memory_space<vmem>>
      %dma_wait3A_255 = tpu.memref_squeeze %dma_wait3A_254 : memref<1x120x80xf32, #tpu.memory_space<vmem>> -> memref<120x80xf32, #tpu.memory_space<vmem>>
      %dma_wait3A_256 = arith.constant 0 : i32
      %dma_wait3A_257 = tpu.memref_slice %arg6[%run_scoped3A_164, %dma_wait3A_256] : memref<8x120xi32, #tpu.memory_space<vmem>> -> memref<1x120xi32, #tpu.memory_space<vmem>>
      %dma_wait3A_258 = tpu.memref_squeeze %dma_wait3A_257 : memref<1x120xi32, #tpu.memory_space<vmem>> -> memref<120xi32, #tpu.memory_space<vmem>>
      %dma_wait3A_259 = arith.constant 0 : i32
      %dma_wait3A_260 = arith.constant 0 : i32
      %dma_wait3A_261 = tpu.memref_slice %arg8[%dma_wait3A_259, %dma_wait3A_260] : memref<10240x80xf32, #tpu.memory_space<vmem_shared>> -> memref<10240x80xf32, #tpu.memory_space<vmem_shared>>
      tpu.wait_indirect_dma semaphore(%run_scoped3A_241 : memref<!tpu.dma_semaphore, #tpu.memory_space<semaphore_mem>>) src(%dma_wait3A_255 : memref<120x80xf32, #tpu.memory_space<vmem>>) dst(%dma_wait3A_261 : memref<10240x80xf32, #tpu.memory_space<vmem_shared>>)
      tpu.yield
    }) : () -> ()
    %add3A_165 = arith.constant 720 : i32
    %add3A_166 = arith.addi %mul3A_4, %add3A_165 : i32
    %dma_start3A_167 = arith.constant 0 : i32
    %dma_start3A_168 = arith.constant 0 : i32
    %dma_start3A_169 = arith.constant 0 : i32
    %dma_start3A_170 = tpu.memref_slice %arg7[%dma_start3A_167, %dma_start3A_168, %dma_start3A_169] : memref<2x120x80xf32, #tpu.memory_space<vmem>> -> memref<1x120x80xf32, #tpu.memory_space<vmem>>
    %dma_start3A_171 = tpu.memref_squeeze %dma_start3A_170 : memref<1x120x80xf32, #tpu.memory_space<vmem>> -> memref<120x80xf32, #tpu.memory_space<vmem>>
    %dma_start3A_172 = arith.constant 0 : i32
    %dma_start3A_173 = tpu.memref_slice %arg2[%add3A_166, %dma_start3A_172] : memref<30720x80xf32, #tpu.memory_space<hbm>> -> memref<120x80xf32, #tpu.memory_space<hbm>>
    %dma_start3A_174 = arith.constant 0 : i32
    %dma_start3A_175 = arith.constant 0 : i32
    %dma_start3A_176 = tpu.memref_slice %arg7[%dma_start3A_167, %dma_start3A_174, %dma_start3A_175] : memref<2x120x80xf32, #tpu.memory_space<vmem>> -> memref<1x120x80xf32, #tpu.memory_space<vmem>>
    %dma_start3A_177 = tpu.memref_squeeze %dma_start3A_176 : memref<1x120x80xf32, #tpu.memory_space<vmem>> -> memref<120x80xf32, #tpu.memory_space<vmem>>
    %dma_start3A_178 = arith.constant 0 : i32
    %dma_start3A_179 = tpu.memref_slice %arg2[%add3A_166, %dma_start3A_178] : memref<30720x80xf32, #tpu.memory_space<hbm>> -> memref<120x80xf32, #tpu.memory_space<hbm>>
    tpu.enqueue_dma source(%dma_start3A_179 : memref<120x80xf32, #tpu.memory_space<hbm>>) target(%dma_start3A_177 : memref<120x80xf32, #tpu.memory_space<vmem>>) target_semaphore(%arg9 : memref<!tpu.dma_semaphore, #tpu.memory_space<semaphore_mem>>)
    %dma_wait3A_180 = arith.constant 1 : i32
    %dma_wait3A_181 = arith.constant 0 : i32
    %dma_wait3A_182 = arith.constant 0 : i32
    %dma_wait3A_183 = tpu.memref_slice %arg7[%dma_wait3A_180, %dma_wait3A_181, %dma_wait3A_182] : memref<2x120x80xf32, #tpu.memory_space<vmem>> -> memref<1x120x80xf32, #tpu.memory_space<vmem>>
    %dma_wait3A_184 = tpu.memref_squeeze %dma_wait3A_183 : memref<1x120x80xf32, #tpu.memory_space<vmem>> -> memref<120x80xf32, #tpu.memory_space<vmem>>
    %dma_wait3A_185 = arith.constant 0 : i32
    %dma_wait3A_186 = tpu.memref_slice %arg2[%add3A_136, %dma_wait3A_185] : memref<30720x80xf32, #tpu.memory_space<hbm>> -> memref<120x80xf32, #tpu.memory_space<hbm>>
    %dma_wait3A_187 = arith.constant 0 : i32
    %dma_wait3A_188 = arith.constant 0 : i32
    %dma_wait3A_189 = tpu.memref_slice %arg7[%dma_wait3A_180, %dma_wait3A_187, %dma_wait3A_188] : memref<2x120x80xf32, #tpu.memory_space<vmem>> -> memref<1x120x80xf32, #tpu.memory_space<vmem>>
    %dma_wait3A_190 = tpu.memref_squeeze %dma_wait3A_189 : memref<1x120x80xf32, #tpu.memory_space<vmem>> -> memref<120x80xf32, #tpu.memory_space<vmem>>
    %dma_wait3A_191 = arith.constant 0 : i32
    %dma_wait3A_192 = tpu.memref_slice %arg2[%add3A_136, %dma_wait3A_191] : memref<30720x80xf32, #tpu.memory_space<hbm>> -> memref<120x80xf32, #tpu.memory_space<hbm>>
    tpu.wait_dma2 semaphore(%arg10 : memref<!tpu.dma_semaphore, #tpu.memory_space<semaphore_mem>>) src(%dma_wait3A_192 : memref<120x80xf32, #tpu.memory_space<hbm>>) dst(%dma_wait3A_190 : memref<120x80xf32, #tpu.memory_space<vmem>>)
    %run_scoped3A_193 = arith.constant 1 : i32
    %run_scoped3A_194 = arith.constant 5 : i32
    "tpu.region"() ({
      %run_scoped3A_241 = tpu.sem_alloc : memref<!tpu.dma_semaphore, #tpu.memory_space<semaphore_mem>>
      %dma_start3A_242 = arith.constant 0 : i32
      %dma_start3A_243 = arith.constant 0 : i32
      %dma_start3A_244 = tpu.memref_slice %arg7[%run_scoped3A_193, %dma_start3A_242, %dma_start3A_243] : memref<2x120x80xf32, #tpu.memory_space<vmem>> -> memref<1x120x80xf32, #tpu.memory_space<vmem>>
      %dma_start3A_245 = tpu.memref_squeeze %dma_start3A_244 : memref<1x120x80xf32, #tpu.memory_space<vmem>> -> memref<120x80xf32, #tpu.memory_space<vmem>>
      %dma_start3A_246 = arith.constant 0 : i32
      %dma_start3A_247 = tpu.memref_slice %arg6[%run_scoped3A_194, %dma_start3A_246] : memref<8x120xi32, #tpu.memory_space<vmem>> -> memref<1x120xi32, #tpu.memory_space<vmem>>
      %dma_start3A_248 = tpu.memref_squeeze %dma_start3A_247 : memref<1x120xi32, #tpu.memory_space<vmem>> -> memref<120xi32, #tpu.memory_space<vmem>>
      %dma_start3A_249 = arith.constant 0 : i32
      %dma_start3A_250 = arith.constant 0 : i32
      %dma_start3A_251 = tpu.memref_slice %arg8[%dma_start3A_249, %dma_start3A_250] : memref<10240x80xf32, #tpu.memory_space<vmem_shared>> -> memref<10240x80xf32, #tpu.memory_space<vmem_shared>>
      tpu.enqueue_indirect_dma source(%dma_start3A_245 : memref<120x80xf32, #tpu.memory_space<vmem>>) target(%dma_start3A_251 : memref<10240x80xf32, #tpu.memory_space<vmem_shared>>) offsets(%dma_start3A_248 : memref<120xi32, #tpu.memory_space<vmem>>) semaphore(%run_scoped3A_241 : memref<!tpu.dma_semaphore, #tpu.memory_space<semaphore_mem>>) {add = true}
      %dma_wait3A_252 = arith.constant 0 : i32
      %dma_wait3A_253 = arith.constant 0 : i32
      %dma_wait3A_254 = tpu.memref_slice %arg7[%run_scoped3A_193, %dma_wait3A_252, %dma_wait3A_253] : memref<2x120x80xf32, #tpu.memory_space<vmem>> -> memref<1x120x80xf32, #tpu.memory_space<vmem>>
      %dma_wait3A_255 = tpu.memref_squeeze %dma_wait3A_254 : memref<1x120x80xf32, #tpu.memory_space<vmem>> -> memref<120x80xf32, #tpu.memory_space<vmem>>
      %dma_wait3A_256 = arith.constant 0 : i32
      %dma_wait3A_257 = tpu.memref_slice %arg6[%run_scoped3A_194, %dma_wait3A_256] : memref<8x120xi32, #tpu.memory_space<vmem>> -> memref<1x120xi32, #tpu.memory_space<vmem>>
      %dma_wait3A_258 = tpu.memref_squeeze %dma_wait3A_257 : memref<1x120xi32, #tpu.memory_space<vmem>> -> memref<120xi32, #tpu.memory_space<vmem>>
      %dma_wait3A_259 = arith.constant 0 : i32
      %dma_wait3A_260 = arith.constant 0 : i32
      %dma_wait3A_261 = tpu.memref_slice %arg8[%dma_wait3A_259, %dma_wait3A_260] : memref<10240x80xf32, #tpu.memory_space<vmem_shared>> -> memref<10240x80xf32, #tpu.memory_space<vmem_shared>>
      tpu.wait_indirect_dma semaphore(%run_scoped3A_241 : memref<!tpu.dma_semaphore, #tpu.memory_space<semaphore_mem>>) src(%dma_wait3A_255 : memref<120x80xf32, #tpu.memory_space<vmem>>) dst(%dma_wait3A_261 : memref<10240x80xf32, #tpu.memory_space<vmem_shared>>)
      tpu.yield
    }) : () -> ()
    %add3A_195 = arith.constant 840 : i32
    %add3A_196 = arith.addi %mul3A_4, %add3A_195 : i32
    %dma_start3A_197 = arith.constant 1 : i32
    %dma_start3A_198 = arith.constant 0 : i32
    %dma_start3A_199 = arith.constant 0 : i32
    %dma_start3A_200 = tpu.memref_slice %arg7[%dma_start3A_197, %dma_start3A_198, %dma_start3A_199] : memref<2x120x80xf32, #tpu.memory_space<vmem>> -> memref<1x120x80xf32, #tpu.memory_space<vmem>>
    %dma_start3A_201 = tpu.memref_squeeze %dma_start3A_200 : memref<1x120x80xf32, #tpu.memory_space<vmem>> -> memref<120x80xf32, #tpu.memory_space<vmem>>
    %dma_start3A_202 = arith.constant 0 : i32
    %dma_start3A_203 = tpu.memref_slice %arg2[%add3A_196, %dma_start3A_202] : memref<30720x80xf32, #tpu.memory_space<hbm>> -> memref<120x80xf32, #tpu.memory_space<hbm>>
    %dma_start3A_204 = arith.constant 0 : i32
    %dma_start3A_205 = arith.constant 0 : i32
    %dma_start3A_206 = tpu.memref_slice %arg7[%dma_start3A_197, %dma_start3A_204, %dma_start3A_205] : memref<2x120x80xf32, #tpu.memory_space<vmem>> -> memref<1x120x80xf32, #tpu.memory_space<vmem>>
    %dma_start3A_207 = tpu.memref_squeeze %dma_start3A_206 : memref<1x120x80xf32, #tpu.memory_space<vmem>> -> memref<120x80xf32, #tpu.memory_space<vmem>>
    %dma_start3A_208 = arith.constant 0 : i32
    %dma_start3A_209 = tpu.memref_slice %arg2[%add3A_196, %dma_start3A_208] : memref<30720x80xf32, #tpu.memory_space<hbm>> -> memref<120x80xf32, #tpu.memory_space<hbm>>
    tpu.enqueue_dma source(%dma_start3A_209 : memref<120x80xf32, #tpu.memory_space<hbm>>) target(%dma_start3A_207 : memref<120x80xf32, #tpu.memory_space<vmem>>) target_semaphore(%arg10 : memref<!tpu.dma_semaphore, #tpu.memory_space<semaphore_mem>>)
    %dma_wait3A_210 = arith.constant 0 : i32
    %dma_wait3A_211 = arith.constant 0 : i32
    %dma_wait3A_212 = arith.constant 0 : i32
    %dma_wait3A_213 = tpu.memref_slice %arg7[%dma_wait3A_210, %dma_wait3A_211, %dma_wait3A_212] : memref<2x120x80xf32, #tpu.memory_space<vmem>> -> memref<1x120x80xf32, #tpu.memory_space<vmem>>
    %dma_wait3A_214 = tpu.memref_squeeze %dma_wait3A_213 : memref<1x120x80xf32, #tpu.memory_space<vmem>> -> memref<120x80xf32, #tpu.memory_space<vmem>>
    %dma_wait3A_215 = arith.constant 0 : i32
    %dma_wait3A_216 = tpu.memref_slice %arg2[%add3A_166, %dma_wait3A_215] : memref<30720x80xf32, #tpu.memory_space<hbm>> -> memref<120x80xf32, #tpu.memory_space<hbm>>
    %dma_wait3A_217 = arith.constant 0 : i32
    %dma_wait3A_218 = arith.constant 0 : i32
    %dma_wait3A_219 = tpu.memref_slice %arg7[%dma_wait3A_210, %dma_wait3A_217, %dma_wait3A_218] : memref<2x120x80xf32, #tpu.memory_space<vmem>> -> memref<1x120x80xf32, #tpu.memory_space<vmem>>
    %dma_wait3A_220 = tpu.memref_squeeze %dma_wait3A_219 : memref<1x120x80xf32, #tpu.memory_space<vmem>> -> memref<120x80xf32, #tpu.memory_space<vmem>>
    %dma_wait3A_221 = arith.constant 0 : i32
    %dma_wait3A_222 = tpu.memref_slice %arg2[%add3A_166, %dma_wait3A_221] : memref<30720x80xf32, #tpu.memory_space<hbm>> -> memref<120x80xf32, #tpu.memory_space<hbm>>
    tpu.wait_dma2 semaphore(%arg9 : memref<!tpu.dma_semaphore, #tpu.memory_space<semaphore_mem>>) src(%dma_wait3A_222 : memref<120x80xf32, #tpu.memory_space<hbm>>) dst(%dma_wait3A_220 : memref<120x80xf32, #tpu.memory_space<vmem>>)
    %run_scoped3A_223 = arith.constant 0 : i32
    %run_scoped3A_224 = arith.constant 6 : i32
    "tpu.region"() ({
      %run_scoped3A_241 = tpu.sem_alloc : memref<!tpu.dma_semaphore, #tpu.memory_space<semaphore_mem>>
      %dma_start3A_242 = arith.constant 0 : i32
      %dma_start3A_243 = arith.constant 0 : i32
      %dma_start3A_244 = tpu.memref_slice %arg7[%run_scoped3A_223, %dma_start3A_242, %dma_start3A_243] : memref<2x120x80xf32, #tpu.memory_space<vmem>> -> memref<1x120x80xf32, #tpu.memory_space<vmem>>
      %dma_start3A_245 = tpu.memref_squeeze %dma_start3A_244 : memref<1x120x80xf32, #tpu.memory_space<vmem>> -> memref<120x80xf32, #tpu.memory_space<vmem>>
      %dma_start3A_246 = arith.constant 0 : i32
      %dma_start3A_247 = tpu.memref_slice %arg6[%run_scoped3A_224, %dma_start3A_246] : memref<8x120xi32, #tpu.memory_space<vmem>> -> memref<1x120xi32, #tpu.memory_space<vmem>>
      %dma_start3A_248 = tpu.memref_squeeze %dma_start3A_247 : memref<1x120xi32, #tpu.memory_space<vmem>> -> memref<120xi32, #tpu.memory_space<vmem>>
      %dma_start3A_249 = arith.constant 0 : i32
      %dma_start3A_250 = arith.constant 0 : i32
      %dma_start3A_251 = tpu.memref_slice %arg8[%dma_start3A_249, %dma_start3A_250] : memref<10240x80xf32, #tpu.memory_space<vmem_shared>> -> memref<10240x80xf32, #tpu.memory_space<vmem_shared>>
      tpu.enqueue_indirect_dma source(%dma_start3A_245 : memref<120x80xf32, #tpu.memory_space<vmem>>) target(%dma_start3A_251 : memref<10240x80xf32, #tpu.memory_space<vmem_shared>>) offsets(%dma_start3A_248 : memref<120xi32, #tpu.memory_space<vmem>>) semaphore(%run_scoped3A_241 : memref<!tpu.dma_semaphore, #tpu.memory_space<semaphore_mem>>) {add = true}
      %dma_wait3A_252 = arith.constant 0 : i32
      %dma_wait3A_253 = arith.constant 0 : i32
      %dma_wait3A_254 = tpu.memref_slice %arg7[%run_scoped3A_223, %dma_wait3A_252, %dma_wait3A_253] : memref<2x120x80xf32, #tpu.memory_space<vmem>> -> memref<1x120x80xf32, #tpu.memory_space<vmem>>
      %dma_wait3A_255 = tpu.memref_squeeze %dma_wait3A_254 : memref<1x120x80xf32, #tpu.memory_space<vmem>> -> memref<120x80xf32, #tpu.memory_space<vmem>>
      %dma_wait3A_256 = arith.constant 0 : i32
      %dma_wait3A_257 = tpu.memref_slice %arg6[%run_scoped3A_224, %dma_wait3A_256] : memref<8x120xi32, #tpu.memory_space<vmem>> -> memref<1x120xi32, #tpu.memory_space<vmem>>
      %dma_wait3A_258 = tpu.memref_squeeze %dma_wait3A_257 : memref<1x120xi32, #tpu.memory_space<vmem>> -> memref<120xi32, #tpu.memory_space<vmem>>
      %dma_wait3A_259 = arith.constant 0 : i32
      %dma_wait3A_260 = arith.constant 0 : i32
      %dma_wait3A_261 = tpu.memref_slice %arg8[%dma_wait3A_259, %dma_wait3A_260] : memref<10240x80xf32, #tpu.memory_space<vmem_shared>> -> memref<10240x80xf32, #tpu.memory_space<vmem_shared>>
      tpu.wait_indirect_dma semaphore(%run_scoped3A_241 : memref<!tpu.dma_semaphore, #tpu.memory_space<semaphore_mem>>) src(%dma_wait3A_255 : memref<120x80xf32, #tpu.memory_space<vmem>>) dst(%dma_wait3A_261 : memref<10240x80xf32, #tpu.memory_space<vmem_shared>>)
      tpu.yield
    }) : () -> ()
    %dma_wait3A_225 = arith.constant 1 : i32
    %dma_wait3A_226 = arith.constant 0 : i32
    %dma_wait3A_227 = arith.constant 0 : i32
    %dma_wait3A_228 = tpu.memref_slice %arg7[%dma_wait3A_225, %dma_wait3A_226, %dma_wait3A_227] : memref<2x120x80xf32, #tpu.memory_space<vmem>> -> memref<1x120x80xf32, #tpu.memory_space<vmem>>
    %dma_wait3A_229 = tpu.memref_squeeze %dma_wait3A_228 : memref<1x120x80xf32, #tpu.memory_space<vmem>> -> memref<120x80xf32, #tpu.memory_space<vmem>>
    %dma_wait3A_230 = arith.constant 0 : i32
    %dma_wait3A_231 = tpu.memref_slice %arg2[%add3A_196, %dma_wait3A_230] : memref<30720x80xf32, #tpu.memory_space<hbm>> -> memref<120x80xf32, #tpu.memory_space<hbm>>
    %dma_wait3A_232 = arith.constant 0 : i32
    %dma_wait3A_233 = arith.constant 0 : i32
    %dma_wait3A_234 = tpu.memref_slice %arg7[%dma_wait3A_225, %dma_wait3A_232, %dma_wait3A_233] : memref<2x120x80xf32, #tpu.memory_space<vmem>> -> memref<1x120x80xf32, #tpu.memory_space<vmem>>
    %dma_wait3A_235 = tpu.memref_squeeze %dma_wait3A_234 : memref<1x120x80xf32, #tpu.memory_space<vmem>> -> memref<120x80xf32, #tpu.memory_space<vmem>>
    %dma_wait3A_236 = arith.constant 0 : i32
    %dma_wait3A_237 = tpu.memref_slice %arg2[%add3A_196, %dma_wait3A_236] : memref<30720x80xf32, #tpu.memory_space<hbm>> -> memref<120x80xf32, #tpu.memory_space<hbm>>
    tpu.wait_dma2 semaphore(%arg10 : memref<!tpu.dma_semaphore, #tpu.memory_space<semaphore_mem>>) src(%dma_wait3A_237 : memref<120x80xf32, #tpu.memory_space<hbm>>) dst(%dma_wait3A_235 : memref<120x80xf32, #tpu.memory_space<vmem>>)
    %run_scoped3A_238 = arith.constant 1 : i32
    %run_scoped3A_239 = arith.constant 7 : i32
    "tpu.region"() ({
      %run_scoped3A_241 = tpu.sem_alloc : memref<!tpu.dma_semaphore, #tpu.memory_space<semaphore_mem>>
      %dma_start3A_242 = arith.constant 0 : i32
      %dma_start3A_243 = arith.constant 0 : i32
      %dma_start3A_244 = tpu.memref_slice %arg7[%run_scoped3A_238, %dma_start3A_242, %dma_start3A_243] : memref<2x120x80xf32, #tpu.memory_space<vmem>> -> memref<1x120x80xf32, #tpu.memory_space<vmem>>
      %dma_start3A_245 = tpu.memref_squeeze %dma_start3A_244 : memref<1x120x80xf32, #tpu.memory_space<vmem>> -> memref<120x80xf32, #tpu.memory_space<vmem>>
      %dma_start3A_246 = arith.constant 0 : i32
      %dma_start3A_247 = tpu.memref_slice %arg6[%run_scoped3A_239, %dma_start3A_246] : memref<8x120xi32, #tpu.memory_space<vmem>> -> memref<1x120xi32, #tpu.memory_space<vmem>>
      %dma_start3A_248 = tpu.memref_squeeze %dma_start3A_247 : memref<1x120xi32, #tpu.memory_space<vmem>> -> memref<120xi32, #tpu.memory_space<vmem>>
      %dma_start3A_249 = arith.constant 0 : i32
      %dma_start3A_250 = arith.constant 0 : i32
      %dma_start3A_251 = tpu.memref_slice %arg8[%dma_start3A_249, %dma_start3A_250] : memref<10240x80xf32, #tpu.memory_space<vmem_shared>> -> memref<10240x80xf32, #tpu.memory_space<vmem_shared>>
      tpu.enqueue_indirect_dma source(%dma_start3A_245 : memref<120x80xf32, #tpu.memory_space<vmem>>) target(%dma_start3A_251 : memref<10240x80xf32, #tpu.memory_space<vmem_shared>>) offsets(%dma_start3A_248 : memref<120xi32, #tpu.memory_space<vmem>>) semaphore(%run_scoped3A_241 : memref<!tpu.dma_semaphore, #tpu.memory_space<semaphore_mem>>) {add = true}
      %dma_wait3A_252 = arith.constant 0 : i32
      %dma_wait3A_253 = arith.constant 0 : i32
      %dma_wait3A_254 = tpu.memref_slice %arg7[%run_scoped3A_238, %dma_wait3A_252, %dma_wait3A_253] : memref<2x120x80xf32, #tpu.memory_space<vmem>> -> memref<1x120x80xf32, #tpu.memory_space<vmem>>
      %dma_wait3A_255 = tpu.memref_squeeze %dma_wait3A_254 : memref<1x120x80xf32, #tpu.memory_space<vmem>> -> memref<120x80xf32, #tpu.memory_space<vmem>>
      %dma_wait3A_256 = arith.constant 0 : i32
      %dma_wait3A_257 = tpu.memref_slice %arg6[%run_scoped3A_239, %dma_wait3A_256] : memref<8x120xi32, #tpu.memory_space<vmem>> -> memref<1x120xi32, #tpu.memory_space<vmem>>
      %dma_wait3A_258 = tpu.memref_squeeze %dma_wait3A_257 : memref<1x120xi32, #tpu.memory_space<vmem>> -> memref<120xi32, #tpu.memory_space<vmem>>
      %dma_wait3A_259 = arith.constant 0 : i32
      %dma_wait3A_260 = arith.constant 0 : i32
      %dma_wait3A_261 = tpu.memref_slice %arg8[%dma_wait3A_259, %dma_wait3A_260] : memref<10240x80xf32, #tpu.memory_space<vmem_shared>> -> memref<10240x80xf32, #tpu.memory_space<vmem_shared>>
      tpu.wait_indirect_dma semaphore(%run_scoped3A_241 : memref<!tpu.dma_semaphore, #tpu.memory_space<semaphore_mem>>) src(%dma_wait3A_255 : memref<120x80xf32, #tpu.memory_space<vmem>>) dst(%dma_wait3A_261 : memref<10240x80xf32, #tpu.memory_space<vmem_shared>>)
      tpu.yield
    }) : () -> ()
    %barrier3A_240 = arith.constant 0 : index
    tpu.barrier barrier_id(%barrier3A_240)
    "tpu.region"() ({
      %run_scoped3A_241 = tpu.sem_alloc : memref<!tpu.dma_semaphore, #tpu.memory_space<semaphore_mem>>
      %dma_start3A_242 = arith.constant 0 : i32
      %dma_start3A_243 = tpu.memref_slice %arg5[%arg0, %mul3A_2, %dma_start3A_242] : memref<2x10240x80xf32, #tpu.memory_space<hbm>> -> memref<1x640x80xf32, #tpu.memory_space<hbm>>
      %dma_start3A_244 = tpu.memref_squeeze %dma_start3A_243 : memref<1x640x80xf32, #tpu.memory_space<hbm>> -> memref<640x80xf32, #tpu.memory_space<hbm>>
      %dma_start3A_245 = arith.constant 0 : i32
      %dma_start3A_246 = tpu.memref_slice %arg8[%mul3A_2, %dma_start3A_245] : memref<10240x80xf32, #tpu.memory_space<vmem_shared>> -> memref<640x80xf32, #tpu.memory_space<vmem_shared>>
      tpu.enqueue_dma source(%dma_start3A_246 : memref<640x80xf32, #tpu.memory_space<vmem_shared>>) target(%dma_start3A_244 : memref<640x80xf32, #tpu.memory_space<hbm>>) target_semaphore(%run_scoped3A_241 : memref<!tpu.dma_semaphore, #tpu.memory_space<semaphore_mem>>)
      %dma_wait3A_247 = arith.constant 0 : i32
      %dma_wait3A_248 = tpu.memref_slice %arg5[%arg0, %mul3A_2, %dma_wait3A_247] : memref<2x10240x80xf32, #tpu.memory_space<hbm>> -> memref<1x640x80xf32, #tpu.memory_space<hbm>>
      %dma_wait3A_249 = tpu.memref_squeeze %dma_wait3A_248 : memref<1x640x80xf32, #tpu.memory_space<hbm>> -> memref<640x80xf32, #tpu.memory_space<hbm>>
      %dma_wait3A_250 = arith.constant 0 : i32
      %dma_wait3A_251 = tpu.memref_slice %arg8[%mul3A_2, %dma_wait3A_250] : memref<10240x80xf32, #tpu.memory_space<vmem_shared>> -> memref<640x80xf32, #tpu.memory_space<vmem_shared>>
      tpu.wait_dma2 semaphore(%run_scoped3A_241 : memref<!tpu.dma_semaphore, #tpu.memory_space<semaphore_mem>>) src(%dma_wait3A_251 : memref<640x80xf32, #tpu.memory_space<vmem_shared>>) dst(%dma_wait3A_249 : memref<640x80xf32, #tpu.memory_space<hbm>>)
      tpu.yield
    }) : () -> ()
    return
  }
}

#map = affine_map<(d0, d1) -> (0, 0)>
#map1 = affine_map<(d0, d1) -> (0, 0, 0)>
module attributes {stable_mosaic.version = 14 : i64} {
  func.func @gather_k(%arg0: i32, %arg1: i32, %arg2: memref<10000x64xf32, #tpu.memory_space<hbm>>, %arg3: memref<32x2x480xi32, #tpu.memory_space<hbm>>, %arg4: memref<30720x64xf32, #tpu.memory_space<hbm>>, %arg5: memref<2x480xi32, #tpu.memory_space<vmem>>, %arg6: memref<2x480x64xf32, #tpu.memory_space<vmem>>, %arg7: memref<!tpu.dma_semaphore, #tpu.memory_space<semaphore_mem>>, %arg8: memref<!tpu.dma_semaphore, #tpu.memory_space<semaphore_mem>>) attributes {dimension_semantics = [#tpu.dimension_semantics<core_parallel>, #tpu.dimension_semantics<subcore_parallel>], iteration_bounds = array<i64: 2, 16>, scalar_prefetch = 0 : i64, scratch_operands = 4 : i64, tpu.core_type = #tpu.core_type<sc_vector_subcore>, window_params = [{transform_indices = #map}, {transform_indices = #map1}, {transform_indices = #map}]} {
    %mul3A = arith.constant 2 : i32
    %mul3A_0 = arith.muli %arg1, %mul3A : i32
    %add3A = arith.addi %mul3A_0, %arg0 : i32
    %mul3A_1 = arith.constant 960 : i32
    %mul3A_2 = arith.muli %add3A, %mul3A_1 : i32
    "tpu.region"() ({
      %run_scoped3A_52 = tpu.sem_alloc : memref<!tpu.dma_semaphore, #tpu.memory_space<semaphore_mem>>
      %dma_start3A_53 = arith.constant 0 : i32
      %dma_start3A_54 = arith.constant 0 : i32
      %dma_start3A_55 = tpu.memref_slice %arg3[%add3A, %dma_start3A_53, %dma_start3A_54] : memref<32x2x480xi32, #tpu.memory_space<hbm>> -> memref<1x2x480xi32, #tpu.memory_space<hbm>>
      %dma_start3A_56 = tpu.memref_squeeze %dma_start3A_55 : memref<1x2x480xi32, #tpu.memory_space<hbm>> -> memref<2x480xi32, #tpu.memory_space<hbm>>
      %dma_start3A_57 = arith.constant 0 : i32
      %dma_start3A_58 = arith.constant 0 : i32
      %dma_start3A_59 = tpu.memref_slice %arg3[%add3A, %dma_start3A_57, %dma_start3A_58] : memref<32x2x480xi32, #tpu.memory_space<hbm>> -> memref<1x2x480xi32, #tpu.memory_space<hbm>>
      %dma_start3A_60 = tpu.memref_squeeze %dma_start3A_59 : memref<1x2x480xi32, #tpu.memory_space<hbm>> -> memref<2x480xi32, #tpu.memory_space<hbm>>
      tpu.enqueue_dma source(%dma_start3A_60 : memref<2x480xi32, #tpu.memory_space<hbm>>) target(%arg5 : memref<2x480xi32, #tpu.memory_space<vmem>>) target_semaphore(%run_scoped3A_52 : memref<!tpu.dma_semaphore, #tpu.memory_space<semaphore_mem>>)
      %dma_wait3A_61 = arith.constant 0 : i32
      %dma_wait3A_62 = arith.constant 0 : i32
      %dma_wait3A_63 = tpu.memref_slice %arg3[%add3A, %dma_wait3A_61, %dma_wait3A_62] : memref<32x2x480xi32, #tpu.memory_space<hbm>> -> memref<1x2x480xi32, #tpu.memory_space<hbm>>
      %dma_wait3A_64 = tpu.memref_squeeze %dma_wait3A_63 : memref<1x2x480xi32, #tpu.memory_space<hbm>> -> memref<2x480xi32, #tpu.memory_space<hbm>>
      %dma_wait3A_65 = arith.constant 0 : i32
      %dma_wait3A_66 = arith.constant 0 : i32
      %dma_wait3A_67 = tpu.memref_slice %arg3[%add3A, %dma_wait3A_65, %dma_wait3A_66] : memref<32x2x480xi32, #tpu.memory_space<hbm>> -> memref<1x2x480xi32, #tpu.memory_space<hbm>>
      %dma_wait3A_68 = tpu.memref_squeeze %dma_wait3A_67 : memref<1x2x480xi32, #tpu.memory_space<hbm>> -> memref<2x480xi32, #tpu.memory_space<hbm>>
      tpu.wait_dma2 semaphore(%run_scoped3A_52 : memref<!tpu.dma_semaphore, #tpu.memory_space<semaphore_mem>>) src(%dma_wait3A_68 : memref<2x480xi32, #tpu.memory_space<hbm>>) dst(%arg5 : memref<2x480xi32, #tpu.memory_space<vmem>>)
      tpu.yield
    }) : () -> ()
    %dma_start3A = arith.constant 0 : i32
    %dma_start3A_3 = arith.constant 0 : i32
    %dma_start3A_4 = arith.constant 0 : i32
    %dma_start3A_5 = arith.constant 0 : i32
    %dma_start3A_6 = tpu.memref_slice %arg6[%dma_start3A_3, %dma_start3A_4, %dma_start3A_5] : memref<2x480x64xf32, #tpu.memory_space<vmem>> -> memref<1x480x64xf32, #tpu.memory_space<vmem>>
    %dma_start3A_7 = tpu.memref_squeeze %dma_start3A_6 : memref<1x480x64xf32, #tpu.memory_space<vmem>> -> memref<480x64xf32, #tpu.memory_space<vmem>>
    %dma_start3A_8 = arith.constant 0 : i32
    %dma_start3A_9 = tpu.memref_slice %arg5[%dma_start3A, %dma_start3A_8] : memref<2x480xi32, #tpu.memory_space<vmem>> -> memref<1x480xi32, #tpu.memory_space<vmem>>
    %dma_start3A_10 = tpu.memref_squeeze %dma_start3A_9 : memref<1x480xi32, #tpu.memory_space<vmem>> -> memref<480xi32, #tpu.memory_space<vmem>>
    %dma_start3A_11 = arith.constant 0 : i32
    %dma_start3A_12 = arith.constant 0 : i32
    %dma_start3A_13 = tpu.memref_slice %arg2[%dma_start3A_11, %dma_start3A_12] : memref<10000x64xf32, #tpu.memory_space<hbm>> -> memref<10000x64xf32, #tpu.memory_space<hbm>>
    tpu.enqueue_indirect_dma source(%dma_start3A_13 : memref<10000x64xf32, #tpu.memory_space<hbm>>) target(%dma_start3A_7 : memref<480x64xf32, #tpu.memory_space<vmem>>) offsets(%dma_start3A_10 : memref<480xi32, #tpu.memory_space<vmem>>) semaphore(%arg7 : memref<!tpu.dma_semaphore, #tpu.memory_space<semaphore_mem>>)
    %dma_start3A_14 = arith.constant 1 : i32
    %dma_start3A_15 = arith.constant 1 : i32
    %dma_start3A_16 = arith.constant 0 : i32
    %dma_start3A_17 = arith.constant 0 : i32
    %dma_start3A_18 = tpu.memref_slice %arg6[%dma_start3A_15, %dma_start3A_16, %dma_start3A_17] : memref<2x480x64xf32, #tpu.memory_space<vmem>> -> memref<1x480x64xf32, #tpu.memory_space<vmem>>
    %dma_start3A_19 = tpu.memref_squeeze %dma_start3A_18 : memref<1x480x64xf32, #tpu.memory_space<vmem>> -> memref<480x64xf32, #tpu.memory_space<vmem>>
    %dma_start3A_20 = arith.constant 0 : i32
    %dma_start3A_21 = tpu.memref_slice %arg5[%dma_start3A_14, %dma_start3A_20] : memref<2x480xi32, #tpu.memory_space<vmem>> -> memref<1x480xi32, #tpu.memory_space<vmem>>
    %dma_start3A_22 = tpu.memref_squeeze %dma_start3A_21 : memref<1x480xi32, #tpu.memory_space<vmem>> -> memref<480xi32, #tpu.memory_space<vmem>>
    %dma_start3A_23 = arith.constant 0 : i32
    %dma_start3A_24 = arith.constant 0 : i32
    %dma_start3A_25 = tpu.memref_slice %arg2[%dma_start3A_23, %dma_start3A_24] : memref<10000x64xf32, #tpu.memory_space<hbm>> -> memref<10000x64xf32, #tpu.memory_space<hbm>>
    tpu.enqueue_indirect_dma source(%dma_start3A_25 : memref<10000x64xf32, #tpu.memory_space<hbm>>) target(%dma_start3A_19 : memref<480x64xf32, #tpu.memory_space<vmem>>) offsets(%dma_start3A_22 : memref<480xi32, #tpu.memory_space<vmem>>) semaphore(%arg8 : memref<!tpu.dma_semaphore, #tpu.memory_space<semaphore_mem>>)
    %dma_wait3A = arith.constant 0 : i32
    %dma_wait3A_26 = arith.constant 0 : i32
    %dma_wait3A_27 = arith.constant 0 : i32
    %dma_wait3A_28 = arith.constant 0 : i32
    %dma_wait3A_29 = tpu.memref_slice %arg6[%dma_wait3A_26, %dma_wait3A_27, %dma_wait3A_28] : memref<2x480x64xf32, #tpu.memory_space<vmem>> -> memref<1x480x64xf32, #tpu.memory_space<vmem>>
    %dma_wait3A_30 = tpu.memref_squeeze %dma_wait3A_29 : memref<1x480x64xf32, #tpu.memory_space<vmem>> -> memref<480x64xf32, #tpu.memory_space<vmem>>
    %dma_wait3A_31 = arith.constant 0 : i32
    %dma_wait3A_32 = tpu.memref_slice %arg5[%dma_wait3A, %dma_wait3A_31] : memref<2x480xi32, #tpu.memory_space<vmem>> -> memref<1x480xi32, #tpu.memory_space<vmem>>
    %dma_wait3A_33 = tpu.memref_squeeze %dma_wait3A_32 : memref<1x480xi32, #tpu.memory_space<vmem>> -> memref<480xi32, #tpu.memory_space<vmem>>
    %dma_wait3A_34 = arith.constant 0 : i32
    %dma_wait3A_35 = arith.constant 0 : i32
    %dma_wait3A_36 = tpu.memref_slice %arg2[%dma_wait3A_34, %dma_wait3A_35] : memref<10000x64xf32, #tpu.memory_space<hbm>> -> memref<10000x64xf32, #tpu.memory_space<hbm>>
    tpu.wait_indirect_dma semaphore(%arg7 : memref<!tpu.dma_semaphore, #tpu.memory_space<semaphore_mem>>) src(%dma_wait3A_36 : memref<10000x64xf32, #tpu.memory_space<hbm>>) dst(%dma_wait3A_30 : memref<480x64xf32, #tpu.memory_space<vmem>>)
    %run_scoped3A = arith.constant 0 : i32
    "tpu.region"() ({
      %run_scoped3A_52 = tpu.sem_alloc : memref<!tpu.dma_semaphore, #tpu.memory_space<semaphore_mem>>
      %dma_start3A_53 = arith.constant 0 : i32
      %dma_start3A_54 = arith.constant 0 : i32
      %dma_start3A_55 = tpu.memref_slice %arg6[%run_scoped3A, %dma_start3A_53, %dma_start3A_54] : memref<2x480x64xf32, #tpu.memory_space<vmem>> -> memref<1x480x64xf32, #tpu.memory_space<vmem>>
      %dma_start3A_56 = tpu.memref_squeeze %dma_start3A_55 : memref<1x480x64xf32, #tpu.memory_space<vmem>> -> memref<480x64xf32, #tpu.memory_space<vmem>>
      %dma_start3A_57 = arith.constant 0 : i32
      %dma_start3A_58 = tpu.memref_slice %arg4[%mul3A_2, %dma_start3A_57] : memref<30720x64xf32, #tpu.memory_space<hbm>> -> memref<480x64xf32, #tpu.memory_space<hbm>>
      %dma_start3A_59 = arith.constant 0 : i32
      %dma_start3A_60 = tpu.memref_slice %arg4[%mul3A_2, %dma_start3A_59] : memref<30720x64xf32, #tpu.memory_space<hbm>> -> memref<480x64xf32, #tpu.memory_space<hbm>>
      %dma_start3A_61 = arith.constant 0 : i32
      %dma_start3A_62 = arith.constant 0 : i32
      %dma_start3A_63 = tpu.memref_slice %arg6[%run_scoped3A, %dma_start3A_61, %dma_start3A_62] : memref<2x480x64xf32, #tpu.memory_space<vmem>> -> memref<1x480x64xf32, #tpu.memory_space<vmem>>
      %dma_start3A_64 = tpu.memref_squeeze %dma_start3A_63 : memref<1x480x64xf32, #tpu.memory_space<vmem>> -> memref<480x64xf32, #tpu.memory_space<vmem>>
      tpu.enqueue_dma source(%dma_start3A_64 : memref<480x64xf32, #tpu.memory_space<vmem>>) target(%dma_start3A_60 : memref<480x64xf32, #tpu.memory_space<hbm>>) target_semaphore(%run_scoped3A_52 : memref<!tpu.dma_semaphore, #tpu.memory_space<semaphore_mem>>)
      %dma_wait3A_65 = arith.constant 0 : i32
      %dma_wait3A_66 = arith.constant 0 : i32
      %dma_wait3A_67 = tpu.memref_slice %arg6[%run_scoped3A, %dma_wait3A_65, %dma_wait3A_66] : memref<2x480x64xf32, #tpu.memory_space<vmem>> -> memref<1x480x64xf32, #tpu.memory_space<vmem>>
      %dma_wait3A_68 = tpu.memref_squeeze %dma_wait3A_67 : memref<1x480x64xf32, #tpu.memory_space<vmem>> -> memref<480x64xf32, #tpu.memory_space<vmem>>
      %dma_wait3A_69 = arith.constant 0 : i32
      %dma_wait3A_70 = tpu.memref_slice %arg4[%mul3A_2, %dma_wait3A_69] : memref<30720x64xf32, #tpu.memory_space<hbm>> -> memref<480x64xf32, #tpu.memory_space<hbm>>
      %dma_wait3A_71 = arith.constant 0 : i32
      %dma_wait3A_72 = tpu.memref_slice %arg4[%mul3A_2, %dma_wait3A_71] : memref<30720x64xf32, #tpu.memory_space<hbm>> -> memref<480x64xf32, #tpu.memory_space<hbm>>
      %dma_wait3A_73 = arith.constant 0 : i32
      %dma_wait3A_74 = arith.constant 0 : i32
      %dma_wait3A_75 = tpu.memref_slice %arg6[%run_scoped3A, %dma_wait3A_73, %dma_wait3A_74] : memref<2x480x64xf32, #tpu.memory_space<vmem>> -> memref<1x480x64xf32, #tpu.memory_space<vmem>>
      %dma_wait3A_76 = tpu.memref_squeeze %dma_wait3A_75 : memref<1x480x64xf32, #tpu.memory_space<vmem>> -> memref<480x64xf32, #tpu.memory_space<vmem>>
      tpu.wait_dma2 semaphore(%run_scoped3A_52 : memref<!tpu.dma_semaphore, #tpu.memory_space<semaphore_mem>>) src(%dma_wait3A_76 : memref<480x64xf32, #tpu.memory_space<vmem>>) dst(%dma_wait3A_72 : memref<480x64xf32, #tpu.memory_space<hbm>>)
      tpu.yield
    }) : () -> ()
    %dma_wait3A_37 = arith.constant 1 : i32
    %dma_wait3A_38 = arith.constant 1 : i32
    %dma_wait3A_39 = arith.constant 0 : i32
    %dma_wait3A_40 = arith.constant 0 : i32
    %dma_wait3A_41 = tpu.memref_slice %arg6[%dma_wait3A_38, %dma_wait3A_39, %dma_wait3A_40] : memref<2x480x64xf32, #tpu.memory_space<vmem>> -> memref<1x480x64xf32, #tpu.memory_space<vmem>>
    %dma_wait3A_42 = tpu.memref_squeeze %dma_wait3A_41 : memref<1x480x64xf32, #tpu.memory_space<vmem>> -> memref<480x64xf32, #tpu.memory_space<vmem>>
    %dma_wait3A_43 = arith.constant 0 : i32
    %dma_wait3A_44 = tpu.memref_slice %arg5[%dma_wait3A_37, %dma_wait3A_43] : memref<2x480xi32, #tpu.memory_space<vmem>> -> memref<1x480xi32, #tpu.memory_space<vmem>>
    %dma_wait3A_45 = tpu.memref_squeeze %dma_wait3A_44 : memref<1x480xi32, #tpu.memory_space<vmem>> -> memref<480xi32, #tpu.memory_space<vmem>>
    %dma_wait3A_46 = arith.constant 0 : i32
    %dma_wait3A_47 = arith.constant 0 : i32
    %dma_wait3A_48 = tpu.memref_slice %arg2[%dma_wait3A_46, %dma_wait3A_47] : memref<10000x64xf32, #tpu.memory_space<hbm>> -> memref<10000x64xf32, #tpu.memory_space<hbm>>
    tpu.wait_indirect_dma semaphore(%arg8 : memref<!tpu.dma_semaphore, #tpu.memory_space<semaphore_mem>>) src(%dma_wait3A_48 : memref<10000x64xf32, #tpu.memory_space<hbm>>) dst(%dma_wait3A_42 : memref<480x64xf32, #tpu.memory_space<vmem>>)
    %add3A_49 = arith.constant 480 : i32
    %add3A_50 = arith.addi %mul3A_2, %add3A_49 : i32
    %run_scoped3A_51 = arith.constant 1 : i32
    "tpu.region"() ({
      %run_scoped3A_52 = tpu.sem_alloc : memref<!tpu.dma_semaphore, #tpu.memory_space<semaphore_mem>>
      %dma_start3A_53 = arith.constant 0 : i32
      %dma_start3A_54 = arith.constant 0 : i32
      %dma_start3A_55 = tpu.memref_slice %arg6[%run_scoped3A_51, %dma_start3A_53, %dma_start3A_54] : memref<2x480x64xf32, #tpu.memory_space<vmem>> -> memref<1x480x64xf32, #tpu.memory_space<vmem>>
      %dma_start3A_56 = tpu.memref_squeeze %dma_start3A_55 : memref<1x480x64xf32, #tpu.memory_space<vmem>> -> memref<480x64xf32, #tpu.memory_space<vmem>>
      %dma_start3A_57 = arith.constant 0 : i32
      %dma_start3A_58 = tpu.memref_slice %arg4[%add3A_50, %dma_start3A_57] : memref<30720x64xf32, #tpu.memory_space<hbm>> -> memref<480x64xf32, #tpu.memory_space<hbm>>
      %dma_start3A_59 = arith.constant 0 : i32
      %dma_start3A_60 = tpu.memref_slice %arg4[%add3A_50, %dma_start3A_59] : memref<30720x64xf32, #tpu.memory_space<hbm>> -> memref<480x64xf32, #tpu.memory_space<hbm>>
      %dma_start3A_61 = arith.constant 0 : i32
      %dma_start3A_62 = arith.constant 0 : i32
      %dma_start3A_63 = tpu.memref_slice %arg6[%run_scoped3A_51, %dma_start3A_61, %dma_start3A_62] : memref<2x480x64xf32, #tpu.memory_space<vmem>> -> memref<1x480x64xf32, #tpu.memory_space<vmem>>
      %dma_start3A_64 = tpu.memref_squeeze %dma_start3A_63 : memref<1x480x64xf32, #tpu.memory_space<vmem>> -> memref<480x64xf32, #tpu.memory_space<vmem>>
      tpu.enqueue_dma source(%dma_start3A_64 : memref<480x64xf32, #tpu.memory_space<vmem>>) target(%dma_start3A_60 : memref<480x64xf32, #tpu.memory_space<hbm>>) target_semaphore(%run_scoped3A_52 : memref<!tpu.dma_semaphore, #tpu.memory_space<semaphore_mem>>)
      %dma_wait3A_65 = arith.constant 0 : i32
      %dma_wait3A_66 = arith.constant 0 : i32
      %dma_wait3A_67 = tpu.memref_slice %arg6[%run_scoped3A_51, %dma_wait3A_65, %dma_wait3A_66] : memref<2x480x64xf32, #tpu.memory_space<vmem>> -> memref<1x480x64xf32, #tpu.memory_space<vmem>>
      %dma_wait3A_68 = tpu.memref_squeeze %dma_wait3A_67 : memref<1x480x64xf32, #tpu.memory_space<vmem>> -> memref<480x64xf32, #tpu.memory_space<vmem>>
      %dma_wait3A_69 = arith.constant 0 : i32
      %dma_wait3A_70 = tpu.memref_slice %arg4[%add3A_50, %dma_wait3A_69] : memref<30720x64xf32, #tpu.memory_space<hbm>> -> memref<480x64xf32, #tpu.memory_space<hbm>>
      %dma_wait3A_71 = arith.constant 0 : i32
      %dma_wait3A_72 = tpu.memref_slice %arg4[%add3A_50, %dma_wait3A_71] : memref<30720x64xf32, #tpu.memory_space<hbm>> -> memref<480x64xf32, #tpu.memory_space<hbm>>
      %dma_wait3A_73 = arith.constant 0 : i32
      %dma_wait3A_74 = arith.constant 0 : i32
      %dma_wait3A_75 = tpu.memref_slice %arg6[%run_scoped3A_51, %dma_wait3A_73, %dma_wait3A_74] : memref<2x480x64xf32, #tpu.memory_space<vmem>> -> memref<1x480x64xf32, #tpu.memory_space<vmem>>
      %dma_wait3A_76 = tpu.memref_squeeze %dma_wait3A_75 : memref<1x480x64xf32, #tpu.memory_space<vmem>> -> memref<480x64xf32, #tpu.memory_space<vmem>>
      tpu.wait_dma2 semaphore(%run_scoped3A_52 : memref<!tpu.dma_semaphore, #tpu.memory_space<semaphore_mem>>) src(%dma_wait3A_76 : memref<480x64xf32, #tpu.memory_space<vmem>>) dst(%dma_wait3A_72 : memref<480x64xf32, #tpu.memory_space<hbm>>)
      tpu.yield
    }) : () -> ()
    return
  }
}

module attributes {stable_mosaic.version = 14 : i64} {
  func.func @_msg1_body(%arg0: i32, %arg1: memref<1920x16xf32, #tpu.memory_space<vmem>>, %arg2: memref<1920x32xf32, #tpu.memory_space<vmem>>, %arg3: memref<16x32xf32, #tpu.memory_space<vmem>>, %arg4: memref<1x32xf32, #tpu.memory_space<vmem>>, %arg5: memref<32x2112xbf16, #tpu.memory_space<vmem>>, %arg6: memref<64x2112xbf16, #tpu.memory_space<vmem>>, %arg7: memref<64x2048xbf16, #tpu.memory_space<vmem>>, %arg8: memref<1920x80xf32, #tpu.memory_space<vmem>>) attributes {dimension_semantics = [#tpu.dimension_semantics<arbitrary>], iteration_bounds = array<i64: 16>, scalar_prefetch = 0 : i64, scratch_operands = 0 : i64, tpu.core_type = #tpu.core_type<tc>, window_params = [{transform_indices = @transform_0, window_bounds = array<i64: 1920, 16>}, {transform_indices = @transform_1, window_bounds = array<i64: 1920, 32>}, {pipeline_mode = #tpu.pipeline_mode<synchronous>, transform_indices = @transform_2, window_bounds = array<i64: 16, 32>}, {pipeline_mode = #tpu.pipeline_mode<synchronous>, transform_indices = @transform_3, window_bounds = array<i64: 1, 32>}, {pipeline_mode = #tpu.pipeline_mode<synchronous>, transform_indices = @transform_4, window_bounds = array<i64: 32, 2112>}, {pipeline_mode = #tpu.pipeline_mode<synchronous>, transform_indices = @transform_5, window_bounds = array<i64: 64, 2112>}, {pipeline_mode = #tpu.pipeline_mode<synchronous>, transform_indices = @transform_6, window_bounds = array<i64: 64, 2048>}, {transform_indices = @transform_7, window_bounds = array<i64: 1920, 80>}]} {
    %get3A = arith.constant 0 : index
    %get3A_0 = arith.constant 0 : index
    %get3A_1 = vector.load %arg2[%get3A, %get3A_0] : memref<1920x32xf32, #tpu.memory_space<vmem>>, vector<1920x32xf32>
    %get3A_2 = arith.constant 0 : index
    %get3A_3 = arith.constant 0 : index
    %get3A_4 = vector.load %arg1[%get3A_2, %get3A_3] : memref<1920x16xf32, #tpu.memory_space<vmem>>, vector<1920x16xf32>
    %get3A_5 = arith.constant 0 : index
    %get3A_6 = arith.constant 0 : index
    %get3A_7 = vector.load %arg3[%get3A_5, %get3A_6] : memref<16x32xf32, #tpu.memory_space<vmem>>, vector<16x32xf32>
    %convert_element_type3A = arith.truncf %get3A_4 : vector<1920x16xf32> to vector<1920x16xbf16>
    %convert_element_type3A_8 = arith.extf %convert_element_type3A : vector<1920x16xbf16> to vector<1920x16xf32>
    %sub3A = arith.subf %get3A_4, %convert_element_type3A_8 : vector<1920x16xf32>
    %convert_element_type3A_9 = arith.truncf %sub3A : vector<1920x16xf32> to vector<1920x16xbf16>
    %convert_element_type3A_10 = arith.truncf %get3A_7 : vector<16x32xf32> to vector<16x32xbf16>
    %convert_element_type3A_11 = arith.extf %convert_element_type3A_10 : vector<16x32xbf16> to vector<16x32xf32>
    %sub3A_12 = arith.subf %get3A_7, %convert_element_type3A_11 : vector<16x32xf32>
    %convert_element_type3A_13 = arith.truncf %sub3A_12 : vector<16x32xf32> to vector<16x32xbf16>
    %dot_general3A = arith.constant dense<0.000000e+00> : vector<1920x32xf32>
    %dot_general3A_14 = tpu.matmul %convert_element_type3A, %convert_element_type3A_10, %dot_general3A {dimension_numbers = #tpu.dot_dimension_numbers<[1], [0], [0], [1], [0, 0, 1, 1], [], []>, transpose_lhs_hint = false} : vector<1920x16xbf16>, vector<16x32xbf16>, vector<1920x32xf32> -> vector<1920x32xf32>
    %dot_general3A_15 = arith.constant dense<0.000000e+00> : vector<1920x32xf32>
    %dot_general3A_16 = tpu.matmul %convert_element_type3A, %convert_element_type3A_13, %dot_general3A_15 {dimension_numbers = #tpu.dot_dimension_numbers<[1], [0], [0], [1], [0, 0, 1, 1], [], []>, transpose_lhs_hint = false} : vector<1920x16xbf16>, vector<16x32xbf16>, vector<1920x32xf32> -> vector<1920x32xf32>
    %add3A = arith.addf %dot_general3A_14, %dot_general3A_16 : vector<1920x32xf32>
    %dot_general3A_17 = arith.constant dense<0.000000e+00> : vector<1920x32xf32>
    %dot_general3A_18 = tpu.matmul %convert_element_type3A_9, %convert_element_type3A_10, %dot_general3A_17 {dimension_numbers = #tpu.dot_dimension_numbers<[1], [0], [0], [1], [0, 0, 1, 1], [], []>, transpose_lhs_hint = false} : vector<1920x16xbf16>, vector<16x32xbf16>, vector<1920x32xf32> -> vector<1920x32xf32>
    %add3A_19 = arith.addf %add3A, %dot_general3A_18 : vector<1920x32xf32>
    %get3A_20 = arith.constant 0 : index
    %get3A_21 = arith.constant 0 : index
    %get3A_22 = vector.load %arg4[%get3A_20, %get3A_21] : memref<1x32xf32, #tpu.memory_space<vmem>>, vector<1x32xf32>
    %add3A_23 = vector.broadcast %get3A_22 : vector<1x32xf32> to vector<1920x32xf32>
    %add3A_24 = arith.addf %add3A_19, %add3A_23 : vector<1920x32xf32>
    %max3A = arith.constant 0.000000e+00 : f32
    %max3A_25 = vector.broadcast %max3A : f32 to vector<1920x32xf32>
    %max3A_26 = arith.maximumf %add3A_24, %max3A_25 : vector<1920x32xf32>
    %convert_element_type3A_27 = arith.truncf %get3A_1 : vector<1920x32xf32> to vector<1920x32xbf16>
    %convert_element_type3A_28 = arith.extf %convert_element_type3A_27 : vector<1920x32xbf16> to vector<1920x32xf32>
    %sub3A_29 = arith.subf %get3A_1, %convert_element_type3A_28 : vector<1920x32xf32>
    %convert_element_type3A_30 = arith.truncf %sub3A_29 : vector<1920x32xf32> to vector<1920x32xbf16>
    %concatenate3A = tpu.concatenate %convert_element_type3A_27, %convert_element_type3A_30 in 1 : vector<1920x32xbf16>, vector<1920x32xbf16> -> vector<1920x64xbf16>
    %get3A_31 = arith.constant 0 : index
    %get3A_32 = arith.constant 0 : index
    %get3A_33 = vector.load %arg6[%get3A_31, %get3A_32] : memref<64x2112xbf16, #tpu.memory_space<vmem>>, vector<64x2112xbf16>
    %dot_general3A_34 = arith.constant dense<0.000000e+00> : vector<1920x2112xf32>
    %dot_general3A_35 = tpu.matmul %concatenate3A, %get3A_33, %dot_general3A_34 {dimension_numbers = #tpu.dot_dimension_numbers<[1], [0], [0], [1], [0, 0, 1, 1], [], []>, transpose_lhs_hint = false} : vector<1920x64xbf16>, vector<64x2112xbf16>, vector<1920x2112xf32> -> vector<1920x2112xf32>
    %get3A_36 = arith.constant 0 : index
    %get3A_37 = arith.constant 0 : index
    %get3A_38 = vector.load %arg5[%get3A_36, %get3A_37] : memref<32x2112xbf16, #tpu.memory_space<vmem>>, vector<32x2112xbf16>
    %dot_general3A_39 = arith.constant dense<0.000000e+00> : vector<1920x2112xf32>
    %dot_general3A_40 = tpu.matmul %convert_element_type3A_27, %get3A_38, %dot_general3A_39 {dimension_numbers = #tpu.dot_dimension_numbers<[1], [0], [0], [1], [0, 0, 1, 1], [], []>, transpose_lhs_hint = false} : vector<1920x32xbf16>, vector<32x2112xbf16>, vector<1920x2112xf32> -> vector<1920x2112xf32>
    %add3A_41 = arith.addf %dot_general3A_40, %dot_general3A_35 : vector<1920x2112xf32>
    %convert_element_type3A_42 = arith.truncf %max3A_26 : vector<1920x32xf32> to vector<1920x32xbf16>
    %convert_element_type3A_43 = arith.extf %convert_element_type3A_42 : vector<1920x32xbf16> to vector<1920x32xf32>
    %sub3A_44 = arith.subf %max3A_26, %convert_element_type3A_43 : vector<1920x32xf32>
    %convert_element_type3A_45 = arith.truncf %sub3A_44 : vector<1920x32xf32> to vector<1920x32xbf16>
    %concatenate3A_46 = tpu.concatenate %convert_element_type3A_42, %convert_element_type3A_45 in 1 : vector<1920x32xbf16>, vector<1920x32xbf16> -> vector<1920x64xbf16>
    %get3A_47 = arith.constant 0 : index
    %get3A_48 = arith.constant 0 : index
    %get3A_49 = vector.load %arg7[%get3A_47, %get3A_48] : memref<64x2048xbf16, #tpu.memory_space<vmem>>, vector<64x2048xbf16>
    %dot_general3A_50 = arith.constant dense<0.000000e+00> : vector<1920x2048xf32>
    %dot_general3A_51 = tpu.matmul %concatenate3A_46, %get3A_49, %dot_general3A_50 {dimension_numbers = #tpu.dot_dimension_numbers<[1], [0], [0], [1], [0, 0, 1, 1], [], []>, transpose_lhs_hint = false} : vector<1920x64xbf16>, vector<64x2048xbf16>, vector<1920x2048xf32> -> vector<1920x2048xf32>
    %slice3A = vector.extract_strided_slice %add3A_41 {offsets = [0, 0], sizes = [1920, 2048], strides = [1, 1]} : vector<1920x2112xf32> to vector<1920x2048xf32>
    %mul3A = arith.mulf %dot_general3A_51, %slice3A : vector<1920x2048xf32>
    %slice3A_52 = vector.extract_strided_slice %mul3A {offsets = [0, 0], sizes = [1920, 128], strides = [1, 1]} : vector<1920x2048xf32> to vector<1920x128xf32>
    %slice3A_53 = vector.extract_strided_slice %mul3A {offsets = [0, 128], sizes = [1920, 128], strides = [1, 1]} : vector<1920x2048xf32> to vector<1920x128xf32>
    %add3A_54 = arith.addf %slice3A_52, %slice3A_53 : vector<1920x128xf32>
    %slice3A_55 = vector.extract_strided_slice %mul3A {offsets = [0, 256], sizes = [1920, 128], strides = [1, 1]} : vector<1920x2048xf32> to vector<1920x128xf32>
    %add3A_56 = arith.addf %add3A_54, %slice3A_55 : vector<1920x128xf32>
    %slice3A_57 = vector.extract_strided_slice %mul3A {offsets = [0, 384], sizes = [1920, 128], strides = [1, 1]} : vector<1920x2048xf32> to vector<1920x128xf32>
    %add3A_58 = arith.addf %add3A_56, %slice3A_57 : vector<1920x128xf32>
    %slice3A_59 = vector.extract_strided_slice %mul3A {offsets = [0, 512], sizes = [1920, 128], strides = [1, 1]} : vector<1920x2048xf32> to vector<1920x128xf32>
    %add3A_60 = arith.addf %add3A_58, %slice3A_59 : vector<1920x128xf32>
    %slice3A_61 = vector.extract_strided_slice %mul3A {offsets = [0, 640], sizes = [1920, 128], strides = [1, 1]} : vector<1920x2048xf32> to vector<1920x128xf32>
    %add3A_62 = arith.addf %add3A_60, %slice3A_61 : vector<1920x128xf32>
    %slice3A_63 = vector.extract_strided_slice %mul3A {offsets = [0, 768], sizes = [1920, 128], strides = [1, 1]} : vector<1920x2048xf32> to vector<1920x128xf32>
    %add3A_64 = arith.addf %add3A_62, %slice3A_63 : vector<1920x128xf32>
    %slice3A_65 = vector.extract_strided_slice %mul3A {offsets = [0, 896], sizes = [1920, 128], strides = [1, 1]} : vector<1920x2048xf32> to vector<1920x128xf32>
    %add3A_66 = arith.addf %add3A_64, %slice3A_65 : vector<1920x128xf32>
    %slice3A_67 = vector.extract_strided_slice %mul3A {offsets = [0, 1024], sizes = [1920, 128], strides = [1, 1]} : vector<1920x2048xf32> to vector<1920x128xf32>
    %add3A_68 = arith.addf %add3A_66, %slice3A_67 : vector<1920x128xf32>
    %slice3A_69 = vector.extract_strided_slice %mul3A {offsets = [0, 1152], sizes = [1920, 128], strides = [1, 1]} : vector<1920x2048xf32> to vector<1920x128xf32>
    %add3A_70 = arith.addf %add3A_68, %slice3A_69 : vector<1920x128xf32>
    %slice3A_71 = vector.extract_strided_slice %mul3A {offsets = [0, 1280], sizes = [1920, 128], strides = [1, 1]} : vector<1920x2048xf32> to vector<1920x128xf32>
    %add3A_72 = arith.addf %add3A_70, %slice3A_71 : vector<1920x128xf32>
    %slice3A_73 = vector.extract_strided_slice %mul3A {offsets = [0, 1408], sizes = [1920, 128], strides = [1, 1]} : vector<1920x2048xf32> to vector<1920x128xf32>
    %add3A_74 = arith.addf %add3A_72, %slice3A_73 : vector<1920x128xf32>
    %slice3A_75 = vector.extract_strided_slice %mul3A {offsets = [0, 1536], sizes = [1920, 128], strides = [1, 1]} : vector<1920x2048xf32> to vector<1920x128xf32>
    %add3A_76 = arith.addf %add3A_74, %slice3A_75 : vector<1920x128xf32>
    %slice3A_77 = vector.extract_strided_slice %mul3A {offsets = [0, 1664], sizes = [1920, 128], strides = [1, 1]} : vector<1920x2048xf32> to vector<1920x128xf32>
    %add3A_78 = arith.addf %add3A_76, %slice3A_77 : vector<1920x128xf32>
    %slice3A_79 = vector.extract_strided_slice %mul3A {offsets = [0, 1792], sizes = [1920, 128], strides = [1, 1]} : vector<1920x2048xf32> to vector<1920x128xf32>
    %add3A_80 = arith.addf %add3A_78, %slice3A_79 : vector<1920x128xf32>
    %slice3A_81 = vector.extract_strided_slice %mul3A {offsets = [0, 1920], sizes = [1920, 128], strides = [1, 1]} : vector<1920x2048xf32> to vector<1920x128xf32>
    %add3A_82 = arith.addf %add3A_80, %slice3A_81 : vector<1920x128xf32>
    %slice3A_83 = vector.extract_strided_slice %add3A_82 {offsets = [0, 0], sizes = [1920, 64], strides = [1, 1]} : vector<1920x128xf32> to vector<1920x64xf32>
    %slice3A_84 = vector.extract_strided_slice %add3A_82 {offsets = [0, 64], sizes = [1920, 64], strides = [1, 1]} : vector<1920x128xf32> to vector<1920x64xf32>
    %add3A_85 = arith.addf %slice3A_83, %slice3A_84 : vector<1920x64xf32>
    %slice3A_86 = vector.extract_strided_slice %add3A_41 {offsets = [0, 2048], sizes = [1920, 64], strides = [1, 1]} : vector<1920x2112xf32> to vector<1920x64xf32>
    %add3A_87 = arith.addf %add3A_85, %slice3A_86 : vector<1920x64xf32>
    %mul3A_88 = arith.constant 1920 : i32
    %mul3A_89 = arith.muli %arg0, %mul3A_88 : i32
    %iota3A = tpu.iota {dimensions = array<i32: 0>} : vector<1920x1xi32>
    %add3A_90 = vector.broadcast %mul3A_89 : i32 to vector<1920x1xi32>
    %add3A_91 = arith.addi %add3A_90, %iota3A : vector<1920x1xi32>
    %lt3A = arith.constant 30000 : i32
    %lt3A_92 = vector.broadcast %lt3A : i32 to vector<1920x1xi32>
    %lt3A_93 = arith.cmpi slt, %add3A_91, %lt3A_92 : vector<1920x1xi32>
    %jit3A = arith.constant 0.000000e+00 : f32
    %broadcast_in_dim3A = vector.shape_cast %lt3A_93 : vector<1920x1xi1> to vector<1920x1xi1>
    %broadcast_in_dim3A_94 = vector.broadcast %broadcast_in_dim3A : vector<1920x1xi1> to vector<1920x64xi1>
    %broadcast_in_dim3A_95 = vector.broadcast %jit3A : f32 to vector<1920x64xf32>
    %select_n3A = arith.select %broadcast_in_dim3A_94, %add3A_87, %broadcast_in_dim3A_95 : vector<1920x64xi1>, vector<1920x64xf32>
    %swap3A = arith.constant 0 : index
    %swap3A_96 = arith.constant 0 : index
    %swap3A_97 = vector.load %arg8[%swap3A, %swap3A_96] : memref<1920x80xf32, #tpu.memory_space<vmem>>, vector<1920x64xf32>
    tpu.vector_store %arg8[%swap3A, %swap3A_96], %select_n3A {strides = array<i32>} : memref<1920x80xf32, #tpu.memory_space<vmem>>, vector<1920x64xf32>,
    %iota3A_98 = tpu.iota {dimensions = array<i32: 1>} : vector<1920x16xi32>
    %eq3A = arith.constant 0 : i32
    %eq3A_99 = vector.broadcast %eq3A : i32 to vector<1920x16xi32>
    %eq3A_100 = arith.cmpi eq, %iota3A_98, %eq3A_99 : vector<1920x16xi32>
    %and3A = vector.broadcast %lt3A_93 : vector<1920x1xi1> to vector<1920x16xi1>
    %and3A_101 = arith.andi %and3A, %eq3A_100 : vector<1920x16xi1>
    %jit3A_102 = arith.constant 1.000000e+00 : f32
    %jit3A_103 = arith.constant 0.000000e+00 : f32
    %broadcast_in_dim3A_104 = vector.broadcast %jit3A_102 : f32 to vector<1920x16xf32>
    %broadcast_in_dim3A_105 = vector.broadcast %jit3A_103 : f32 to vector<1920x16xf32>
    %select_n3A_106 = arith.select %and3A_101, %broadcast_in_dim3A_104, %broadcast_in_dim3A_105 : vector<1920x16xi1>, vector<1920x16xf32>
    %swap3A_107 = arith.constant 0 : index
    %swap3A_108 = arith.constant 64 : index
    %swap3A_109 = vector.load %arg8[%swap3A_107, %swap3A_108] : memref<1920x80xf32, #tpu.memory_space<vmem>>, vector<1920x16xf32>
    tpu.vector_store %arg8[%swap3A_107, %swap3A_108], %select_n3A_106 {strides = array<i32>} : memref<1920x80xf32, #tpu.memory_space<vmem>>, vector<1920x16xf32>,
    return
  }
  func.func @transform_0(%arg0: i32) -> (i32, i32) {
    %c0_i32 = arith.constant 0 : i32
    %c0_i32_0 = arith.constant 0 : i32
    return %arg0, %c0_i32 : i32, i32
  }
  func.func @transform_1(%arg0: i32) -> (i32, i32) {
    %c0_i32 = arith.constant 0 : i32
    %c0_i32_0 = arith.constant 0 : i32
    return %arg0, %c0_i32 : i32, i32
  }
  func.func @transform_2(%arg0: i32) -> (i32, i32) {
    %c0_i32 = arith.constant 0 : i32
    %c0_i32_0 = arith.constant 0 : i32
    %c0_i32_1 = arith.constant 0 : i32
    return %c0_i32, %c0_i32_0 : i32, i32
  }
  func.func @transform_3(%arg0: i32) -> (i32, i32) {
    %c0_i32 = arith.constant 0 : i32
    %c0_i32_0 = arith.constant 0 : i32
    %c0_i32_1 = arith.constant 0 : i32
    return %c0_i32, %c0_i32_0 : i32, i32
  }
  func.func @transform_4(%arg0: i32) -> (i32, i32) {
    %c0_i32 = arith.constant 0 : i32
    %c0_i32_0 = arith.constant 0 : i32
    %c0_i32_1 = arith.constant 0 : i32
    return %c0_i32, %c0_i32_0 : i32, i32
  }
  func.func @transform_5(%arg0: i32) -> (i32, i32) {
    %c0_i32 = arith.constant 0 : i32
    %c0_i32_0 = arith.constant 0 : i32
    %c0_i32_1 = arith.constant 0 : i32
    return %c0_i32, %c0_i32_0 : i32, i32
  }
  func.func @transform_6(%arg0: i32) -> (i32, i32) {
    %c0_i32 = arith.constant 0 : i32
    %c0_i32_0 = arith.constant 0 : i32
    %c0_i32_1 = arith.constant 0 : i32
    return %c0_i32, %c0_i32_0 : i32, i32
  }
  func.func @transform_7(%arg0: i32) -> (i32, i32) {
    %c0_i32 = arith.constant 0 : i32
    %c0_i32_0 = arith.constant 0 : i32
    return %arg0, %c0_i32 : i32, i32
  }
}

module attributes {stable_mosaic.version = 14 : i64} {
  func.func @_node1_body(%arg0: memref<2x10240x80xf32, #tpu.memory_space<vmem>>, %arg1: memref<10000x32xf32, #tpu.memory_space<vmem>>, %arg2: memref<32x64xf32, #tpu.memory_space<vmem>>, %arg3: memref<1x64xf32, #tpu.memory_space<vmem>>, %arg4: memref<1x64xf32, #tpu.memory_space<vmem>>, %arg5: memref<1x64xf32, #tpu.memory_space<vmem>>, %arg6: memref<10000x64xf32, #tpu.memory_space<vmem>>, %arg7: memref<10000x1xf32, #tpu.memory_space<vmem>>) attributes {dimension_semantics = [], scalar_prefetch = 0 : i64, scratch_operands = 0 : i64, tpu.core_type = #tpu.core_type<tc>} {
    %get3A = arith.constant 0 : index
    %get3A_0 = arith.constant 0 : index
    %get3A_1 = arith.constant 0 : index
    %get3A_2 = vector.load %arg0[%get3A, %get3A_0, %get3A_1] : memref<2x10240x80xf32, #tpu.memory_space<vmem>>, vector<1x10240x80xf32>
    %get3A_3 = vector.shape_cast %get3A_2 : vector<1x10240x80xf32> to vector<10240x80xf32>
    %get3A_4 = arith.constant 1 : index
    %get3A_5 = arith.constant 0 : index
    %get3A_6 = arith.constant 0 : index
    %get3A_7 = vector.load %arg0[%get3A_4, %get3A_5, %get3A_6] : memref<2x10240x80xf32, #tpu.memory_space<vmem>>, vector<1x10240x80xf32>
    %get3A_8 = vector.shape_cast %get3A_7 : vector<1x10240x80xf32> to vector<10240x80xf32>
    %add3A = arith.addf %get3A_3, %get3A_8 : vector<10240x80xf32>
    %slice3A = vector.extract_strided_slice %add3A {offsets = [0, 0], sizes = [10000, 64], strides = [1, 1]} : vector<10240x80xf32> to vector<10000x64xf32>
    %slice3A_9 = vector.extract_strided_slice %add3A {offsets = [0, 64], sizes = [10000, 1], strides = [1, 1]} : vector<10240x80xf32> to vector<10000x1xf32>
    %max3A = arith.constant 1.000000e+00 : f32
    %max3A_10 = vector.broadcast %max3A : f32 to vector<10000x1xf32>
    %max3A_11 = arith.maximumf %slice3A_9, %max3A_10 : vector<10000x1xf32>
    %div3A = arith.constant 1.000000e+00 : f32
    %div3A_12 = vector.broadcast %div3A : f32 to vector<10000x1xf32>
    %div3A_13 = arith.divf %div3A_12, %max3A_11 : vector<10000x1xf32>
    %mul3A = vector.broadcast %div3A_13 : vector<10000x1xf32> to vector<10000x64xf32>
    %mul3A_14 = arith.mulf %slice3A, %mul3A : vector<10000x64xf32>
    %get3A_15 = arith.constant 0 : index
    %get3A_16 = arith.constant 0 : index
    %get3A_17 = vector.load %arg1[%get3A_15, %get3A_16] : memref<10000x32xf32, #tpu.memory_space<vmem>>, vector<10000x32xf32>
    %get3A_18 = arith.constant 0 : index
    %get3A_19 = arith.constant 0 : index
    %get3A_20 = vector.load %arg2[%get3A_18, %get3A_19] : memref<32x64xf32, #tpu.memory_space<vmem>>, vector<32x64xf32>
    %convert_element_type3A = arith.truncf %get3A_17 : vector<10000x32xf32> to vector<10000x32xbf16>
    %convert_element_type3A_21 = arith.extf %convert_element_type3A : vector<10000x32xbf16> to vector<10000x32xf32>
    %sub3A = arith.subf %get3A_17, %convert_element_type3A_21 : vector<10000x32xf32>
    %convert_element_type3A_22 = arith.truncf %sub3A : vector<10000x32xf32> to vector<10000x32xbf16>
    %convert_element_type3A_23 = arith.truncf %get3A_20 : vector<32x64xf32> to vector<32x64xbf16>
    %convert_element_type3A_24 = arith.extf %convert_element_type3A_23 : vector<32x64xbf16> to vector<32x64xf32>
    %sub3A_25 = arith.subf %get3A_20, %convert_element_type3A_24 : vector<32x64xf32>
    %convert_element_type3A_26 = arith.truncf %sub3A_25 : vector<32x64xf32> to vector<32x64xbf16>
    %dot_general3A = arith.constant dense<0.000000e+00> : vector<10000x64xf32>
    %dot_general3A_27 = tpu.matmul %convert_element_type3A, %convert_element_type3A_23, %dot_general3A {dimension_numbers = #tpu.dot_dimension_numbers<[1], [0], [0], [1], [0, 0, 1, 1], [], []>, transpose_lhs_hint = false} : vector<10000x32xbf16>, vector<32x64xbf16>, vector<10000x64xf32> -> vector<10000x64xf32>
    %dot_general3A_28 = arith.constant dense<0.000000e+00> : vector<10000x64xf32>
    %dot_general3A_29 = tpu.matmul %convert_element_type3A, %convert_element_type3A_26, %dot_general3A_28 {dimension_numbers = #tpu.dot_dimension_numbers<[1], [0], [0], [1], [0, 0, 1, 1], [], []>, transpose_lhs_hint = false} : vector<10000x32xbf16>, vector<32x64xbf16>, vector<10000x64xf32> -> vector<10000x64xf32>
    %add3A_30 = arith.addf %dot_general3A_27, %dot_general3A_29 : vector<10000x64xf32>
    %dot_general3A_31 = arith.constant dense<0.000000e+00> : vector<10000x64xf32>
    %dot_general3A_32 = tpu.matmul %convert_element_type3A_22, %convert_element_type3A_23, %dot_general3A_31 {dimension_numbers = #tpu.dot_dimension_numbers<[1], [0], [0], [1], [0, 0, 1, 1], [], []>, transpose_lhs_hint = false} : vector<10000x32xbf16>, vector<32x64xbf16>, vector<10000x64xf32> -> vector<10000x64xf32>
    %add3A_33 = arith.addf %add3A_30, %dot_general3A_32 : vector<10000x64xf32>
    %add3A_34 = arith.addf %mul3A_14, %add3A_33 : vector<10000x64xf32>
    %get3A_35 = arith.constant 0 : index
    %get3A_36 = arith.constant 0 : index
    %get3A_37 = vector.load %arg3[%get3A_35, %get3A_36] : memref<1x64xf32, #tpu.memory_space<vmem>>, vector<1x64xf32>
    %add3A_38 = vector.broadcast %get3A_37 : vector<1x64xf32> to vector<10000x64xf32>
    %add3A_39 = arith.addf %add3A_34, %add3A_38 : vector<10000x64xf32>
    %max3A_40 = arith.constant 0.000000e+00 : f32
    %max3A_41 = vector.broadcast %max3A_40 : f32 to vector<10000x64xf32>
    %max3A_42 = arith.maximumf %add3A_39, %max3A_41 : vector<10000x64xf32>
    %reduce_sum3A = arith.constant dense<0.000000e+00> : vector<64xf32>
    %reduce_sum3A_43 = vector.multi_reduction <add>, %max3A_42, %reduce_sum3A [0] : vector<10000x64xf32> to vector<64xf32>
    %broadcast_in_dim3A = vector.shape_cast %reduce_sum3A_43 : vector<64xf32> to vector<1x64xf32>
    %div3A_44 = arith.constant 1.000000e+04 : f32
    %div3A_45 = vector.broadcast %div3A_44 : f32 to vector<1x64xf32>
    %div3A_46 = arith.divf %broadcast_in_dim3A, %div3A_45 : vector<1x64xf32>
    %sub3A_47 = vector.broadcast %div3A_46 : vector<1x64xf32> to vector<10000x64xf32>
    %sub3A_48 = arith.subf %max3A_42, %sub3A_47 : vector<10000x64xf32>
    %sub3A_49 = vector.broadcast %div3A_46 : vector<1x64xf32> to vector<10000x64xf32>
    %sub3A_50 = arith.subf %max3A_42, %sub3A_49 : vector<10000x64xf32>
    %mul3A_51 = arith.mulf %sub3A_48, %sub3A_50 : vector<10000x64xf32>
    %reduce_sum3A_52 = arith.constant dense<0.000000e+00> : vector<64xf32>
    %reduce_sum3A_53 = vector.multi_reduction <add>, %mul3A_51, %reduce_sum3A_52 [0] : vector<10000x64xf32> to vector<64xf32>
    %broadcast_in_dim3A_54 = vector.shape_cast %reduce_sum3A_53 : vector<64xf32> to vector<1x64xf32>
    %div3A_55 = arith.constant 1.000000e+04 : f32
    %div3A_56 = vector.broadcast %div3A_55 : f32 to vector<1x64xf32>
    %div3A_57 = arith.divf %broadcast_in_dim3A_54, %div3A_56 : vector<1x64xf32>
    %sub3A_58 = vector.broadcast %div3A_46 : vector<1x64xf32> to vector<10000x64xf32>
    %sub3A_59 = arith.subf %max3A_42, %sub3A_58 : vector<10000x64xf32>
    %add3A_60 = arith.constant 9.99999974E-6 : f32
    %add3A_61 = vector.broadcast %add3A_60 : f32 to vector<1x64xf32>
    %add3A_62 = arith.addf %div3A_57, %add3A_61 : vector<1x64xf32>
    %rsqrt3A = math.rsqrt %add3A_62 : vector<1x64xf32>
    %mul3A_63 = vector.broadcast %rsqrt3A : vector<1x64xf32> to vector<10000x64xf32>
    %mul3A_64 = arith.mulf %sub3A_59, %mul3A_63 : vector<10000x64xf32>
    %get3A_65 = arith.constant 0 : index
    %get3A_66 = arith.constant 0 : index
    %get3A_67 = vector.load %arg4[%get3A_65, %get3A_66] : memref<1x64xf32, #tpu.memory_space<vmem>>, vector<1x64xf32>
    %mul3A_68 = vector.broadcast %get3A_67 : vector<1x64xf32> to vector<10000x64xf32>
    %mul3A_69 = arith.mulf %mul3A_64, %mul3A_68 : vector<10000x64xf32>
    %get3A_70 = arith.constant 0 : index
    %get3A_71 = arith.constant 0 : index
    %get3A_72 = vector.load %arg5[%get3A_70, %get3A_71] : memref<1x64xf32, #tpu.memory_space<vmem>>, vector<1x64xf32>
    %add3A_73 = vector.broadcast %get3A_72 : vector<1x64xf32> to vector<10000x64xf32>
    %add3A_74 = arith.addf %mul3A_69, %add3A_73 : vector<10000x64xf32>
    %swap3A = arith.constant 0 : index
    %swap3A_75 = arith.constant 0 : index
    %swap3A_76 = vector.load %arg6[%swap3A, %swap3A_75] : memref<10000x64xf32, #tpu.memory_space<vmem>>, vector<10000x64xf32>
    tpu.vector_store %arg6[%swap3A, %swap3A_75], %add3A_74 {strides = array<i32>} : memref<10000x64xf32, #tpu.memory_space<vmem>>, vector<10000x64xf32>,
    %swap3A_77 = arith.constant 0 : index
    %swap3A_78 = arith.constant 0 : index
    %swap3A_79 = vector.load %arg7[%swap3A_77, %swap3A_78] : memref<10000x1xf32, #tpu.memory_space<vmem>>, vector<10000x1xf32>
    tpu.vector_store %arg7[%swap3A_77, %swap3A_78], %div3A_13 {strides = array<i32>} : memref<10000x1xf32, #tpu.memory_space<vmem>>, vector<10000x1xf32>,
    return
  }
}

module attributes {stable_mosaic.version = 14 : i64} {
  func.func @_msg2_body(%arg0: i32, %arg1: memref<960x16xf32, #tpu.memory_space<vmem>>, %arg2: memref<960x64xf32, #tpu.memory_space<vmem>>, %arg3: memref<16x32xf32, #tpu.memory_space<vmem>>, %arg4: memref<1x32xf32, #tpu.memory_space<vmem>>, %arg5: memref<64x4224xbf16, #tpu.memory_space<vmem>>, %arg6: memref<128x4224xbf16, #tpu.memory_space<vmem>>, %arg7: memref<64x4096xbf16, #tpu.memory_space<vmem>>, %arg8: memref<960x128xf32, #tpu.memory_space<vmem>>) attributes {dimension_semantics = [#tpu.dimension_semantics<arbitrary>], iteration_bounds = array<i64: 32>, scalar_prefetch = 0 : i64, scratch_operands = 0 : i64, tpu.core_type = #tpu.core_type<tc>, window_params = [{transform_indices = @transform_0, window_bounds = array<i64: 960, 16>}, {transform_indices = @transform_1, window_bounds = array<i64: 960, 64>}, {pipeline_mode = #tpu.pipeline_mode<synchronous>, transform_indices = @transform_2, window_bounds = array<i64: 16, 32>}, {pipeline_mode = #tpu.pipeline_mode<synchronous>, transform_indices = @transform_3, window_bounds = array<i64: 1, 32>}, {pipeline_mode = #tpu.pipeline_mode<synchronous>, transform_indices = @transform_4, window_bounds = array<i64: 64, 4224>}, {pipeline_mode = #tpu.pipeline_mode<synchronous>, transform_indices = @transform_5, window_bounds = array<i64: 128, 4224>}, {pipeline_mode = #tpu.pipeline_mode<synchronous>, transform_indices = @transform_6, window_bounds = array<i64: 64, 4096>}, {transform_indices = @transform_7, window_bounds = array<i64: 960, 128>}]} {
    %get3A = arith.constant 0 : index
    %get3A_0 = arith.constant 0 : index
    %get3A_1 = vector.load %arg2[%get3A, %get3A_0] : memref<960x64xf32, #tpu.memory_space<vmem>>, vector<960x64xf32>
    %get3A_2 = arith.constant 0 : index
    %get3A_3 = arith.constant 0 : index
    %get3A_4 = vector.load %arg1[%get3A_2, %get3A_3] : memref<960x16xf32, #tpu.memory_space<vmem>>, vector<960x16xf32>
    %get3A_5 = arith.constant 0 : index
    %get3A_6 = arith.constant 0 : index
    %get3A_7 = vector.load %arg3[%get3A_5, %get3A_6] : memref<16x32xf32, #tpu.memory_space<vmem>>, vector<16x32xf32>
    %convert_element_type3A = arith.truncf %get3A_4 : vector<960x16xf32> to vector<960x16xbf16>
    %convert_element_type3A_8 = arith.extf %convert_element_type3A : vector<960x16xbf16> to vector<960x16xf32>
    %sub3A = arith.subf %get3A_4, %convert_element_type3A_8 : vector<960x16xf32>
    %convert_element_type3A_9 = arith.truncf %sub3A : vector<960x16xf32> to vector<960x16xbf16>
    %convert_element_type3A_10 = arith.truncf %get3A_7 : vector<16x32xf32> to vector<16x32xbf16>
    %convert_element_type3A_11 = arith.extf %convert_element_type3A_10 : vector<16x32xbf16> to vector<16x32xf32>
    %sub3A_12 = arith.subf %get3A_7, %convert_element_type3A_11 : vector<16x32xf32>
    %convert_element_type3A_13 = arith.truncf %sub3A_12 : vector<16x32xf32> to vector<16x32xbf16>
    %dot_general3A = arith.constant dense<0.000000e+00> : vector<960x32xf32>
    %dot_general3A_14 = tpu.matmul %convert_element_type3A, %convert_element_type3A_10, %dot_general3A {dimension_numbers = #tpu.dot_dimension_numbers<[1], [0], [0], [1], [0, 0, 1, 1], [], []>, transpose_lhs_hint = false} : vector<960x16xbf16>, vector<16x32xbf16>, vector<960x32xf32> -> vector<960x32xf32>
    %dot_general3A_15 = arith.constant dense<0.000000e+00> : vector<960x32xf32>
    %dot_general3A_16 = tpu.matmul %convert_element_type3A, %convert_element_type3A_13, %dot_general3A_15 {dimension_numbers = #tpu.dot_dimension_numbers<[1], [0], [0], [1], [0, 0, 1, 1], [], []>, transpose_lhs_hint = false} : vector<960x16xbf16>, vector<16x32xbf16>, vector<960x32xf32> -> vector<960x32xf32>
    %add3A = arith.addf %dot_general3A_14, %dot_general3A_16 : vector<960x32xf32>
    %dot_general3A_17 = arith.constant dense<0.000000e+00> : vector<960x32xf32>
    %dot_general3A_18 = tpu.matmul %convert_element_type3A_9, %convert_element_type3A_10, %dot_general3A_17 {dimension_numbers = #tpu.dot_dimension_numbers<[1], [0], [0], [1], [0, 0, 1, 1], [], []>, transpose_lhs_hint = false} : vector<960x16xbf16>, vector<16x32xbf16>, vector<960x32xf32> -> vector<960x32xf32>
    %add3A_19 = arith.addf %add3A, %dot_general3A_18 : vector<960x32xf32>
    %get3A_20 = arith.constant 0 : index
    %get3A_21 = arith.constant 0 : index
    %get3A_22 = vector.load %arg4[%get3A_20, %get3A_21] : memref<1x32xf32, #tpu.memory_space<vmem>>, vector<1x32xf32>
    %add3A_23 = vector.broadcast %get3A_22 : vector<1x32xf32> to vector<960x32xf32>
    %add3A_24 = arith.addf %add3A_19, %add3A_23 : vector<960x32xf32>
    %max3A = arith.constant 0.000000e+00 : f32
    %max3A_25 = vector.broadcast %max3A : f32 to vector<960x32xf32>
    %max3A_26 = arith.maximumf %add3A_24, %max3A_25 : vector<960x32xf32>
    %convert_element_type3A_27 = arith.truncf %get3A_1 : vector<960x64xf32> to vector<960x64xbf16>
    %convert_element_type3A_28 = arith.extf %convert_element_type3A_27 : vector<960x64xbf16> to vector<960x64xf32>
    %sub3A_29 = arith.subf %get3A_1, %convert_element_type3A_28 : vector<960x64xf32>
    %convert_element_type3A_30 = arith.truncf %sub3A_29 : vector<960x64xf32> to vector<960x64xbf16>
    %concatenate3A = tpu.concatenate %convert_element_type3A_27, %convert_element_type3A_30 in 1 : vector<960x64xbf16>, vector<960x64xbf16> -> vector<960x128xbf16>
    %get3A_31 = arith.constant 0 : index
    %get3A_32 = arith.constant 0 : index
    %get3A_33 = vector.load %arg6[%get3A_31, %get3A_32] : memref<128x4224xbf16, #tpu.memory_space<vmem>>, vector<128x4224xbf16>
    %dot_general3A_34 = arith.constant dense<0.000000e+00> : vector<960x4224xf32>
    %dot_general3A_35 = tpu.matmul %concatenate3A, %get3A_33, %dot_general3A_34 {dimension_numbers = #tpu.dot_dimension_numbers<[1], [0], [0], [1], [0, 0, 1, 1], [], []>, transpose_lhs_hint = false} : vector<960x128xbf16>, vector<128x4224xbf16>, vector<960x4224xf32> -> vector<960x4224xf32>
    %get3A_36 = arith.constant 0 : index
    %get3A_37 = arith.constant 0 : index
    %get3A_38 = vector.load %arg5[%get3A_36, %get3A_37] : memref<64x4224xbf16, #tpu.memory_space<vmem>>, vector<64x4224xbf16>
    %dot_general3A_39 = arith.constant dense<0.000000e+00> : vector<960x4224xf32>
    %dot_general3A_40 = tpu.matmul %convert_element_type3A_27, %get3A_38, %dot_general3A_39 {dimension_numbers = #tpu.dot_dimension_numbers<[1], [0], [0], [1], [0, 0, 1, 1], [], []>, transpose_lhs_hint = false} : vector<960x64xbf16>, vector<64x4224xbf16>, vector<960x4224xf32> -> vector<960x4224xf32>
    %add3A_41 = arith.addf %dot_general3A_40, %dot_general3A_35 : vector<960x4224xf32>
    %convert_element_type3A_42 = arith.truncf %max3A_26 : vector<960x32xf32> to vector<960x32xbf16>
    %convert_element_type3A_43 = arith.extf %convert_element_type3A_42 : vector<960x32xbf16> to vector<960x32xf32>
    %sub3A_44 = arith.subf %max3A_26, %convert_element_type3A_43 : vector<960x32xf32>
    %convert_element_type3A_45 = arith.truncf %sub3A_44 : vector<960x32xf32> to vector<960x32xbf16>
    %concatenate3A_46 = tpu.concatenate %convert_element_type3A_42, %convert_element_type3A_45 in 1 : vector<960x32xbf16>, vector<960x32xbf16> -> vector<960x64xbf16>
    %get3A_47 = arith.constant 0 : index
    %get3A_48 = arith.constant 0 : index
    %get3A_49 = vector.load %arg7[%get3A_47, %get3A_48] : memref<64x4096xbf16, #tpu.memory_space<vmem>>, vector<64x4096xbf16>
    %dot_general3A_50 = arith.constant dense<0.000000e+00> : vector<960x4096xf32>
    %dot_general3A_51 = tpu.matmul %concatenate3A_46, %get3A_49, %dot_general3A_50 {dimension_numbers = #tpu.dot_dimension_numbers<[1], [0], [0], [1], [0, 0, 1, 1], [], []>, transpose_lhs_hint = false} : vector<960x64xbf16>, vector<64x4096xbf16>, vector<960x4096xf32> -> vector<960x4096xf32>
    %slice3A = vector.extract_strided_slice %add3A_41 {offsets = [0, 0], sizes = [960, 4096], strides = [1, 1]} : vector<960x4224xf32> to vector<960x4096xf32>
    %mul3A = arith.mulf %dot_general3A_51, %slice3A : vector<960x4096xf32>
    %slice3A_52 = vector.extract_strided_slice %mul3A {offsets = [0, 0], sizes = [960, 128], strides = [1, 1]} : vector<960x4096xf32> to vector<960x128xf32>
    %slice3A_53 = vector.extract_strided_slice %mul3A {offsets = [0, 128], sizes = [960, 128], strides = [1, 1]} : vector<960x4096xf32> to vector<960x128xf32>
    %add3A_54 = arith.addf %slice3A_52, %slice3A_53 : vector<960x128xf32>
    %slice3A_55 = vector.extract_strided_slice %mul3A {offsets = [0, 256], sizes = [960, 128], strides = [1, 1]} : vector<960x4096xf32> to vector<960x128xf32>
    %add3A_56 = arith.addf %add3A_54, %slice3A_55 : vector<960x128xf32>
    %slice3A_57 = vector.extract_strided_slice %mul3A {offsets = [0, 384], sizes = [960, 128], strides = [1, 1]} : vector<960x4096xf32> to vector<960x128xf32>
    %add3A_58 = arith.addf %add3A_56, %slice3A_57 : vector<960x128xf32>
    %slice3A_59 = vector.extract_strided_slice %mul3A {offsets = [0, 512], sizes = [960, 128], strides = [1, 1]} : vector<960x4096xf32> to vector<960x128xf32>
    %add3A_60 = arith.addf %add3A_58, %slice3A_59 : vector<960x128xf32>
    %slice3A_61 = vector.extract_strided_slice %mul3A {offsets = [0, 640], sizes = [960, 128], strides = [1, 1]} : vector<960x4096xf32> to vector<960x128xf32>
    %add3A_62 = arith.addf %add3A_60, %slice3A_61 : vector<960x128xf32>
    %slice3A_63 = vector.extract_strided_slice %mul3A {offsets = [0, 768], sizes = [960, 128], strides = [1, 1]} : vector<960x4096xf32> to vector<960x128xf32>
    %add3A_64 = arith.addf %add3A_62, %slice3A_63 : vector<960x128xf32>
    %slice3A_65 = vector.extract_strided_slice %mul3A {offsets = [0, 896], sizes = [960, 128], strides = [1, 1]} : vector<960x4096xf32> to vector<960x128xf32>
    %add3A_66 = arith.addf %add3A_64, %slice3A_65 : vector<960x128xf32>
    %slice3A_67 = vector.extract_strided_slice %mul3A {offsets = [0, 1024], sizes = [960, 128], strides = [1, 1]} : vector<960x4096xf32> to vector<960x128xf32>
    %add3A_68 = arith.addf %add3A_66, %slice3A_67 : vector<960x128xf32>
    %slice3A_69 = vector.extract_strided_slice %mul3A {offsets = [0, 1152], sizes = [960, 128], strides = [1, 1]} : vector<960x4096xf32> to vector<960x128xf32>
    %add3A_70 = arith.addf %add3A_68, %slice3A_69 : vector<960x128xf32>
    %slice3A_71 = vector.extract_strided_slice %mul3A {offsets = [0, 1280], sizes = [960, 128], strides = [1, 1]} : vector<960x4096xf32> to vector<960x128xf32>
    %add3A_72 = arith.addf %add3A_70, %slice3A_71 : vector<960x128xf32>
    %slice3A_73 = vector.extract_strided_slice %mul3A {offsets = [0, 1408], sizes = [960, 128], strides = [1, 1]} : vector<960x4096xf32> to vector<960x128xf32>
    %add3A_74 = arith.addf %add3A_72, %slice3A_73 : vector<960x128xf32>
    %slice3A_75 = vector.extract_strided_slice %mul3A {offsets = [0, 1536], sizes = [960, 128], strides = [1, 1]} : vector<960x4096xf32> to vector<960x128xf32>
    %add3A_76 = arith.addf %add3A_74, %slice3A_75 : vector<960x128xf32>
    %slice3A_77 = vector.extract_strided_slice %mul3A {offsets = [0, 1664], sizes = [960, 128], strides = [1, 1]} : vector<960x4096xf32> to vector<960x128xf32>
    %add3A_78 = arith.addf %add3A_76, %slice3A_77 : vector<960x128xf32>
    %slice3A_79 = vector.extract_strided_slice %mul3A {offsets = [0, 1792], sizes = [960, 128], strides = [1, 1]} : vector<960x4096xf32> to vector<960x128xf32>
    %add3A_80 = arith.addf %add3A_78, %slice3A_79 : vector<960x128xf32>
    %slice3A_81 = vector.extract_strided_slice %mul3A {offsets = [0, 1920], sizes = [960, 128], strides = [1, 1]} : vector<960x4096xf32> to vector<960x128xf32>
    %add3A_82 = arith.addf %add3A_80, %slice3A_81 : vector<960x128xf32>
    %slice3A_83 = vector.extract_strided_slice %mul3A {offsets = [0, 2048], sizes = [960, 128], strides = [1, 1]} : vector<960x4096xf32> to vector<960x128xf32>
    %add3A_84 = arith.addf %add3A_82, %slice3A_83 : vector<960x128xf32>
    %slice3A_85 = vector.extract_strided_slice %mul3A {offsets = [0, 2176], sizes = [960, 128], strides = [1, 1]} : vector<960x4096xf32> to vector<960x128xf32>
    %add3A_86 = arith.addf %add3A_84, %slice3A_85 : vector<960x128xf32>
    %slice3A_87 = vector.extract_strided_slice %mul3A {offsets = [0, 2304], sizes = [960, 128], strides = [1, 1]} : vector<960x4096xf32> to vector<960x128xf32>
    %add3A_88 = arith.addf %add3A_86, %slice3A_87 : vector<960x128xf32>
    %slice3A_89 = vector.extract_strided_slice %mul3A {offsets = [0, 2432], sizes = [960, 128], strides = [1, 1]} : vector<960x4096xf32> to vector<960x128xf32>
    %add3A_90 = arith.addf %add3A_88, %slice3A_89 : vector<960x128xf32>
    %slice3A_91 = vector.extract_strided_slice %mul3A {offsets = [0, 2560], sizes = [960, 128], strides = [1, 1]} : vector<960x4096xf32> to vector<960x128xf32>
    %add3A_92 = arith.addf %add3A_90, %slice3A_91 : vector<960x128xf32>
    %slice3A_93 = vector.extract_strided_slice %mul3A {offsets = [0, 2688], sizes = [960, 128], strides = [1, 1]} : vector<960x4096xf32> to vector<960x128xf32>
    %add3A_94 = arith.addf %add3A_92, %slice3A_93 : vector<960x128xf32>
    %slice3A_95 = vector.extract_strided_slice %mul3A {offsets = [0, 2816], sizes = [960, 128], strides = [1, 1]} : vector<960x4096xf32> to vector<960x128xf32>
    %add3A_96 = arith.addf %add3A_94, %slice3A_95 : vector<960x128xf32>
    %slice3A_97 = vector.extract_strided_slice %mul3A {offsets = [0, 2944], sizes = [960, 128], strides = [1, 1]} : vector<960x4096xf32> to vector<960x128xf32>
    %add3A_98 = arith.addf %add3A_96, %slice3A_97 : vector<960x128xf32>
    %slice3A_99 = vector.extract_strided_slice %mul3A {offsets = [0, 3072], sizes = [960, 128], strides = [1, 1]} : vector<960x4096xf32> to vector<960x128xf32>
    %add3A_100 = arith.addf %add3A_98, %slice3A_99 : vector<960x128xf32>
    %slice3A_101 = vector.extract_strided_slice %mul3A {offsets = [0, 3200], sizes = [960, 128], strides = [1, 1]} : vector<960x4096xf32> to vector<960x128xf32>
    %add3A_102 = arith.addf %add3A_100, %slice3A_101 : vector<960x128xf32>
    %slice3A_103 = vector.extract_strided_slice %mul3A {offsets = [0, 3328], sizes = [960, 128], strides = [1, 1]} : vector<960x4096xf32> to vector<960x128xf32>
    %add3A_104 = arith.addf %add3A_102, %slice3A_103 : vector<960x128xf32>
    %slice3A_105 = vector.extract_strided_slice %mul3A {offsets = [0, 3456], sizes = [960, 128], strides = [1, 1]} : vector<960x4096xf32> to vector<960x128xf32>
    %add3A_106 = arith.addf %add3A_104, %slice3A_105 : vector<960x128xf32>
    %slice3A_107 = vector.extract_strided_slice %mul3A {offsets = [0, 3584], sizes = [960, 128], strides = [1, 1]} : vector<960x4096xf32> to vector<960x128xf32>
    %add3A_108 = arith.addf %add3A_106, %slice3A_107 : vector<960x128xf32>
    %slice3A_109 = vector.extract_strided_slice %mul3A {offsets = [0, 3712], sizes = [960, 128], strides = [1, 1]} : vector<960x4096xf32> to vector<960x128xf32>
    %add3A_110 = arith.addf %add3A_108, %slice3A_109 : vector<960x128xf32>
    %slice3A_111 = vector.extract_strided_slice %mul3A {offsets = [0, 3840], sizes = [960, 128], strides = [1, 1]} : vector<960x4096xf32> to vector<960x128xf32>
    %add3A_112 = arith.addf %add3A_110, %slice3A_111 : vector<960x128xf32>
    %slice3A_113 = vector.extract_strided_slice %mul3A {offsets = [0, 3968], sizes = [960, 128], strides = [1, 1]} : vector<960x4096xf32> to vector<960x128xf32>
    %add3A_114 = arith.addf %add3A_112, %slice3A_113 : vector<960x128xf32>
    %slice3A_115 = vector.extract_strided_slice %add3A_41 {offsets = [0, 4096], sizes = [960, 128], strides = [1, 1]} : vector<960x4224xf32> to vector<960x128xf32>
    %add3A_116 = arith.addf %add3A_114, %slice3A_115 : vector<960x128xf32>
    %mul3A_117 = arith.constant 960 : i32
    %mul3A_118 = arith.muli %arg0, %mul3A_117 : i32
    %iota3A = tpu.iota {dimensions = array<i32: 0>} : vector<960x1xi32>
    %add3A_119 = vector.broadcast %mul3A_118 : i32 to vector<960x1xi32>
    %add3A_120 = arith.addi %add3A_119, %iota3A : vector<960x1xi32>
    %lt3A = arith.constant 30000 : i32
    %lt3A_121 = vector.broadcast %lt3A : i32 to vector<960x1xi32>
    %lt3A_122 = arith.cmpi slt, %add3A_120, %lt3A_121 : vector<960x1xi32>
    %jit3A = arith.constant 0.000000e+00 : f32
    %broadcast_in_dim3A = vector.shape_cast %lt3A_122 : vector<960x1xi1> to vector<960x1xi1>
    %broadcast_in_dim3A_123 = vector.broadcast %broadcast_in_dim3A : vector<960x1xi1> to vector<960x128xi1>
    %broadcast_in_dim3A_124 = vector.broadcast %jit3A : f32 to vector<960x128xf32>
    %select_n3A = arith.select %broadcast_in_dim3A_123, %add3A_116, %broadcast_in_dim3A_124 : vector<960x128xi1>, vector<960x128xf32>
    %swap3A = arith.constant 0 : index
    %swap3A_125 = arith.constant 0 : index
    %swap3A_126 = vector.load %arg8[%swap3A, %swap3A_125] : memref<960x128xf32, #tpu.memory_space<vmem>>, vector<960x128xf32>
    tpu.vector_store %arg8[%swap3A, %swap3A_125], %select_n3A {strides = array<i32>} : memref<960x128xf32, #tpu.memory_space<vmem>>, vector<960x128xf32>,
    return
  }
  func.func @transform_0(%arg0: i32) -> (i32, i32) {
    %c0_i32 = arith.constant 0 : i32
    %c0_i32_0 = arith.constant 0 : i32
    return %arg0, %c0_i32 : i32, i32
  }
  func.func @transform_1(%arg0: i32) -> (i32, i32) {
    %c0_i32 = arith.constant 0 : i32
    %c0_i32_0 = arith.constant 0 : i32
    return %arg0, %c0_i32 : i32, i32
  }
  func.func @transform_2(%arg0: i32) -> (i32, i32) {
    %c0_i32 = arith.constant 0 : i32
    %c0_i32_0 = arith.constant 0 : i32
    %c0_i32_1 = arith.constant 0 : i32
    return %c0_i32, %c0_i32_0 : i32, i32
  }
  func.func @transform_3(%arg0: i32) -> (i32, i32) {
    %c0_i32 = arith.constant 0 : i32
    %c0_i32_0 = arith.constant 0 : i32
    %c0_i32_1 = arith.constant 0 : i32
    return %c0_i32, %c0_i32_0 : i32, i32
  }
  func.func @transform_4(%arg0: i32) -> (i32, i32) {
    %c0_i32 = arith.constant 0 : i32
    %c0_i32_0 = arith.constant 0 : i32
    %c0_i32_1 = arith.constant 0 : i32
    return %c0_i32, %c0_i32_0 : i32, i32
  }
  func.func @transform_5(%arg0: i32) -> (i32, i32) {
    %c0_i32 = arith.constant 0 : i32
    %c0_i32_0 = arith.constant 0 : i32
    %c0_i32_1 = arith.constant 0 : i32
    return %c0_i32, %c0_i32_0 : i32, i32
  }
  func.func @transform_6(%arg0: i32) -> (i32, i32) {
    %c0_i32 = arith.constant 0 : i32
    %c0_i32_0 = arith.constant 0 : i32
    %c0_i32_1 = arith.constant 0 : i32
    return %c0_i32, %c0_i32_0 : i32, i32
  }
  func.func @transform_7(%arg0: i32) -> (i32, i32) {
    %c0_i32 = arith.constant 0 : i32
    %c0_i32_0 = arith.constant 0 : i32
    return %arg0, %c0_i32 : i32, i32
  }
}

module attributes {stable_mosaic.version = 14 : i64} {
  func.func @_node2_body(%arg0: memref<2x10240x128xf32, #tpu.memory_space<vmem>>, %arg1: memref<10000x64xf32, #tpu.memory_space<vmem>>, %arg2: memref<10000x1xf32, #tpu.memory_space<vmem>>, %arg3: memref<64x128xf32, #tpu.memory_space<vmem>>, %arg4: memref<1x128xf32, #tpu.memory_space<vmem>>, %arg5: memref<1x128xf32, #tpu.memory_space<vmem>>, %arg6: memref<1x128xf32, #tpu.memory_space<vmem>>, %arg7: memref<10000x1xi32, #tpu.memory_space<vmem>>, %arg8: memref<128x64xf32, #tpu.memory_space<vmem>>, %arg9: memref<1x64xf32, #tpu.memory_space<vmem>>, %arg10: memref<64x1xf32, #tpu.memory_space<vmem>>, %arg11: memref<1x1xf32, #tpu.memory_space<vmem>>, %arg12: memref<256x1xf32, #tpu.memory_space<vmem>>) attributes {dimension_semantics = [], scalar_prefetch = 0 : i64, scratch_operands = 0 : i64, tpu.core_type = #tpu.core_type<tc>} {
    %get3A = arith.constant 0 : index
    %get3A_0 = arith.constant 0 : index
    %get3A_1 = arith.constant 0 : index
    %get3A_2 = vector.load %arg0[%get3A, %get3A_0, %get3A_1] : memref<2x10240x128xf32, #tpu.memory_space<vmem>>, vector<1x10240x128xf32>
    %get3A_3 = vector.shape_cast %get3A_2 : vector<1x10240x128xf32> to vector<10240x128xf32>
    %get3A_4 = arith.constant 1 : index
    %get3A_5 = arith.constant 0 : index
    %get3A_6 = arith.constant 0 : index
    %get3A_7 = vector.load %arg0[%get3A_4, %get3A_5, %get3A_6] : memref<2x10240x128xf32, #tpu.memory_space<vmem>>, vector<1x10240x128xf32>
    %get3A_8 = vector.shape_cast %get3A_7 : vector<1x10240x128xf32> to vector<10240x128xf32>
    %add3A = arith.addf %get3A_3, %get3A_8 : vector<10240x128xf32>
    %get3A_9 = arith.constant 0 : index
    %get3A_10 = arith.constant 0 : index
    %get3A_11 = vector.load %arg1[%get3A_9, %get3A_10] : memref<10000x64xf32, #tpu.memory_space<vmem>>, vector<10000x64xf32>
    %slice3A = vector.extract_strided_slice %add3A {offsets = [0, 0], sizes = [10000, 128], strides = [1, 1]} : vector<10240x128xf32> to vector<10000x128xf32>
    %get3A_12 = arith.constant 0 : index
    %get3A_13 = arith.constant 0 : index
    %get3A_14 = vector.load %arg2[%get3A_12, %get3A_13] : memref<10000x1xf32, #tpu.memory_space<vmem>>, vector<10000x1xf32>
    %mul3A = vector.broadcast %get3A_14 : vector<10000x1xf32> to vector<10000x128xf32>
    %mul3A_15 = arith.mulf %slice3A, %mul3A : vector<10000x128xf32>
    %get3A_16 = arith.constant 0 : index
    %get3A_17 = arith.constant 0 : index
    %get3A_18 = vector.load %arg3[%get3A_16, %get3A_17] : memref<64x128xf32, #tpu.memory_space<vmem>>, vector<64x128xf32>
    %convert_element_type3A = arith.truncf %get3A_11 : vector<10000x64xf32> to vector<10000x64xbf16>
    %convert_element_type3A_19 = arith.extf %convert_element_type3A : vector<10000x64xbf16> to vector<10000x64xf32>
    %sub3A = arith.subf %get3A_11, %convert_element_type3A_19 : vector<10000x64xf32>
    %convert_element_type3A_20 = arith.truncf %sub3A : vector<10000x64xf32> to vector<10000x64xbf16>
    %convert_element_type3A_21 = arith.truncf %get3A_18 : vector<64x128xf32> to vector<64x128xbf16>
    %convert_element_type3A_22 = arith.extf %convert_element_type3A_21 : vector<64x128xbf16> to vector<64x128xf32>
    %sub3A_23 = arith.subf %get3A_18, %convert_element_type3A_22 : vector<64x128xf32>
    %convert_element_type3A_24 = arith.truncf %sub3A_23 : vector<64x128xf32> to vector<64x128xbf16>
    %dot_general3A = arith.constant dense<0.000000e+00> : vector<10000x128xf32>
    %dot_general3A_25 = tpu.matmul %convert_element_type3A, %convert_element_type3A_21, %dot_general3A {dimension_numbers = #tpu.dot_dimension_numbers<[1], [0], [0], [1], [0, 0, 1, 1], [], []>, transpose_lhs_hint = false} : vector<10000x64xbf16>, vector<64x128xbf16>, vector<10000x128xf32> -> vector<10000x128xf32>
    %dot_general3A_26 = arith.constant dense<0.000000e+00> : vector<10000x128xf32>
    %dot_general3A_27 = tpu.matmul %convert_element_type3A, %convert_element_type3A_24, %dot_general3A_26 {dimension_numbers = #tpu.dot_dimension_numbers<[1], [0], [0], [1], [0, 0, 1, 1], [], []>, transpose_lhs_hint = false} : vector<10000x64xbf16>, vector<64x128xbf16>, vector<10000x128xf32> -> vector<10000x128xf32>
    %add3A_28 = arith.addf %dot_general3A_25, %dot_general3A_27 : vector<10000x128xf32>
    %dot_general3A_29 = arith.constant dense<0.000000e+00> : vector<10000x128xf32>
    %dot_general3A_30 = tpu.matmul %convert_element_type3A_20, %convert_element_type3A_21, %dot_general3A_29 {dimension_numbers = #tpu.dot_dimension_numbers<[1], [0], [0], [1], [0, 0, 1, 1], [], []>, transpose_lhs_hint = false} : vector<10000x64xbf16>, vector<64x128xbf16>, vector<10000x128xf32> -> vector<10000x128xf32>
    %add3A_31 = arith.addf %add3A_28, %dot_general3A_30 : vector<10000x128xf32>
    %add3A_32 = arith.addf %mul3A_15, %add3A_31 : vector<10000x128xf32>
    %get3A_33 = arith.constant 0 : index
    %get3A_34 = arith.constant 0 : index
    %get3A_35 = vector.load %arg4[%get3A_33, %get3A_34] : memref<1x128xf32, #tpu.memory_space<vmem>>, vector<1x128xf32>
    %add3A_36 = vector.broadcast %get3A_35 : vector<1x128xf32> to vector<10000x128xf32>
    %add3A_37 = arith.addf %add3A_32, %add3A_36 : vector<10000x128xf32>
    %max3A = arith.constant 0.000000e+00 : f32
    %max3A_38 = vector.broadcast %max3A : f32 to vector<10000x128xf32>
    %max3A_39 = arith.maximumf %add3A_37, %max3A_38 : vector<10000x128xf32>
    %reduce_sum3A = arith.constant dense<0.000000e+00> : vector<128xf32>
    %reduce_sum3A_40 = vector.multi_reduction <add>, %max3A_39, %reduce_sum3A [0] : vector<10000x128xf32> to vector<128xf32>
    %broadcast_in_dim3A = vector.shape_cast %reduce_sum3A_40 : vector<128xf32> to vector<1x128xf32>
    %div3A = arith.constant 1.000000e+04 : f32
    %div3A_41 = vector.broadcast %div3A : f32 to vector<1x128xf32>
    %div3A_42 = arith.divf %broadcast_in_dim3A, %div3A_41 : vector<1x128xf32>
    %sub3A_43 = vector.broadcast %div3A_42 : vector<1x128xf32> to vector<10000x128xf32>
    %sub3A_44 = arith.subf %max3A_39, %sub3A_43 : vector<10000x128xf32>
    %sub3A_45 = vector.broadcast %div3A_42 : vector<1x128xf32> to vector<10000x128xf32>
    %sub3A_46 = arith.subf %max3A_39, %sub3A_45 : vector<10000x128xf32>
    %mul3A_47 = arith.mulf %sub3A_44, %sub3A_46 : vector<10000x128xf32>
    %reduce_sum3A_48 = arith.constant dense<0.000000e+00> : vector<128xf32>
    %reduce_sum3A_49 = vector.multi_reduction <add>, %mul3A_47, %reduce_sum3A_48 [0] : vector<10000x128xf32> to vector<128xf32>
    %broadcast_in_dim3A_50 = vector.shape_cast %reduce_sum3A_49 : vector<128xf32> to vector<1x128xf32>
    %div3A_51 = arith.constant 1.000000e+04 : f32
    %div3A_52 = vector.broadcast %div3A_51 : f32 to vector<1x128xf32>
    %div3A_53 = arith.divf %broadcast_in_dim3A_50, %div3A_52 : vector<1x128xf32>
    %sub3A_54 = vector.broadcast %div3A_42 : vector<1x128xf32> to vector<10000x128xf32>
    %sub3A_55 = arith.subf %max3A_39, %sub3A_54 : vector<10000x128xf32>
    %add3A_56 = arith.constant 9.99999974E-6 : f32
    %add3A_57 = vector.broadcast %add3A_56 : f32 to vector<1x128xf32>
    %add3A_58 = arith.addf %div3A_53, %add3A_57 : vector<1x128xf32>
    %rsqrt3A = math.rsqrt %add3A_58 : vector<1x128xf32>
    %mul3A_59 = vector.broadcast %rsqrt3A : vector<1x128xf32> to vector<10000x128xf32>
    %mul3A_60 = arith.mulf %sub3A_55, %mul3A_59 : vector<10000x128xf32>
    %get3A_61 = arith.constant 0 : index
    %get3A_62 = arith.constant 0 : index
    %get3A_63 = vector.load %arg5[%get3A_61, %get3A_62] : memref<1x128xf32, #tpu.memory_space<vmem>>, vector<1x128xf32>
    %mul3A_64 = vector.broadcast %get3A_63 : vector<1x128xf32> to vector<10000x128xf32>
    %mul3A_65 = arith.mulf %mul3A_60, %mul3A_64 : vector<10000x128xf32>
    %get3A_66 = arith.constant 0 : index
    %get3A_67 = arith.constant 0 : index
    %get3A_68 = vector.load %arg6[%get3A_66, %get3A_67] : memref<1x128xf32, #tpu.memory_space<vmem>>, vector<1x128xf32>
    %add3A_69 = vector.broadcast %get3A_68 : vector<1x128xf32> to vector<10000x128xf32>
    %add3A_70 = arith.addf %mul3A_65, %add3A_69 : vector<10000x128xf32>
    %iota3A = tpu.iota {dimensions = array<i32: 1>} : vector<10000x256xi32>
    %get3A_71 = arith.constant 0 : index
    %get3A_72 = arith.constant 0 : index
    %get3A_73 = vector.load %arg7[%get3A_71, %get3A_72] : memref<10000x1xi32, #tpu.memory_space<vmem>>, vector<10000x1xi32>
    %eq3A = vector.broadcast %get3A_73 : vector<10000x1xi32> to vector<10000x256xi32>
    %eq3A_74 = arith.cmpi eq, %eq3A, %iota3A : vector<10000x256xi32>
    %convert_element_type3A_75 = arith.extui %eq3A_74 : vector<10000x256xi1> to vector<10000x256xi32>
    %convert_element_type3A_76 = arith.sitofp %convert_element_type3A_75 : vector<10000x256xi32> to vector<10000x256xf32>
    %convert_element_type3A_77 = arith.truncf %convert_element_type3A_76 : vector<10000x256xf32> to vector<10000x256xbf16>
    %convert_element_type3A_78 = arith.truncf %add3A_70 : vector<10000x128xf32> to vector<10000x128xbf16>
    %convert_element_type3A_79 = arith.extf %convert_element_type3A_78 : vector<10000x128xbf16> to vector<10000x128xf32>
    %sub3A_80 = arith.subf %add3A_70, %convert_element_type3A_79 : vector<10000x128xf32>
    %convert_element_type3A_81 = arith.truncf %sub3A_80 : vector<10000x128xf32> to vector<10000x128xbf16>
    %dot_general3A_82 = arith.constant dense<0.000000e+00> : vector<256x128xf32>
    %dot_general3A_83 = tpu.matmul %convert_element_type3A_77, %convert_element_type3A_78, %dot_general3A_82 {dimension_numbers = #tpu.dot_dimension_numbers<[0], [0], [1], [1], [0, 1, 1, 1], [], []>, transpose_lhs_hint = false} : vector<10000x256xbf16>, vector<10000x128xbf16>, vector<256x128xf32> -> vector<256x128xf32>
    %dot_general3A_84 = arith.constant dense<0.000000e+00> : vector<256x128xf32>
    %dot_general3A_85 = tpu.matmul %convert_element_type3A_77, %convert_element_type3A_81, %dot_general3A_84 {dimension_numbers = #tpu.dot_dimension_numbers<[0], [0], [1], [1], [0, 1, 1, 1], [], []>, transpose_lhs_hint = false} : vector<10000x256xbf16>, vector<10000x128xbf16>, vector<256x128xf32> -> vector<256x128xf32>
    %add3A_86 = arith.addf %dot_general3A_83, %dot_general3A_85 : vector<256x128xf32>
    %convert_element_type3A_87 = arith.truncf %convert_element_type3A_76 : vector<10000x256xf32> to vector<10000x256xbf16>
    %broadcast_in_dim3A_88 = arith.constant 1.000000e+00 : bf16
    %broadcast_in_dim3A_89 = vector.broadcast %broadcast_in_dim3A_88 : bf16 to vector<10000x8xbf16>
    %dot_general3A_90 = arith.constant dense<0.000000e+00> : vector<256x8xf32>
    %dot_general3A_91 = tpu.matmul %convert_element_type3A_87, %broadcast_in_dim3A_89, %dot_general3A_90 {dimension_numbers = #tpu.dot_dimension_numbers<[0], [0], [1], [1], [0, 1, 1, 1], [], []>, transpose_lhs_hint = false} : vector<10000x256xbf16>, vector<10000x8xbf16>, vector<256x8xf32> -> vector<256x8xf32>
    %slice3A_92 = vector.extract_strided_slice %dot_general3A_91 {offsets = [0, 0], sizes = [256, 1], strides = [1, 1]} : vector<256x8xf32> to vector<256x1xf32>
    %max3A_93 = arith.constant 1.000000e+00 : f32
    %max3A_94 = vector.broadcast %max3A_93 : f32 to vector<256x1xf32>
    %max3A_95 = arith.maximumf %slice3A_92, %max3A_94 : vector<256x1xf32>
    %div3A_96 = vector.broadcast %max3A_95 : vector<256x1xf32> to vector<256x128xf32>
    %div3A_97 = arith.divf %add3A_86, %div3A_96 : vector<256x128xf32>
    %get3A_98 = arith.constant 0 : index
    %get3A_99 = arith.constant 0 : index
    %get3A_100 = vector.load %arg8[%get3A_98, %get3A_99] : memref<128x64xf32, #tpu.memory_space<vmem>>, vector<128x64xf32>
    %convert_element_type3A_101 = arith.truncf %div3A_97 : vector<256x128xf32> to vector<256x128xbf16>
    %convert_element_type3A_102 = arith.extf %convert_element_type3A_101 : vector<256x128xbf16> to vector<256x128xf32>
    %sub3A_103 = arith.subf %div3A_97, %convert_element_type3A_102 : vector<256x128xf32>
    %convert_element_type3A_104 = arith.truncf %sub3A_103 : vector<256x128xf32> to vector<256x128xbf16>
    %convert_element_type3A_105 = arith.truncf %get3A_100 : vector<128x64xf32> to vector<128x64xbf16>
    %convert_element_type3A_106 = arith.extf %convert_element_type3A_105 : vector<128x64xbf16> to vector<128x64xf32>
    %sub3A_107 = arith.subf %get3A_100, %convert_element_type3A_106 : vector<128x64xf32>
    %convert_element_type3A_108 = arith.truncf %sub3A_107 : vector<128x64xf32> to vector<128x64xbf16>
    %dot_general3A_109 = arith.constant dense<0.000000e+00> : vector<256x64xf32>
    %dot_general3A_110 = tpu.matmul %convert_element_type3A_101, %convert_element_type3A_105, %dot_general3A_109 {dimension_numbers = #tpu.dot_dimension_numbers<[1], [0], [0], [1], [0, 0, 1, 1], [], []>, transpose_lhs_hint = false} : vector<256x128xbf16>, vector<128x64xbf16>, vector<256x64xf32> -> vector<256x64xf32>
    %dot_general3A_111 = arith.constant dense<0.000000e+00> : vector<256x64xf32>
    %dot_general3A_112 = tpu.matmul %convert_element_type3A_101, %convert_element_type3A_108, %dot_general3A_111 {dimension_numbers = #tpu.dot_dimension_numbers<[1], [0], [0], [1], [0, 0, 1, 1], [], []>, transpose_lhs_hint = false} : vector<256x128xbf16>, vector<128x64xbf16>, vector<256x64xf32> -> vector<256x64xf32>
    %add3A_113 = arith.addf %dot_general3A_110, %dot_general3A_112 : vector<256x64xf32>
    %dot_general3A_114 = arith.constant dense<0.000000e+00> : vector<256x64xf32>
    %dot_general3A_115 = tpu.matmul %convert_element_type3A_104, %convert_element_type3A_105, %dot_general3A_114 {dimension_numbers = #tpu.dot_dimension_numbers<[1], [0], [0], [1], [0, 0, 1, 1], [], []>, transpose_lhs_hint = false} : vector<256x128xbf16>, vector<128x64xbf16>, vector<256x64xf32> -> vector<256x64xf32>
    %add3A_116 = arith.addf %add3A_113, %dot_general3A_115 : vector<256x64xf32>
    %get3A_117 = arith.constant 0 : index
    %get3A_118 = arith.constant 0 : index
    %get3A_119 = vector.load %arg9[%get3A_117, %get3A_118] : memref<1x64xf32, #tpu.memory_space<vmem>>, vector<1x64xf32>
    %add3A_120 = vector.broadcast %get3A_119 : vector<1x64xf32> to vector<256x64xf32>
    %add3A_121 = arith.addf %add3A_116, %add3A_120 : vector<256x64xf32>
    %max3A_122 = arith.constant 0.000000e+00 : f32
    %max3A_123 = vector.broadcast %max3A_122 : f32 to vector<256x64xf32>
    %max3A_124 = arith.maximumf %add3A_121, %max3A_123 : vector<256x64xf32>
    %get3A_125 = arith.constant 0 : index
    %get3A_126 = arith.constant 0 : index
    %get3A_127 = vector.load %arg10[%get3A_125, %get3A_126] : memref<64x1xf32, #tpu.memory_space<vmem>>, vector<64x1xf32>
    %convert_element_type3A_128 = arith.truncf %max3A_124 : vector<256x64xf32> to vector<256x64xbf16>
    %convert_element_type3A_129 = arith.extf %convert_element_type3A_128 : vector<256x64xbf16> to vector<256x64xf32>
    %sub3A_130 = arith.subf %max3A_124, %convert_element_type3A_129 : vector<256x64xf32>
    %convert_element_type3A_131 = arith.truncf %sub3A_130 : vector<256x64xf32> to vector<256x64xbf16>
    %convert_element_type3A_132 = arith.truncf %get3A_127 : vector<64x1xf32> to vector<64x1xbf16>
    %convert_element_type3A_133 = arith.extf %convert_element_type3A_132 : vector<64x1xbf16> to vector<64x1xf32>
    %sub3A_134 = arith.subf %get3A_127, %convert_element_type3A_133 : vector<64x1xf32>
    %convert_element_type3A_135 = arith.truncf %sub3A_134 : vector<64x1xf32> to vector<64x1xbf16>
    %dot_general3A_136 = arith.constant dense<0.000000e+00> : vector<256x1xf32>
    %dot_general3A_137 = tpu.matmul %convert_element_type3A_128, %convert_element_type3A_132, %dot_general3A_136 {dimension_numbers = #tpu.dot_dimension_numbers<[1], [0], [0], [1], [0, 0, 1, 1], [], []>, transpose_lhs_hint = false} : vector<256x64xbf16>, vector<64x1xbf16>, vector<256x1xf32> -> vector<256x1xf32>
    %dot_general3A_138 = arith.constant dense<0.000000e+00> : vector<256x1xf32>
    %dot_general3A_139 = tpu.matmul %convert_element_type3A_128, %convert_element_type3A_135, %dot_general3A_138 {dimension_numbers = #tpu.dot_dimension_numbers<[1], [0], [0], [1], [0, 0, 1, 1], [], []>, transpose_lhs_hint = false} : vector<256x64xbf16>, vector<64x1xbf16>, vector<256x1xf32> -> vector<256x1xf32>
    %add3A_140 = arith.addf %dot_general3A_137, %dot_general3A_139 : vector<256x1xf32>
    %dot_general3A_141 = arith.constant dense<0.000000e+00> : vector<256x1xf32>
    %dot_general3A_142 = tpu.matmul %convert_element_type3A_131, %convert_element_type3A_132, %dot_general3A_141 {dimension_numbers = #tpu.dot_dimension_numbers<[1], [0], [0], [1], [0, 0, 1, 1], [], []>, transpose_lhs_hint = false} : vector<256x64xbf16>, vector<64x1xbf16>, vector<256x1xf32> -> vector<256x1xf32>
    %add3A_143 = arith.addf %add3A_140, %dot_general3A_142 : vector<256x1xf32>
    %get3A_144 = arith.constant 0 : index
    %get3A_145 = arith.constant 0 : index
    %get3A_146 = vector.load %arg11[%get3A_144, %get3A_145] : memref<1x1xf32, #tpu.memory_space<vmem>>, vector<1x1xf32>
    %add3A_147 = vector.broadcast %get3A_146 : vector<1x1xf32> to vector<256x1xf32>
    %add3A_148 = arith.addf %add3A_143, %add3A_147 : vector<256x1xf32>
    %swap3A = arith.constant 0 : index
    %swap3A_149 = arith.constant 0 : index
    %swap3A_150 = vector.load %arg12[%swap3A, %swap3A_149] : memref<256x1xf32, #tpu.memory_space<vmem>>, vector<256x1xf32>
    tpu.vector_store %arg12[%swap3A, %swap3A_149], %add3A_148 {strides = array<i32>} : memref<256x1xf32, #tpu.memory_space<vmem>>, vector<256x1xf32>,
    return
  }
}

</mosaic_0001>

<sc_bundles>
// kernel: kernel.10.cloned.1.call-start
scs
__scs_entry_jumppad:
0x0: {  	(pc) =	sbr.rel $0x88, $3  }
0x1: {  	(tag) =	ssettag $0x0;
	lr =	simm.s32 $0x1  }
0x2: {  	[smem:$0x3F89] =	sst lr;
	_ =	strace $0xD0000000  }
0x3: {  	_ = 	snop  }
0x4: {  	_ = 	snop  }
0x5: {  	_ = 	snop  }
0x6: {  	_ = 	snop  }
0x7: {  	_ = 	snop  }
__scs_overlays_trampoline_lowered:
0x8: {  	[smem:$0x3F98] =	sst s0  }
0x9: {  	[smem:$0x3F99] =	sst s1  }
0xa: {  	[smem:$0x3F9A] =	sst s2  }
0xb: {  	[smem:$0x3F9B] =	sst s3  }
0xc: {  	[smem:$0x3F9C] =	sst s4  }
0xd: {  	[smem:$0x3F9D] =	sst s5  }
0xe: {  	[smem:$0x3F9E] =	sst s6  }
0xf: {  	[smem:$0x3F9F] =	sst s7  }
0x10: {  	[smem:$0x3FA0] =	sst s8  }
0x11: {  	[smem:$0x3FA1] =	sst s9;
	s0 =	simm.s32 @!p0 $0x0  }
0x12: {  	s1 =	sld [smem:$0x3F87];
	s0 =	simm.s32 @p0 $0x1  }
0x13: {  	[smem:$0x3FA2] =	sst s0;
	s0 =	simm.s32 @!p1 $0x0  }
0x14: {  	s2 =	sld [smem:$0x3F86];
	s0 =	simm.s32 @p1 $0x1  }
0x15: {  	[smem:$0x3FA3] =	sst s0;
	s0 =	simm.s32 @!p2 $0x0  }
0x16: {  	s3 =	sld [smem:$0x3FDB];
	s0 =	simm.s32 @p2 $0x1  }
0x17: {  	s4 =	simm.s32 $0x1BF5;
	[smem:$0x3FA5] =	sst s0  }
0x18: {  	s0 =	sld [smem:$0x3F88];
	_ =	swait.ge [sflag:s4], $0x0  }
0x19: {  	s7 =	sld [smem:$0x3F89]  }
0x1a: {  	s8 =	sadd.s32 $0xFFFFE003, lr  }
0x1b: {  	s9 =	sadd.s32 $0xFFFFFEF7, lr;
	s5 =	simm.s32 $0xFFFFFFFF;
	p2 =	slt.u32 s8, $0xFFFFF086  }
0x1c: {  	p1 =	slt.u32 s9, $0xF7A;
	s5 =	simm.s32 @!p2 $0x0  }
0x1d: {  	s5 =	simm.s32 @p1 $0x1;
	p0 =	seq.s32 s7, s2  }
0x1e: {  	s7 =	smul.u32 @!p0 $0xF7A, s2;
	p2 =	seq.s32 @!p0 s5, $0x0  }
0x1f: {  	s9 =	smul.u32 $0xF7A, s1;
	s8 =	simm.s32 @!p0 $0x1BF5;
	p2 =	por !p2, p0  }
0x20: {  	[sflag:s8] =	ssyncset.s32 @!p0 $0xFFFFF086;
	s6 =	sadd.s32 @!p0 s3, s7;
	s7 =	simm.s32 @!p0 $0x108  }
0x21: {  	s3 =	sadd.s32 s3, s9;
	s6 =	sadd.s32 @!p0 $0x88, s6;
	s7 =	simm.s32 @p2 $0x1082  }
0x22: {  	[simem:s7], [sflag:s8] =	dma.local @!p0 [hbm:s6], $0xF7A  }
0x23: {  	s9 =	sor.u32 $0xD0000000, s2;
	s6 =	simm.s32 $0x108;
	_ =	swait.ge @!p0 [sflag:s8], $0x0  }
0x24: {  	s3 =	sadd.s32 $0x88, s3;
	s6 =	simm.s32 @!p1 $0x1082;
	[sflag:s4] =	ssyncset.s32 $0xFFFFF086  }
0x25: {  	[simem:s6], [sflag:s4] =	dma.local [hbm:s3], $0xF7A  }
0x26: {  	[smem:$0x3F89] =	sst s1;
	(tag) =	ssettag s2;
	_ =	strace s9  }
0x27: {  	s1 =	sld [smem:$0x3F99]  }
0x28: {  	s2 =	sld [smem:$0x3F9A]  }
0x29: {  	s4 =	sld [smem:$0x3F9C]  }
0x2a: {  	p0 =	seq.s32 s5, $0x0;
	s5 =	sld [smem:$0x3F9D]  }
0x2b: {  	s6 =	sld [smem:$0x3F9E]  }
0x2c: {  	s7 =	sld [smem:$0x3F9F]  }
0x2d: {  	s3 =	simm.s32 $0x108;
	s8 =	sld [smem:$0x3FA0]  }
0x2e: {  	s3 =	simm.s32 @!p0 $0x1082;
	s9 =	sld [smem:$0x3FA1]  }
0x2f: {  	lr =	sadd.s32 s0, s3;
	s0 =	sld [smem:$0x3F98]  }
0x30: {  	s3 =	sld [smem:$0x3F9B]  }
0x31: {  	[smem:$0x3FA4] =	sst s10  }
0x32: {  	s10 =	sld [smem:$0x3FA2];
	_ =	sdelay $0x3  }
0x33: {  	p0 =	seq.s32 s10, $0x1;
	s10 =	sld [smem:$0x3FA4];
	_ =	sdelay $0x3  }
0x34: {  	[smem:$0x3FA4] =	sst s10  }
0x35: {  	s10 =	sld [smem:$0x3FA3];
	_ =	sdelay $0x3  }
0x36: {  	p1 =	seq.s32 s10, $0x1;
	s10 =	sld [smem:$0x3FA4];
	_ =	sdelay $0x3  }
0x37: {  	[smem:$0x3FA4] =	sst s10  }
0x38: {  	s10 =	sld [smem:$0x3FA5]  }
0x39: {  	_ = 	snop;
	(pc) =	sbr.ind lr, $3  }
0x3a: {  	_ = 	snop  }
0x3b: {  	_ = 	snop  }
0x3c: {  	p2 =	seq.s32 s10, $0x1;
	s10 =	sld [smem:$0x3FA4]  }
0x3d: {  	_ =	shalt  }
0x3e: {  	_ =	shalt  }
0x3f: {  	_ =	shalt  }
0x40: {  	_ =	shalt  }
0x41: {  	_ =	shalt  }
0x42: {  	_ =	shalt  }
0x43: {  	_ =	shalt  }
0x44: {  	_ =	shalt  }
0x45: {  	_ =	shalt  }
0x46: {  	_ =	shalt  }
0x47: {  	_ =	shalt  }
0x48: {  	_ =	shalt  }
0x49: {  	_ =	shalt  }
0x4a: {  	_ =	shalt  }
0x4b: {  	_ =	shalt  }
0x4c: {  	_ =	shalt  }
0x4d: {  	_ =	shalt  }
0x4e: {  	_ =	shalt  }
0x4f: {  	_ =	shalt  }
0x50: {  	_ =	shalt  }
0x51: {  	_ =	shalt  }
0x52: {  	_ =	shalt  }
0x53: {  	_ =	shalt  }
0x54: {  	_ =	shalt  }
0x55: {  	_ =	shalt  }
0x56: {  	_ =	shalt  }
0x57: {  	_ =	shalt  }
0x58: {  	_ =	shalt  }
0x59: {  	_ =	shalt  }
0x5a: {  	_ =	shalt  }
0x5b: {  	_ =	shalt  }
0x5c: {  	_ =	shalt  }
0x5d: {  	_ =	shalt  }
0x5e: {  	_ =	shalt  }
0x5f: {  	_ =	shalt  }
0x60: {  	_ =	shalt  }
0x61: {  	_ =	shalt  }
0x62: {  	_ =	shalt  }
0x63: {  	_ =	shalt  }
0x64: {  	_ =	shalt  }
0x65: {  	_ =	shalt  }
0x66: {  	_ =	shalt  }
0x67: {  	_ =	shalt  }
0x68: {  	_ =	shalt  }
0x69: {  	_ =	shalt  }
0x6a: {  	_ =	shalt  }
0x6b: {  	_ =	shalt  }
0x6c: {  	_ =	shalt  }
0x6d: {  	_ =	shalt  }
0x6e: {  	_ =	shalt  }
0x6f: {  	_ =	shalt  }
0x70: {  	_ =	shalt  }
0x71: {  	_ =	shalt  }
0x72: {  	_ =	shalt  }
0x73: {  	_ =	shalt  }
0x74: {  	_ =	shalt  }
0x75: {  	_ =	shalt  }
0x76: {  	_ =	shalt  }
0x77: {  	_ =	shalt  }
0x78: {  	_ =	shalt  }
0x79: {  	_ =	shalt  }
0x7a: {  	_ =	shalt  }
0x7b: {  	_ =	shalt  }
0x7c: {  	_ =	shalt  }
0x7d: {  	_ =	shalt  }
0x7e: {  	_ =	shalt  }
0x7f: {  	_ =	shalt  }
0x80: {  	_ =	shalt  }
0x81: {  	_ =	shalt  }
0x82: {  	_ =	shalt  }
0x83: {  	_ =	shalt  }
0x84: {  	_ =	shalt  }
0x85: {  	_ =	shalt  }
0x86: {  	_ =	shalt  }
0x87: {  	_ =	shalt  }
.Lfunc_end0:
.L_simem_size_0:
called_computation_lowered:
.L_overlay_start_0:
0x88: {  	s2 =	sld [smem:$0x3FD9]  }
0x89: {  	s3 =	sld [smem:$0x3FFE];
	_ =	sdelay $0x1  }
0x8a: {  	s1 =	srdreg.scid  }
0x8b: {  	s0 =	sand.u32 $0x1, s1  }
0x8c: {  	s16 =	sshll.u32 s0, $0xA;
	s2 =	sadd.s32 s3, s2  }
0x8d: {  	s2 =	sadd.s32 s2, s16  }
0x8e: {  	[smem:$0x3FB0] =	sst s2  }
0x8f: {  	_ = 	snop  }
0x90: {  	(tm) =	ssettm $0x1  }
0x91: {  	s17 =	sld [smem:$0x3FFB];
	_ =	sdelay $0x3  }
0x92: {  	_ =	strace s17  }
0x93: {  	s2 =	sld [smem:$0x3FFC];
	_ =	sdelay $0x3  }
0x94: {  	_ =	strace s2  }
0x95: {  	s2 =	sld [smem:$0x3FFD];
	_ =	sdelay $0x3  }
0x96: {  	_ =	strace s2  }
0x97: {  	_ =	strace $0x8FFFFFFF  }
0x98: {  	s18 =	sld [smem:$0x3FDB];
	_ =	sdelay $0x1  }
0x99: {  	s19 =	simm.s32 $_scs_section_size  }
0x9a: {  	s4 =	simm.s32 $_size__tile_overlayer_lowered;
	s5 =	simm.s32 $_tile_overlayer_lowered  }
0x9b: {  	s22 =	simm.s32 $0x1BFF;
	s21 =	sshll.u32 s5, $0x1;
	s2 =	sadd.s32 s19, s18  }
0x9c: {  	s6 =	simm.s32 $0x0;
	s20 =	sshll.u32 s4, $0x1;
	s4 =	sadd.s32 s21, s2  }
0x9d: {  	[timem:s6], [sflag:s22] =	dma.local [hbm:s4], s20  }
0x9e: {  	_ =	swait.ge [sflag:s22], s20  }
0x9f: {  	s3 =	ssub.s32 $0x0, s20;
	[sflag:s22] =	ssyncset.done $0x0  }
0xa0: {  	[sflag:s22] =	ssyncadd.s32 s3;
	_ =	sdelay $0x1  }
0xa1: {  	s23 =	simm.s32 $0x1B8B  }
0xa2: {  	_ =	swait.ge [sflag:s23], $0x1  }
0xa3: {  	[sflag:s23] =	ssyncset.done $0x0  }
0xa4: {  	s25 =	simm.s32 $0x1B8E;
	s24 =	sld [smem:$0x3FFE];
	[sflag:s23] =	ssyncadd.s32 $0xFFFFFFFF  }
0xa5: {  	s26 =	simm.s32 $execute0_lowered;
	[smem:$0x3FD2] =	sst s25  }
0xa6: {  	s4 =	sshll.u32 s26, $0x1;
	_ =	strace $0x80000046;
	[dreg:$0x1] =	wrdreg $0xFFFFFFFF  }
0xa7: {  	s28 =	simm.s32 $_size_execute0_lowered;
	s2 =	sadd.s32 s2, s4;
	[dreg:$0x0] =	wrdreg $0x0  }
0xa8: {  	s4 =	sshll.u32 s28, $0x1;
	[dreg:$0x2] =	wrdreg s2  }
0xa9: {  	[dreg:$0x3] =	wrdreg s4  }
0xaa: {  	[dreg:$0x4] =	wrdreg $0xC0  }
0xab: {  	_ =	task [dreg:s6], $0x5FFFF  }
0xac: {  	[dreg:$0x1] =	wrdreg $0xFFFFFFFF  }
0xad: {  	[dreg:$0x0] =	wrdreg $0x60  }
0xae: {  	[dreg:$0x2] =	wrdreg s24  }
0xaf: {  	[dreg:$0x3] =	wrdreg $0x9  }
0xb0: {  	_ =	task.clear_ibuf [dreg:s6], $0x4FFFF;
	_ =	strace $0x90000046  }
0xb1: {  	s29 =	simm.s32 $0x9;
	_ =	strace $0x80000048  }
0xb2: {  	_ =	swait.ge [sflag:s29], $0x1  }
0xb3: {  	[sflag:s29] =	ssyncadd.s32 $0xFFFFFFFF  }
0xb4: {  	_ =	strace $0x90000048  }
0xb5: {  	_ =	sfence  }
0xb6: {  	s30 =	sld [smem:$0x0];
	_ =	sdelay $0x2  }
0xb7: {  	s31 =	sshll.u32 s1, $0xD;
	s1 =	sshrl.u32 s1, $0x2  }
0xb8: {  	s3 =	sand.u32 $0x4000, s31;
	s1 =	sadd.s32 s1, s30  }
0xb9: {  	s0 =	sor.u32 s3, s0;
	s1 =	sshll.u32 s1, $0x11  }
0xba: {  	s0 =	sor.u32 s1, s0  }
0xbb: {  	s0 =	sadd.s32 $0x8F2B, s0  }
0xbc: {  	[sflag:s0] =	ssyncadd.remote.s32 $0x1  }
0xbd: {  	_ =	sfence.sel $0xFFFF  }
0xbe: {  	[dreg:$0x0] =	wrdreg $0xFFFFFFFF;
	(pc) =	sbr.abs _section_cstart, $3  }
0xbf: {  	[dreg:$0x1] =	wrdreg $0xFFFFFFFF  }
0xc0: {  	_ =	task.clear_ibuf [dreg:s6], $0x2FFFF;
	_ =	strace $0x9FFFFFFF  }
0xc1: {  	(tm) =	ssettm $0x7FFFFFFF  }
tec
execute0_lowered:
.L_overlay_start_1:
0x0: {  	(tag) =	ssettag $0x1  }
0x1: {  	s1 =	srdreg.scid;
	s0 =	stileid.u32  }
0x2: {  	s11 =	sand.u32 $0x1, s1;
	s30 =	sshll.u32 s0, $0x1  }
0x3: {  	s12 =	sor.u32 s11, s30  }
0x4: {  	s10 =	rddreg [dreg:$0x0];
	s3 =	smul.u32 $0x78, s12  }
0x5: {  	s2 =	simm.s32 $0x0;
	s1 =	rddreg [dreg:$0x1]  }
0x6: {  	[smem:$0x7FF] =	sst s2;
	s3 =	sadd.s32 s3, s10  }
0x7: {  	_ =	strace $0x80000047;
	s4 =	sadd.s32 $0x32C00, s3;
	s3 =	simm.s32 $0x3  }
0x8: {  	[tilespmem:s2], [sflag:$0x3] =	stream.linear.gather [hbm4b:s4+s2], $0x3C0, $0x38;
	[tilespmem:$0x7BC0] =	vst v63  }
0x9: {  	_ =	swait.ge [sflag:s3], $0x3C0  }
0xa: {  	s6 =	simm.s32 $0x1E0;
	[sflag:s3] =	ssyncset.done $0x0  }
0xb: {  	s7 =	simm.s32 $0x3C0;
	s5 =	sadd.s32 $0x28E00, s10;
	[sflag:s3] =	ssyncadd.s32 $0xFFFFFC40  }
0xc: {  	[tilespmem:s7], [sflag:$0x1] =	stream.indirect.gather [hbm4b:s5+s6], $0x20, s2, s6, $0xb8;
	[tilespmem:$0x7BC0] =	vst v63  }
0xd: {  	s8 =	simm.s32 $0x3FC0;
	s9 =	simm.s32 $0x1  }
0xe: {  	[tilespmem:s8], [sflag:$0x2] =	stream.indirect.gather [hbm4b:s5+s6], $0x20, s6, s6, $0xb8;
	[tilespmem:$0x7BC0] =	vst v63  }
0xf: {  	s13 =	smul.u32 $0xF00, s12;
	_ =	swait.ge [sflag:s9], $0x3C00  }
0x10: {  	s14 =	sadd.s32 $0x33C00, s10;
	[sflag:s9] =	ssyncset.done $0x0  }
0x11: {  	s31 =	ssub.s32 $0x2, s11;
	s10 =	sadd.s32 s14, s13;
	[sflag:s9] =	ssyncadd.s32 $0xFFFFC400  }
0x12: {  	[hbm4b:s10+s2] =	stream.linear.scatter [tilespmem:s7], [sflag:$0x3], $0x3C00, $0x38;
	[tilespmem:$0x7BC0] =	vst v63  }
0x13: {  	s15 =	sshrl.u32 s31, $0x1;
	_ =	swait.ge [sflag:s3], $0x3C00  }
0x14: {  	s12 =	smul.u32 $0x7800, s12;
	s13 =	ssub.s32 s31, s15;
	[sflag:s3] =	ssyncset.done $0x0  }
0x15: {  	s11 =	simm.s32 $0x2;
	s13 =	smax.u32 s13, $0x1;
	[sflag:s3] =	ssyncadd.s32 $0xFFFFC400  }
0x16: {  	s12 =	sshrl.u32 s12, $0x3;
	p0 =	sne.s32 s13, $0x1;
	_ =	swait.ge [sflag:s11], $0x3C00  }
.Ltmp0:
0x17: {  	s12 =	sadd.s32 s14, s12;
	[sflag:s11] =	ssyncset.done $0x0;
	(pc) =	sbr.rel @!p0 .LBB2_2-.Ltmp0, $4  }
0x18: {  	s12 =	sadd.s32 $0x780, s12;
	[sflag:s11] =	ssyncadd.s32 $0xFFFFC400  }
0x19: {  	[hbm4b:s12+s2] =	stream.linear.scatter [tilespmem:s8], [sflag:$0x3], $0x3C00, $0x38;
	[tilespmem:$0x7BC0] =	vst v63  }
0x1a: {  	_ =	swait.ge [sflag:s3], $0x3C00  }
0x1b: {  	s13 =	sadd.s32 $0xFFFFFFFF, s13;
	[sflag:s3] =	ssyncset.done $0x0  }
.LBB2_1:
0x1c: {  	p0 =	sne.s32 s13, $0x1;
	s13 =	sadd.s32 $0xFFFFFFFF, s13;
	[sflag:s3] =	ssyncadd.s32 $0xFFFFC400  }
0x1d: {  	[tilespmem:s2], [sflag:$0x3] =	stream.linear.gather [hbm4b:s4+s2], $0x3C0, $0x38;
	[tilespmem:$0x7BC0] =	vst v63  }
0x1e: {  	_ =	swait.ge [sflag:s3], $0x3C0  }
0x1f: {  	[sflag:s3] =	ssyncset.done $0x0  }
0x20: {  	[sflag:s3] =	ssyncadd.s32 $0xFFFFFC40  }
0x21: {  	[tilespmem:s7], [sflag:$0x1] =	stream.indirect.gather [hbm4b:s5+s6], $0x20, s2, s6, $0xb8;
	[tilespmem:$0x7BC0] =	vst v63  }
0x22: {  	_ = 	snop  }
0x23: {  	[tilespmem:s8], [sflag:$0x2] =	stream.indirect.gather [hbm4b:s5+s6], $0x20, s6, s6, $0xb8;
	[tilespmem:$0x7BC0] =	vst v63  }
0x24: {  	_ =	swait.ge [sflag:s9], $0x3C00  }
0x25: {  	[sflag:s9] =	ssyncset.done $0x0  }
0x26: {  	[sflag:s9] =	ssyncadd.s32 $0xFFFFC400  }
0x27: {  	[hbm4b:s10+s2] =	stream.linear.scatter [tilespmem:s7], [sflag:$0x3], $0x3C00, $0x38;
	[tilespmem:$0x7BC0] =	vst v63  }
0x28: {  	_ =	swait.ge [sflag:s3], $0x3C00  }
0x29: {  	[sflag:s3] =	ssyncset.done $0x0  }
0x2a: {  	[sflag:s3] =	ssyncadd.s32 $0xFFFFC400  }
0x2b: {  	_ =	swait.ge [sflag:s11], $0x3C00  }
.Ltmp1:
0x2c: {  	[sflag:s11] =	ssyncset.done $0x0;
	(pc) =	sbr.rel @p0 .LBB2_1-.Ltmp1, $4  }
0x2d: {  	[sflag:s11] =	ssyncadd.s32 $0xFFFFC400  }
0x2e: {  	[hbm4b:s12+s2] =	stream.linear.scatter [tilespmem:s8], [sflag:$0x3], $0x3C00, $0x38;
	[tilespmem:$0x7BC0] =	vst v63  }
0x2f: {  	_ =	swait.ge [sflag:s3], $0x3C00  }
0x30: {  	[sflag:s3] =	ssyncset.done $0x0  }
.LBB2_2:
0x31: {  	[sflag:s3] =	ssyncadd.s32 $0xFFFFC400  }
0x32: {  	_ =	sfence.sel $0x180000  }
0x33: {  	[bflag:$0x0] =	sbarrier.arrive $0xFFFF  }
0x34: {  	p0 =	sne.s32 s0, $0x0;
	_ =	strace $0x90000047  }
0x35: {  	s0 =	sadd.s32 @!p0 $0x100000, s1;
	[bflag:$0x2] =	sbarrier.arrive $0xFFFF  }
0x36: {  	[sflag:s0] =	ssyncadd.tile.s32 @!p0 $0x1;
	_ =	shalt  }
.Lfunc_end2:
_tile_overlayer_lowered:
.L_overlay_start_2:
0x37: {  	(tag) =	ssettag $0x2  }
0x38: {  	s0 =	rddreg [dreg:$0x0];
	s2 =	stileid.u32  }
0x39: {  	s1 =	rddreg [dreg:$0x1];
	p0 =	sne.s32 s2, $0x0  }
0x3a: {  	s3 =	rddreg [dreg:$0x2];
	[bflag:$0x3] =	sbarrier.arrive $0xFFFF;
	s2 =	simm.s32 @!p0 $0x1C03  }
0x3b: {  	[timem:s3], [sflag:s2] =	dma.local @!p0 [hbm:s0], s1  }
0x3c: {  	s0 =	simm.s32 @!p0 $0x3  }
0x3d: {  	_ =	swait.ge @!p0 [sflag:s0], s1  }
0x3e: {  	s1 =	ssub.s32 @!p0 $0x0, s1;
	[sflag:s0] =	ssyncset.done @!p0 $0x0  }
0x3f: {  	[sflag:s0] =	ssyncadd.s32 @!p0 s1  }
0x40: {  	[bflag:$0x3] =	sbarrier.arrive $0xFFFF  }
0x41: {  	_ =	shalt  }

// kernel: kernel.13.cloned.1.call-start
scs
__scs_entry_jumppad:
0x0: {  	(pc) =	sbr.rel $0x88, $3  }
0x1: {  	(tag) =	ssettag $0x0;
	lr =	simm.s32 $0x1  }
0x2: {  	[smem:$0x3F89] =	sst lr;
	_ =	strace $0xD0000000  }
0x3: {  	_ = 	snop  }
0x4: {  	_ = 	snop  }
0x5: {  	_ = 	snop  }
0x6: {  	_ = 	snop  }
0x7: {  	_ = 	snop  }
__scs_overlays_trampoline_lowered:
0x8: {  	[smem:$0x3F98] =	sst s0  }
0x9: {  	[smem:$0x3F99] =	sst s1  }
0xa: {  	[smem:$0x3F9A] =	sst s2  }
0xb: {  	[smem:$0x3F9B] =	sst s3  }
0xc: {  	[smem:$0x3F9C] =	sst s4  }
0xd: {  	[smem:$0x3F9D] =	sst s5  }
0xe: {  	[smem:$0x3F9E] =	sst s6  }
0xf: {  	[smem:$0x3F9F] =	sst s7  }
0x10: {  	[smem:$0x3FA0] =	sst s8  }
0x11: {  	[smem:$0x3FA1] =	sst s9;
	s0 =	simm.s32 @!p0 $0x0  }
0x12: {  	s1 =	sld [smem:$0x3F87];
	s0 =	simm.s32 @p0 $0x1  }
0x13: {  	[smem:$0x3FA2] =	sst s0;
	s0 =	simm.s32 @!p1 $0x0  }
0x14: {  	s2 =	sld [smem:$0x3F86];
	s0 =	simm.s32 @p1 $0x1  }
0x15: {  	[smem:$0x3FA3] =	sst s0;
	s0 =	simm.s32 @!p2 $0x0  }
0x16: {  	s3 =	sld [smem:$0x3FDB];
	s0 =	simm.s32 @p2 $0x1  }
0x17: {  	s4 =	simm.s32 $0x1BF5;
	[smem:$0x3FA5] =	sst s0  }
0x18: {  	s0 =	sld [smem:$0x3F88];
	_ =	swait.ge [sflag:s4], $0x0  }
0x19: {  	s7 =	sld [smem:$0x3F89]  }
0x1a: {  	s8 =	sadd.s32 $0xFFFFE003, lr  }
0x1b: {  	s9 =	sadd.s32 $0xFFFFFEF7, lr;
	s5 =	simm.s32 $0xFFFFFFFF;
	p2 =	slt.u32 s8, $0xFFFFF086  }
0x1c: {  	p1 =	slt.u32 s9, $0xF7A;
	s5 =	simm.s32 @!p2 $0x0  }
0x1d: {  	s5 =	simm.s32 @p1 $0x1;
	p0 =	seq.s32 s7, s2  }
0x1e: {  	s7 =	smul.u32 @!p0 $0xF7A, s2;
	p2 =	seq.s32 @!p0 s5, $0x0  }
0x1f: {  	s9 =	smul.u32 $0xF7A, s1;
	s8 =	simm.s32 @!p0 $0x1BF5;
	p2 =	por !p2, p0  }
0x20: {  	[sflag:s8] =	ssyncset.s32 @!p0 $0xFFFFF086;
	s6 =	sadd.s32 @!p0 s3, s7;
	s7 =	simm.s32 @!p0 $0x108  }
0x21: {  	s3 =	sadd.s32 s3, s9;
	s6 =	sadd.s32 @!p0 $0x88, s6;
	s7 =	simm.s32 @p2 $0x1082  }
0x22: {  	[simem:s7], [sflag:s8] =	dma.local @!p0 [hbm:s6], $0xF7A  }
0x23: {  	s9 =	sor.u32 $0xD0000000, s2;
	s6 =	simm.s32 $0x108;
	_ =	swait.ge @!p0 [sflag:s8], $0x0  }
0x24: {  	s3 =	sadd.s32 $0x88, s3;
	s6 =	simm.s32 @!p1 $0x1082;
	[sflag:s4] =	ssyncset.s32 $0xFFFFF086  }
0x25: {  	[simem:s6], [sflag:s4] =	dma.local [hbm:s3], $0xF7A  }
0x26: {  	[smem:$0x3F89] =	sst s1;
	(tag) =	ssettag s2;
	_ =	strace s9  }
0x27: {  	s1 =	sld [smem:$0x3F99]  }
0x28: {  	s2 =	sld [smem:$0x3F9A]  }
0x29: {  	s4 =	sld [smem:$0x3F9C]  }
0x2a: {  	p0 =	seq.s32 s5, $0x0;
	s5 =	sld [smem:$0x3F9D]  }
0x2b: {  	s6 =	sld [smem:$0x3F9E]  }
0x2c: {  	s7 =	sld [smem:$0x3F9F]  }
0x2d: {  	s3 =	simm.s32 $0x108;
	s8 =	sld [smem:$0x3FA0]  }
0x2e: {  	s3 =	simm.s32 @!p0 $0x1082;
	s9 =	sld [smem:$0x3FA1]  }
0x2f: {  	lr =	sadd.s32 s0, s3;
	s0 =	sld [smem:$0x3F98]  }
0x30: {  	s3 =	sld [smem:$0x3F9B]  }
0x31: {  	[smem:$0x3FA4] =	sst s10  }
0x32: {  	s10 =	sld [smem:$0x3FA2];
	_ =	sdelay $0x3  }
0x33: {  	p0 =	seq.s32 s10, $0x1;
	s10 =	sld [smem:$0x3FA4];
	_ =	sdelay $0x3  }
0x34: {  	[smem:$0x3FA4] =	sst s10  }
0x35: {  	s10 =	sld [smem:$0x3FA3];
	_ =	sdelay $0x3  }
0x36: {  	p1 =	seq.s32 s10, $0x1;
	s10 =	sld [smem:$0x3FA4];
	_ =	sdelay $0x3  }
0x37: {  	[smem:$0x3FA4] =	sst s10  }
0x38: {  	s10 =	sld [smem:$0x3FA5]  }
0x39: {  	_ = 	snop;
	(pc) =	sbr.ind lr, $3  }
0x3a: {  	_ = 	snop  }
0x3b: {  	_ = 	snop  }
0x3c: {  	p2 =	seq.s32 s10, $0x1;
	s10 =	sld [smem:$0x3FA4]  }
0x3d: {  	_ =	shalt  }
0x3e: {  	_ =	shalt  }
0x3f: {  	_ =	shalt  }
0x40: {  	_ =	shalt  }
0x41: {  	_ =	shalt  }
0x42: {  	_ =	shalt  }
0x43: {  	_ =	shalt  }
0x44: {  	_ =	shalt  }
0x45: {  	_ =	shalt  }
0x46: {  	_ =	shalt  }
0x47: {  	_ =	shalt  }
0x48: {  	_ =	shalt  }
0x49: {  	_ =	shalt  }
0x4a: {  	_ =	shalt  }
0x4b: {  	_ =	shalt  }
0x4c: {  	_ =	shalt  }
0x4d: {  	_ =	shalt  }
0x4e: {  	_ =	shalt  }
0x4f: {  	_ =	shalt  }
0x50: {  	_ =	shalt  }
0x51: {  	_ =	shalt  }
0x52: {  	_ =	shalt  }
0x53: {  	_ =	shalt  }
0x54: {  	_ =	shalt  }
0x55: {  	_ =	shalt  }
0x56: {  	_ =	shalt  }
0x57: {  	_ =	shalt  }
0x58: {  	_ =	shalt  }
0x59: {  	_ =	shalt  }
0x5a: {  	_ =	shalt  }
0x5b: {  	_ =	shalt  }
0x5c: {  	_ =	shalt  }
0x5d: {  	_ =	shalt  }
0x5e: {  	_ =	shalt  }
0x5f: {  	_ =	shalt  }
0x60: {  	_ =	shalt  }
0x61: {  	_ =	shalt  }
0x62: {  	_ =	shalt  }
0x63: {  	_ =	shalt  }
0x64: {  	_ =	shalt  }
0x65: {  	_ =	shalt  }
0x66: {  	_ =	shalt  }
0x67: {  	_ =	shalt  }
0x68: {  	_ =	shalt  }
0x69: {  	_ =	shalt  }
0x6a: {  	_ =	shalt  }
0x6b: {  	_ =	shalt  }
0x6c: {  	_ =	shalt  }
0x6d: {  	_ =	shalt  }
0x6e: {  	_ =	shalt  }
0x6f: {  	_ =	shalt  }
0x70: {  	_ =	shalt  }
0x71: {  	_ =	shalt  }
0x72: {  	_ =	shalt  }
0x73: {  	_ =	shalt  }
0x74: {  	_ =	shalt  }
0x75: {  	_ =	shalt  }
0x76: {  	_ =	shalt  }
0x77: {  	_ =	shalt  }
0x78: {  	_ =	shalt  }
0x79: {  	_ =	shalt  }
0x7a: {  	_ =	shalt  }
0x7b: {  	_ =	shalt  }
0x7c: {  	_ =	shalt  }
0x7d: {  	_ =	shalt  }
0x7e: {  	_ =	shalt  }
0x7f: {  	_ =	shalt  }
0x80: {  	_ =	shalt  }
0x81: {  	_ =	shalt  }
0x82: {  	_ =	shalt  }
0x83: {  	_ =	shalt  }
0x84: {  	_ =	shalt  }
0x85: {  	_ =	shalt  }
0x86: {  	_ =	shalt  }
0x87: {  	_ =	shalt  }
.Lfunc_end0:
.L_simem_size_0:
called_computation.1_lowered:
.L_overlay_start_0:
0x88: {  	s2 =	sld [smem:$0x3FD9]  }
0x89: {  	s3 =	sld [smem:$0x3FFE];
	_ =	sdelay $0x1  }
0x8a: {  	s1 =	srdreg.scid  }
0x8b: {  	s0 =	sand.u32 $0x1, s1  }
0x8c: {  	s16 =	sshll.u32 s0, $0xA;
	s2 =	sadd.s32 s3, s2  }
0x8d: {  	s2 =	sadd.s32 s2, s16  }
0x8e: {  	[smem:$0x3FB0] =	sst s2  }
0x8f: {  	_ = 	snop  }
0x90: {  	(tm) =	ssettm $0x1  }
0x91: {  	s17 =	sld [smem:$0x3FFB];
	_ =	sdelay $0x3  }
0x92: {  	_ =	strace s17  }
0x93: {  	s2 =	sld [smem:$0x3FFC];
	_ =	sdelay $0x3  }
0x94: {  	_ =	strace s2  }
0x95: {  	s2 =	sld [smem:$0x3FFD];
	_ =	sdelay $0x3  }
0x96: {  	_ =	strace s2  }
0x97: {  	_ =	strace $0x8FFFFFFF  }
0x98: {  	s18 =	sld [smem:$0x3FDB];
	_ =	sdelay $0x1  }
0x99: {  	s19 =	simm.s32 $_scs_section_size  }
0x9a: {  	s4 =	simm.s32 $_size__tile_overlayer_lowered;
	s5 =	simm.s32 $_tile_overlayer_lowered  }
0x9b: {  	s22 =	simm.s32 $0x1BFF;
	s21 =	sshll.u32 s5, $0x1;
	s2 =	sadd.s32 s19, s18  }
0x9c: {  	s6 =	simm.s32 $0x0;
	s20 =	sshll.u32 s4, $0x1;
	s4 =	sadd.s32 s21, s2  }
0x9d: {  	[timem:s6], [sflag:s22] =	dma.local [hbm:s4], s20  }
0x9e: {  	_ =	swait.ge [sflag:s22], s20  }
0x9f: {  	s3 =	ssub.s32 $0x0, s20;
	[sflag:s22] =	ssyncset.done $0x0  }
0xa0: {  	[sflag:s22] =	ssyncadd.s32 s3;
	_ =	sdelay $0x1  }
0xa1: {  	s23 =	simm.s32 $0x1B8B  }
0xa2: {  	_ =	swait.ge [sflag:s23], $0x1  }
0xa3: {  	[sflag:s23] =	ssyncset.done $0x0  }
0xa4: {  	s25 =	simm.s32 $0x1B8E;
	s24 =	sld [smem:$0x3FFE];
	[sflag:s23] =	ssyncadd.s32 $0xFFFFFFFF  }
0xa5: {  	s26 =	simm.s32 $execute0_lowered;
	[smem:$0x3FD2] =	sst s25  }
0xa6: {  	s4 =	sshll.u32 s26, $0x1;
	_ =	strace $0x80000049;
	[dreg:$0x1] =	wrdreg $0xFFFFFFFF  }
0xa7: {  	s28 =	simm.s32 $_size_execute0_lowered;
	s2 =	sadd.s32 s2, s4;
	[dreg:$0x0] =	wrdreg $0x0  }
0xa8: {  	s4 =	sshll.u32 s28, $0x1;
	[dreg:$0x2] =	wrdreg s2  }
0xa9: {  	[dreg:$0x3] =	wrdreg s4  }
0xaa: {  	[dreg:$0x4] =	wrdreg $0xC0  }
0xab: {  	_ =	task [dreg:s6], $0x5FFFF  }
0xac: {  	[dreg:$0x1] =	wrdreg $0xFFFFFFFF  }
0xad: {  	[dreg:$0x0] =	wrdreg $0x60  }
0xae: {  	[dreg:$0x2] =	wrdreg s24  }
0xaf: {  	[dreg:$0x3] =	wrdreg $0x4EC00  }
0xb0: {  	[dreg:$0x4] =	wrdreg $0x9  }
0xb1: {  	_ =	task.clear_ibuf [dreg:s6], $0x5FFFF;
	_ =	strace $0x90000049  }
0xb2: {  	s29 =	simm.s32 $0x9;
	_ =	strace $0x8000004B  }
0xb3: {  	_ =	swait.ge [sflag:s29], $0x1  }
0xb4: {  	[sflag:s29] =	ssyncadd.s32 $0xFFFFFFFF  }
0xb5: {  	_ =	strace $0x9000004B  }
0xb6: {  	_ =	sfence  }
0xb7: {  	s30 =	sld [smem:$0x0];
	_ =	sdelay $0x2  }
0xb8: {  	s31 =	sshll.u32 s1, $0xD;
	s1 =	sshrl.u32 s1, $0x2  }
0xb9: {  	s3 =	sand.u32 $0x4000, s31;
	s1 =	sadd.s32 s1, s30  }
0xba: {  	s0 =	sor.u32 s3, s0;
	s1 =	sshll.u32 s1, $0x11  }
0xbb: {  	s0 =	sor.u32 s1, s0  }
0xbc: {  	s0 =	sadd.s32 $0x8F2B, s0  }
0xbd: {  	[sflag:s0] =	ssyncadd.remote.s32 $0x1  }
0xbe: {  	_ =	sfence.sel $0xFFFF  }
0xbf: {  	[dreg:$0x0] =	wrdreg $0xFFFFFFFF;
	(pc) =	sbr.abs _section_cstart, $3  }
0xc0: {  	[dreg:$0x1] =	wrdreg $0xFFFFFFFF  }
0xc1: {  	_ =	task.clear_ibuf [dreg:s6], $0x2FFFF;
	_ =	strace $0x9FFFFFFF  }
0xc2: {  	(tm) =	ssettm $0x7FFFFFFF  }
0xc3: {  	_ =	shalt  }
tec
execute0_lowered:
.L_overlay_start_1:
0x0: {  	(tag) =	ssettag $0x1  }
0x1: {  	s29 =	rddreg [dreg:$0x0];
	s1 =	srdreg.scid  }
0x2: {  	s0 =	stileid.u32;
	s2 =	rddreg [dreg:$0x1];
	s3 =	simm.s32 $0x0  }
0x3: {  	s30 =	sand.u32 $0x1, s1;
	s31 =	smul.u32 $0xC800, s0;
	[smem:$0x7FF] =	sst s3  }
0x4: {  	s5 =	sshll.u32 s0, $0x6;
	s4 =	sshll.u32 s30, $0x4;
	_ =	strace $0x8000004A  }
0x5: {  	s5 =	sor.u32 $0x1C03, s5;
	s9 =	sor.u32 s0, s4;
	s26 =	sshrl.u32 s31, $0x3  }
0x6: {  	s6 =	sadd.s32 s31, s2;
	s8 =	smul.u32 $0x78, s9;
	s4 =	sadd.s32 s26, s29  }
0x7: {  	s7 =	sshrl.u32 s6, $0x3;
	s6 =	simm.s32 $0x3;
	s4 =	sadd.s32 $0x33C00, s4  }
0x8: {  	[spmem:s7], [sflag:s5] =	dma.local [hbm:s4], $0x1900  }
0x9: {  	_ =	swait.ge [sflag:s6], $0x1900  }
0xa: {  	s10 =	smul.u32 $0x2580, s9;
	s8 =	sadd.s32 s8, s29;
	[sflag:s6] =	ssyncset.done $0x0  }
0xb: {  	s9 =	smul.u32 $0x12C00, s9;
	s8 =	sadd.s32 $0x51C00, s8;
	[sflag:s6] =	ssyncadd.s32 $0xFFFFE700  }
0xc: {  	[tilespmem:s3], [sflag:$0x3] =	stream.linear.gather [hbm4b:s8+s3], $0x3C0, $0x38;
	[tilespmem:$0x116C0] =	vst v63  }
0xd: {  	s13 =	simm.s32 $0x1;
	s11 =	sadd.s32 $0xCAC00, s29;
	_ =	swait.ge [sflag:s6], $0x3C0  }
0xe: {  	s12 =	sshrl.u32 s9, $0x3;
	s9 =	sadd.s32 s11, s10;
	[sflag:s6] =	ssyncset.done $0x0  }
0xf: {  	s25 =	sadd.s32 s11, s12;
	s11 =	simm.s32 $0x3C0;
	[sflag:s6] =	ssyncadd.s32 $0xFFFFFC40  }
0x10: {  	[tilespmem:s11], [sflag:$0x1] =	stream.linear.gather [hbm4b:s9+s3], $0x2580, $0x38;
	[tilespmem:$0x116C0] =	vst v63  }
0x11: {  	s12 =	simm.s32 $0x2940;
	s10 =	sadd.s32 $0x4B0, s25;
	[bflag:$0x0] =	sbarrier.arrive $0xFFFF  }
0x12: {  	[tilespmem:s12], [sflag:$0x2] =	stream.linear.gather [hbm4b:s10+s3], $0x2580, $0x38;
	[tilespmem:$0x116C0] =	vst v63  }
0x13: {  	_ =	swait.ge [sflag:s13], $0x2580  }
0x14: {  	[sflag:s13] =	ssyncset.done $0x0  }
0x15: {  	s14 =	simm.s32 $0x78;
	[sflag:s13] =	ssyncadd.s32 $0xFFFFDA80  }
0x16: {  	[spmem:s2] =	stream.indirect.scatter.add.f32 [tilespmem:s11], [sflag:$0x3], $0x50, s3, s14, $0xb8;
	[tilespmem:$0x116C0] =	vst v63  }
0x17: {  	_ =	swait.ge [sflag:s6], $0x2580  }
0x18: {  	[sflag:s6] =	ssyncset.done $0x0  }
0x19: {  	s16 =	simm.s32 $0x2;
	s15 =	sadd.s32 $0x960, s25;
	[sflag:s6] =	ssyncadd.s32 $0xFFFFDA80  }
0x1a: {  	[tilespmem:s11], [sflag:$0x1] =	stream.linear.gather [hbm4b:s15+s3], $0x2580, $0x38;
	[tilespmem:$0x116C0] =	vst v63  }
0x1b: {  	_ =	swait.ge [sflag:s16], $0x2580  }
0x1c: {  	[sflag:s16] =	ssyncset.done $0x0  }
0x1d: {  	[sflag:s16] =	ssyncadd.s32 $0xFFFFDA80  }
0x1e: {  	[spmem:s2] =	stream.indirect.scatter.add.f32 [tilespmem:s12], [sflag:$0x3], $0x50, s14, s14, $0xb8;
	[tilespmem:$0x116C0] =	vst v63  }
0x1f: {  	_ =	swait.ge [sflag:s6], $0x2580  }
0x20: {  	[sflag:s6] =	ssyncset.done $0x0  }
0x21: {  	s17 =	sadd.s32 $0xE10, s25;
	[sflag:s6] =	ssyncadd.s32 $0xFFFFDA80  }
0x22: {  	[tilespmem:s12], [sflag:$0x2] =	stream.linear.gather [hbm4b:s17+s3], $0x2580, $0x38;
	[tilespmem:$0x116C0] =	vst v63  }
0x23: {  	_ =	swait.ge [sflag:s13], $0x2580  }
0x24: {  	[sflag:s13] =	ssyncset.done $0x0  }
0x25: {  	s18 =	simm.s32 $0xF0;
	[sflag:s13] =	ssyncadd.s32 $0xFFFFDA80  }
0x26: {  	[spmem:s2] =	stream.indirect.scatter.add.f32 [tilespmem:s11], [sflag:$0x3], $0x50, s18, s14, $0xb8;
	[tilespmem:$0x116C0] =	vst v63  }
0x27: {  	_ =	swait.ge [sflag:s6], $0x2580  }
0x28: {  	[sflag:s6] =	ssyncset.done $0x0  }
0x29: {  	s19 =	sadd.s32 $0x12C0, s25;
	[sflag:s6] =	ssyncadd.s32 $0xFFFFDA80  }
0x2a: {  	[tilespmem:s11], [sflag:$0x1] =	stream.linear.gather [hbm4b:s19+s3], $0x2580, $0x38;
	[tilespmem:$0x116C0] =	vst v63  }
0x2b: {  	_ =	swait.ge [sflag:s16], $0x2580  }
0x2c: {  	[sflag:s16] =	ssyncset.done $0x0  }
0x2d: {  	s20 =	simm.s32 $0x168;
	[sflag:s16] =	ssyncadd.s32 $0xFFFFDA80  }
0x2e: {  	[spmem:s2] =	stream.indirect.scatter.add.f32 [tilespmem:s12], [sflag:$0x3], $0x50, s20, s14, $0xb8;
	[tilespmem:$0x116C0] =	vst v63  }
0x2f: {  	_ =	swait.ge [sflag:s6], $0x2580  }
0x30: {  	[sflag:s6] =	ssyncset.done $0x0  }
0x31: {  	s21 =	sadd.s32 $0x1770, s25;
	[sflag:s6] =	ssyncadd.s32 $0xFFFFDA80  }
0x32: {  	[tilespmem:s12], [sflag:$0x2] =	stream.linear.gather [hbm4b:s21+s3], $0x2580, $0x38;
	[tilespmem:$0x116C0] =	vst v63  }
0x33: {  	_ =	swait.ge [sflag:s13], $0x2580  }
0x34: {  	[sflag:s13] =	ssyncset.done $0x0  }
0x35: {  	s22 =	simm.s32 $0x1E0;
	[sflag:s13] =	ssyncadd.s32 $0xFFFFDA80  }
0x36: {  	[spmem:s2] =	stream.indirect.scatter.add.f32 [tilespmem:s11], [sflag:$0x3], $0x50, s22, s14, $0xb8;
	[tilespmem:$0x116C0] =	vst v63  }
0x37: {  	_ =	swait.ge [sflag:s6], $0x2580  }
0x38: {  	[sflag:s6] =	ssyncset.done $0x0  }
0x39: {  	s23 =	sadd.s32 $0x1C20, s25;
	[sflag:s6] =	ssyncadd.s32 $0xFFFFDA80  }
0x3a: {  	[tilespmem:s11], [sflag:$0x1] =	stream.linear.gather [hbm4b:s23+s3], $0x2580, $0x38;
	[tilespmem:$0x116C0] =	vst v63  }
0x3b: {  	_ =	swait.ge [sflag:s16], $0x2580  }
0x3c: {  	[sflag:s16] =	ssyncset.done $0x0  }
0x3d: {  	s24 =	simm.s32 $0x258;
	[sflag:s16] =	ssyncadd.s32 $0xFFFFDA80  }
0x3e: {  	[spmem:s2] =	stream.indirect.scatter.add.f32 [tilespmem:s12], [sflag:$0x3], $0x50, s24, s14, $0xb8;
	[tilespmem:$0x116C0] =	vst v63  }
0x3f: {  	_ =	swait.ge [sflag:s6], $0x2580  }
0x40: {  	[sflag:s6] =	ssyncset.done $0x0  }
0x41: {  	s25 =	sadd.s32 $0x20D0, s25;
	[sflag:s6] =	ssyncadd.s32 $0xFFFFDA80  }
0x42: {  	[tilespmem:s12], [sflag:$0x2] =	stream.linear.gather [hbm4b:s25+s3], $0x2580, $0x38;
	[tilespmem:$0x116C0] =	vst v63  }
0x43: {  	_ =	swait.ge [sflag:s13], $0x2580  }
0x44: {  	[sflag:s13] =	ssyncset.done $0x0  }
0x45: {  	s26 =	simm.s32 $0x2D0;
	[sflag:s13] =	ssyncadd.s32 $0xFFFFDA80  }
0x46: {  	[spmem:s2] =	stream.indirect.scatter.add.f32 [tilespmem:s11], [sflag:$0x3], $0x50, s26, s14, $0xb8;
	[tilespmem:$0x116C0] =	vst v63  }
0x47: {  	_ =	swait.ge [sflag:s6], $0x2580  }
0x48: {  	[sflag:s6] =	ssyncset.done $0x0  }
0x49: {  	s1 =	smul.u32 $0xC8000, s30;
	[sflag:s6] =	ssyncadd.s32 $0xFFFFDA80  }
0x4a: {  	s30 =	ssub.s32 $0x2, s30;
	_ =	swait.ge [sflag:s16], $0x2580  }
0x4b: {  	s1 =	sadd.s32 s31, s1;
	s31 =	sshrl.u32 s30, $0x1;
	[sflag:s16] =	ssyncset.done $0x0  }
0x4c: {  	s28 =	simm.s32 $0x348;
	s30 =	ssub.s32 s30, s31;
	[sflag:s16] =	ssyncadd.s32 $0xFFFFDA80  }
0x4d: {  	[spmem:s2] =	stream.indirect.scatter.add.f32 [tilespmem:s12], [sflag:$0x3], $0x50, s28, s14, $0xb8;
	[tilespmem:$0x116C0] =	vst v63  }
0x4e: {  	s31 =	smax.u32 s30, $0x1;
	_ =	swait.ge [sflag:s6], $0x2580  }
0x4f: {  	s1 =	sshrl.u32 s1, $0x3;
	p0 =	sne.s32 s31, $0x1;
	[sflag:s6] =	ssyncset.done $0x0  }
.Ltmp0:
0x50: {  	s1 =	sadd.s32 s1, s29;
	[sflag:s6] =	ssyncadd.s32 $0xFFFFDA80;
	(pc) =	sbr.rel @!p0 .LBB2_2-.Ltmp0, $4  }
0x51: {  	s29 =	sadd.s32 $0x115C00, s1;
	[bflag:$0x0] =	sbarrier.arrive $0xFFFF  }
0x52: {  	[hbm:s29], [sflag:s5] =	dma.local [spmem:s7], $0x1900  }
0x53: {  	_ =	swait.ge [sflag:s6], $0x1900  }
0x54: {  	s30 =	sadd.s32 $0xFFFFFFFF, s31;
	[sflag:s6] =	ssyncset.done $0x0  }
.LBB2_1:
0x55: {  	p0 =	sne.s32 s30, $0x1;
	s30 =	sadd.s32 $0xFFFFFFFF, s30;
	[sflag:s6] =	ssyncadd.s32 $0xFFFFE700  }
0x56: {  	[spmem:s7], [sflag:s5] =	dma.local [hbm:s4], $0x1900  }
0x57: {  	_ =	swait.ge [sflag:s6], $0x1900  }
0x58: {  	[sflag:s6] =	ssyncset.done $0x0  }
0x59: {  	[sflag:s6] =	ssyncadd.s32 $0xFFFFE700  }
0x5a: {  	[tilespmem:s3], [sflag:$0x3] =	stream.linear.gather [hbm4b:s8+s3], $0x3C0, $0x38;
	[tilespmem:$0x116C0] =	vst v63  }
0x5b: {  	_ =	swait.ge [sflag:s6], $0x3C0  }
0x5c: {  	[sflag:s6] =	ssyncset.done $0x0  }
0x5d: {  	[sflag:s6] =	ssyncadd.s32 $0xFFFFFC40  }
0x5e: {  	[tilespmem:s11], [sflag:$0x1] =	stream.linear.gather [hbm4b:s9+s3], $0x2580, $0x38;
	[tilespmem:$0x116C0] =	vst v63  }
0x5f: {  	[bflag:$0x0] =	sbarrier.arrive $0xFFFF  }
0x60: {  	[tilespmem:s12], [sflag:$0x2] =	stream.linear.gather [hbm4b:s10+s3], $0x2580, $0x38;
	[tilespmem:$0x116C0] =	vst v63  }
0x61: {  	_ =	swait.ge [sflag:s13], $0x2580  }
0x62: {  	[sflag:s13] =	ssyncset.done $0x0  }
0x63: {  	[sflag:s13] =	ssyncadd.s32 $0xFFFFDA80  }
0x64: {  	[spmem:s2] =	stream.indirect.scatter.add.f32 [tilespmem:s11], [sflag:$0x3], $0x50, s3, s14, $0xb8;
	[tilespmem:$0x116C0] =	vst v63  }
0x65: {  	_ =	swait.ge [sflag:s6], $0x2580  }
0x66: {  	[sflag:s6] =	ssyncset.done $0x0  }
0x67: {  	[sflag:s6] =	ssyncadd.s32 $0xFFFFDA80  }
0x68: {  	[tilespmem:s11], [sflag:$0x1] =	stream.linear.gather [hbm4b:s15+s3], $0x2580, $0x38;
	[tilespmem:$0x116C0] =	vst v63  }
0x69: {  	_ =	swait.ge [sflag:s16], $0x2580  }
0x6a: {  	[sflag:s16] =	ssyncset.done $0x0  }
0x6b: {  	[sflag:s16] =	ssyncadd.s32 $0xFFFFDA80  }
0x6c: {  	[spmem:s2] =	stream.indirect.scatter.add.f32 [tilespmem:s12], [sflag:$0x3], $0x50, s14, s14, $0xb8;
	[tilespmem:$0x116C0] =	vst v63  }
0x6d: {  	_ =	swait.ge [sflag:s6], $0x2580  }
0x6e: {  	[sflag:s6] =	ssyncset.done $0x0  }
0x6f: {  	[sflag:s6] =	ssyncadd.s32 $0xFFFFDA80  }
0x70: {  	[tilespmem:s12], [sflag:$0x2] =	stream.linear.gather [hbm4b:s17+s3], $0x2580, $0x38;
	[tilespmem:$0x116C0] =	vst v63  }
0x71: {  	_ =	swait.ge [sflag:s13], $0x2580  }
0x72: {  	[sflag:s13] =	ssyncset.done $0x0  }
0x73: {  	[sflag:s13] =	ssyncadd.s32 $0xFFFFDA80  }
0x74: {  	[spmem:s2] =	stream.indirect.scatter.add.f32 [tilespmem:s11], [sflag:$0x3], $0x50, s18, s14, $0xb8;
	[tilespmem:$0x116C0] =	vst v63  }
0x75: {  	_ =	swait.ge [sflag:s6], $0x2580  }
0x76: {  	[sflag:s6] =	ssyncset.done $0x0  }
0x77: {  	[sflag:s6] =	ssyncadd.s32 $0xFFFFDA80  }
0x78: {  	[tilespmem:s11], [sflag:$0x1] =	stream.linear.gather [hbm4b:s19+s3], $0x2580, $0x38;
	[tilespmem:$0x116C0] =	vst v63  }
0x79: {  	_ =	swait.ge [sflag:s16], $0x2580  }
0x7a: {  	[sflag:s16] =	ssyncset.done $0x0  }
0x7b: {  	[sflag:s16] =	ssyncadd.s32 $0xFFFFDA80  }
0x7c: {  	[spmem:s2] =	stream.indirect.scatter.add.f32 [tilespmem:s12], [sflag:$0x3], $0x50, s20, s14, $0xb8;
	[tilespmem:$0x116C0] =	vst v63  }
0x7d: {  	_ =	swait.ge [sflag:s6], $0x2580  }
0x7e: {  	[sflag:s6] =	ssyncset.done $0x0  }
0x7f: {  	[sflag:s6] =	ssyncadd.s32 $0xFFFFDA80  }
0x80: {  	[tilespmem:s12], [sflag:$0x2] =	stream.linear.gather [hbm4b:s21+s3], $0x2580, $0x38;
	[tilespmem:$0x116C0] =	vst v63  }
0x81: {  	_ =	swait.ge [sflag:s13], $0x2580  }
0x82: {  	[sflag:s13] =	ssyncset.done $0x0  }
0x83: {  	[sflag:s13] =	ssyncadd.s32 $0xFFFFDA80  }
0x84: {  	[spmem:s2] =	stream.indirect.scatter.add.f32 [tilespmem:s11], [sflag:$0x3], $0x50, s22, s14, $0xb8;
	[tilespmem:$0x116C0] =	vst v63  }
0x85: {  	_ =	swait.ge [sflag:s6], $0x2580  }
0x86: {  	[sflag:s6] =	ssyncset.done $0x0  }
0x87: {  	[sflag:s6] =	ssyncadd.s32 $0xFFFFDA80  }
0x88: {  	[tilespmem:s11], [sflag:$0x1] =	stream.linear.gather [hbm4b:s23+s3], $0x2580, $0x38;
	[tilespmem:$0x116C0] =	vst v63  }
0x89: {  	_ =	swait.ge [sflag:s16], $0x2580  }
0x8a: {  	[sflag:s16] =	ssyncset.done $0x0  }
0x8b: {  	[sflag:s16] =	ssyncadd.s32 $0xFFFFDA80  }
0x8c: {  	[spmem:s2] =	stream.indirect.scatter.add.f32 [tilespmem:s12], [sflag:$0x3], $0x50, s24, s14, $0xb8;
	[tilespmem:$0x116C0] =	vst v63  }
0x8d: {  	_ =	swait.ge [sflag:s6], $0x2580  }
0x8e: {  	[sflag:s6] =	ssyncset.done $0x0  }
0x8f: {  	[sflag:s6] =	ssyncadd.s32 $0xFFFFDA80  }
0x90: {  	[tilespmem:s12], [sflag:$0x2] =	stream.linear.gather [hbm4b:s25+s3], $0x2580, $0x38;
	[tilespmem:$0x116C0] =	vst v63  }
0x91: {  	_ =	swait.ge [sflag:s13], $0x2580  }
0x92: {  	[sflag:s13] =	ssyncset.done $0x0  }
0x93: {  	[sflag:s13] =	ssyncadd.s32 $0xFFFFDA80  }
0x94: {  	[spmem:s2] =	stream.indirect.scatter.add.f32 [tilespmem:s11], [sflag:$0x3], $0x50, s26, s14, $0xb8;
	[tilespmem:$0x116C0] =	vst v63  }
0x95: {  	_ =	swait.ge [sflag:s6], $0x2580  }
0x96: {  	[sflag:s6] =	ssyncset.done $0x0  }
0x97: {  	[sflag:s6] =	ssyncadd.s32 $0xFFFFDA80  }
0x98: {  	_ =	swait.ge [sflag:s16], $0x2580  }
0x99: {  	[sflag:s16] =	ssyncset.done $0x0  }
0x9a: {  	[sflag:s16] =	ssyncadd.s32 $0xFFFFDA80  }
0x9b: {  	[spmem:s2] =	stream.indirect.scatter.add.f32 [tilespmem:s12], [sflag:$0x3], $0x50, s28, s14, $0xb8;
	[tilespmem:$0x116C0] =	vst v63  }
0x9c: {  	_ =	swait.ge [sflag:s6], $0x2580  }
0x9d: {  	[sflag:s6] =	ssyncset.done $0x0  }
.Ltmp1:
0x9e: {  	[sflag:s6] =	ssyncadd.s32 $0xFFFFDA80;
	(pc) =	sbr.rel @p0 .LBB2_1-.Ltmp1, $4  }
0x9f: {  	[bflag:$0x0] =	sbarrier.arrive $0xFFFF  }
0xa0: {  	[hbm:s29], [sflag:s5] =	dma.local [spmem:s7], $0x1900  }
0xa1: {  	_ =	swait.ge [sflag:s6], $0x1900  }
0xa2: {  	[sflag:s6] =	ssyncset.done $0x0  }
.LBB2_2:
0xa3: {  	[sflag:s6] =	ssyncadd.s32 $0xFFFFE700  }
0xa4: {  	_ =	sfence.sel $0x180000  }
0xa5: {  	[bflag:$0x0] =	sbarrier.arrive $0xFFFF  }
0xa6: {  	_ =	strace $0x9000004A  }
0xa7: {  	[bflag:$0x2] =	sbarrier.arrive $0xFFFF  }
0xa8: {  	p0 =	sne.s32 s0, $0x0;
	s0 =	rddreg [dreg:$0x2]  }
0xa9: {  	s0 =	sadd.s32 @!p0 $0x100000, s0  }
0xaa: {  	[sflag:s0] =	ssyncadd.tile.s32 @!p0 $0x1;
	_ =	shalt  }
.Lfunc_end2:
_tile_overlayer_lowered:
.L_overlay_start_2:
0xab: {  	(tag) =	ssettag $0x2  }
0xac: {  	s0 =	rddreg [dreg:$0x0];
	s2 =	stileid.u32  }
0xad: {  	s1 =	rddreg [dreg:$0x1];
	p0 =	sne.s32 s2, $0x0  }
0xae: {  	s3 =	rddreg [dreg:$0x2];
	[bflag:$0x3] =	sbarrier.arrive $0xFFFF;
	s2 =	simm.s32 @!p0 $0x1C03  }
0xaf: {  	[timem:s3], [sflag:s2] =	dma.local @!p0 [hbm:s0], s1  }
0xb0: {  	s0 =	simm.s32 @!p0 $0x3  }
0xb1: {  	_ =	swait.ge @!p0 [sflag:s0], s1  }
0xb2: {  	s1 =	ssub.s32 @!p0 $0x0, s1;
	[sflag:s0] =	ssyncset.done @!p0 $0x0  }
0xb3: {  	[sflag:s0] =	ssyncadd.s32 @!p0 s1  }
0xb4: {  	[bflag:$0x3] =	sbarrier.arrive $0xFFFF  }
0xb5: {  	_ =	shalt  }

// kernel: kernel.16.cloned.1.call-start
scs
__scs_entry_jumppad:
0x0: {  	(pc) =	sbr.rel $0x88, $3  }
0x1: {  	(tag) =	ssettag $0x0;
	lr =	simm.s32 $0x1  }
0x2: {  	[smem:$0x3F89] =	sst lr;
	_ =	strace $0xD0000000  }
0x3: {  	_ = 	snop  }
0x4: {  	_ = 	snop  }
0x5: {  	_ = 	snop  }
0x6: {  	_ = 	snop  }
0x7: {  	_ = 	snop  }
__scs_overlays_trampoline_lowered:
0x8: {  	[smem:$0x3F98] =	sst s0  }
0x9: {  	[smem:$0x3F99] =	sst s1  }
0xa: {  	[smem:$0x3F9A] =	sst s2  }
0xb: {  	[smem:$0x3F9B] =	sst s3  }
0xc: {  	[smem:$0x3F9C] =	sst s4  }
0xd: {  	[smem:$0x3F9D] =	sst s5  }
0xe: {  	[smem:$0x3F9E] =	sst s6  }
0xf: {  	[smem:$0x3F9F] =	sst s7  }
0x10: {  	[smem:$0x3FA0] =	sst s8  }
0x11: {  	[smem:$0x3FA1] =	sst s9;
	s0 =	simm.s32 @!p0 $0x0  }
0x12: {  	s1 =	sld [smem:$0x3F87];
	s0 =	simm.s32 @p0 $0x1  }
0x13: {  	[smem:$0x3FA2] =	sst s0;
	s0 =	simm.s32 @!p1 $0x0  }
0x14: {  	s2 =	sld [smem:$0x3F86];
	s0 =	simm.s32 @p1 $0x1  }
0x15: {  	[smem:$0x3FA3] =	sst s0;
	s0 =	simm.s32 @!p2 $0x0  }
0x16: {  	s3 =	sld [smem:$0x3FDB];
	s0 =	simm.s32 @p2 $0x1  }
0x17: {  	s4 =	simm.s32 $0x1BF5;
	[smem:$0x3FA5] =	sst s0  }
0x18: {  	s0 =	sld [smem:$0x3F88];
	_ =	swait.ge [sflag:s4], $0x0  }
0x19: {  	s7 =	sld [smem:$0x3F89]  }
0x1a: {  	s8 =	sadd.s32 $0xFFFFE003, lr  }
0x1b: {  	s9 =	sadd.s32 $0xFFFFFEF7, lr;
	s5 =	simm.s32 $0xFFFFFFFF;
	p2 =	slt.u32 s8, $0xFFFFF086  }
0x1c: {  	p1 =	slt.u32 s9, $0xF7A;
	s5 =	simm.s32 @!p2 $0x0  }
0x1d: {  	s5 =	simm.s32 @p1 $0x1;
	p0 =	seq.s32 s7, s2  }
0x1e: {  	s7 =	smul.u32 @!p0 $0xF7A, s2;
	p2 =	seq.s32 @!p0 s5, $0x0  }
0x1f: {  	s9 =	smul.u32 $0xF7A, s1;
	s8 =	simm.s32 @!p0 $0x1BF5;
	p2 =	por !p2, p0  }
0x20: {  	[sflag:s8] =	ssyncset.s32 @!p0 $0xFFFFF086;
	s6 =	sadd.s32 @!p0 s3, s7;
	s7 =	simm.s32 @!p0 $0x108  }
0x21: {  	s3 =	sadd.s32 s3, s9;
	s6 =	sadd.s32 @!p0 $0x88, s6;
	s7 =	simm.s32 @p2 $0x1082  }
0x22: {  	[simem:s7], [sflag:s8] =	dma.local @!p0 [hbm:s6], $0xF7A  }
0x23: {  	s9 =	sor.u32 $0xD0000000, s2;
	s6 =	simm.s32 $0x108;
	_ =	swait.ge @!p0 [sflag:s8], $0x0  }
0x24: {  	s3 =	sadd.s32 $0x88, s3;
	s6 =	simm.s32 @!p1 $0x1082;
	[sflag:s4] =	ssyncset.s32 $0xFFFFF086  }
0x25: {  	[simem:s6], [sflag:s4] =	dma.local [hbm:s3], $0xF7A  }
0x26: {  	[smem:$0x3F89] =	sst s1;
	(tag) =	ssettag s2;
	_ =	strace s9  }
0x27: {  	s1 =	sld [smem:$0x3F99]  }
0x28: {  	s2 =	sld [smem:$0x3F9A]  }
0x29: {  	s4 =	sld [smem:$0x3F9C]  }
0x2a: {  	p0 =	seq.s32 s5, $0x0;
	s5 =	sld [smem:$0x3F9D]  }
0x2b: {  	s6 =	sld [smem:$0x3F9E]  }
0x2c: {  	s7 =	sld [smem:$0x3F9F]  }
0x2d: {  	s3 =	simm.s32 $0x108;
	s8 =	sld [smem:$0x3FA0]  }
0x2e: {  	s3 =	simm.s32 @!p0 $0x1082;
	s9 =	sld [smem:$0x3FA1]  }
0x2f: {  	lr =	sadd.s32 s0, s3;
	s0 =	sld [smem:$0x3F98]  }
0x30: {  	s3 =	sld [smem:$0x3F9B]  }
0x31: {  	[smem:$0x3FA4] =	sst s10  }
0x32: {  	s10 =	sld [smem:$0x3FA2];
	_ =	sdelay $0x3  }
0x33: {  	p0 =	seq.s32 s10, $0x1;
	s10 =	sld [smem:$0x3FA4];
	_ =	sdelay $0x3  }
0x34: {  	[smem:$0x3FA4] =	sst s10  }
0x35: {  	s10 =	sld [smem:$0x3FA3];
	_ =	sdelay $0x3  }
0x36: {  	p1 =	seq.s32 s10, $0x1;
	s10 =	sld [smem:$0x3FA4];
	_ =	sdelay $0x3  }
0x37: {  	[smem:$0x3FA4] =	sst s10  }
0x38: {  	s10 =	sld [smem:$0x3FA5]  }
0x39: {  	_ = 	snop;
	(pc) =	sbr.ind lr, $3  }
0x3a: {  	_ = 	snop  }
0x3b: {  	_ = 	snop  }
0x3c: {  	p2 =	seq.s32 s10, $0x1;
	s10 =	sld [smem:$0x3FA4]  }
0x3d: {  	_ =	shalt  }
0x3e: {  	_ =	shalt  }
0x3f: {  	_ =	shalt  }
0x40: {  	_ =	shalt  }
0x41: {  	_ =	shalt  }
0x42: {  	_ =	shalt  }
0x43: {  	_ =	shalt  }
0x44: {  	_ =	shalt  }
0x45: {  	_ =	shalt  }
0x46: {  	_ =	shalt  }
0x47: {  	_ =	shalt  }
0x48: {  	_ =	shalt  }
0x49: {  	_ =	shalt  }
0x4a: {  	_ =	shalt  }
0x4b: {  	_ =	shalt  }
0x4c: {  	_ =	shalt  }
0x4d: {  	_ =	shalt  }
0x4e: {  	_ =	shalt  }
0x4f: {  	_ =	shalt  }
0x50: {  	_ =	shalt  }
0x51: {  	_ =	shalt  }
0x52: {  	_ =	shalt  }
0x53: {  	_ =	shalt  }
0x54: {  	_ =	shalt  }
0x55: {  	_ =	shalt  }
0x56: {  	_ =	shalt  }
0x57: {  	_ =	shalt  }
0x58: {  	_ =	shalt  }
0x59: {  	_ =	shalt  }
0x5a: {  	_ =	shalt  }
0x5b: {  	_ =	shalt  }
0x5c: {  	_ =	shalt  }
0x5d: {  	_ =	shalt  }
0x5e: {  	_ =	shalt  }
0x5f: {  	_ =	shalt  }
0x60: {  	_ =	shalt  }
0x61: {  	_ =	shalt  }
0x62: {  	_ =	shalt  }
0x63: {  	_ =	shalt  }
0x64: {  	_ =	shalt  }
0x65: {  	_ =	shalt  }
0x66: {  	_ =	shalt  }
0x67: {  	_ =	shalt  }
0x68: {  	_ =	shalt  }
0x69: {  	_ =	shalt  }
0x6a: {  	_ =	shalt  }
0x6b: {  	_ =	shalt  }
0x6c: {  	_ =	shalt  }
0x6d: {  	_ =	shalt  }
0x6e: {  	_ =	shalt  }
0x6f: {  	_ =	shalt  }
0x70: {  	_ =	shalt  }
0x71: {  	_ =	shalt  }
0x72: {  	_ =	shalt  }
0x73: {  	_ =	shalt  }
0x74: {  	_ =	shalt  }
0x75: {  	_ =	shalt  }
0x76: {  	_ =	shalt  }
0x77: {  	_ =	shalt  }
0x78: {  	_ =	shalt  }
0x79: {  	_ =	shalt  }
0x7a: {  	_ =	shalt  }
0x7b: {  	_ =	shalt  }
0x7c: {  	_ =	shalt  }
0x7d: {  	_ =	shalt  }
0x7e: {  	_ =	shalt  }
0x7f: {  	_ =	shalt  }
0x80: {  	_ =	shalt  }
0x81: {  	_ =	shalt  }
0x82: {  	_ =	shalt  }
0x83: {  	_ =	shalt  }
0x84: {  	_ =	shalt  }
0x85: {  	_ =	shalt  }
0x86: {  	_ =	shalt  }
0x87: {  	_ =	shalt  }
.Lfunc_end0:
.L_simem_size_0:
called_computation.2_lowered:
.L_overlay_start_0:
0x88: {  	s2 =	sld [smem:$0x3FD9]  }
0x89: {  	s3 =	sld [smem:$0x3FFE];
	_ =	sdelay $0x1  }
0x8a: {  	s1 =	srdreg.scid  }
0x8b: {  	s0 =	sand.u32 $0x1, s1  }
0x8c: {  	s16 =	sshll.u32 s0, $0xA;
	s2 =	sadd.s32 s3, s2  }
0x8d: {  	s2 =	sadd.s32 s2, s16  }
0x8e: {  	[smem:$0x3FB0] =	sst s2  }
0x8f: {  	_ = 	snop  }
0x90: {  	(tm) =	ssettm $0x1  }
0x91: {  	s17 =	sld [smem:$0x3FFB];
	_ =	sdelay $0x3  }
0x92: {  	_ =	strace s17  }
0x93: {  	s2 =	sld [smem:$0x3FFC];
	_ =	sdelay $0x3  }
0x94: {  	_ =	strace s2  }
0x95: {  	s2 =	sld [smem:$0x3FFD];
	_ =	sdelay $0x3  }
0x96: {  	_ =	strace s2  }
0x97: {  	_ =	strace $0x8FFFFFFF  }
0x98: {  	s18 =	sld [smem:$0x3FDB];
	_ =	sdelay $0x1  }
0x99: {  	s19 =	simm.s32 $_scs_section_size  }
0x9a: {  	s4 =	simm.s32 $_size__tile_overlayer_lowered;
	s5 =	simm.s32 $_tile_overlayer_lowered  }
0x9b: {  	s22 =	simm.s32 $0x1BFF;
	s21 =	sshll.u32 s5, $0x1;
	s2 =	sadd.s32 s19, s18  }
0x9c: {  	s6 =	simm.s32 $0x0;
	s20 =	sshll.u32 s4, $0x1;
	s4 =	sadd.s32 s21, s2  }
0x9d: {  	[timem:s6], [sflag:s22] =	dma.local [hbm:s4], s20  }
0x9e: {  	_ =	swait.ge [sflag:s22], s20  }
0x9f: {  	s3 =	ssub.s32 $0x0, s20;
	[sflag:s22] =	ssyncset.done $0x0  }
0xa0: {  	[sflag:s22] =	ssyncadd.s32 s3;
	_ =	sdelay $0x1  }
0xa1: {  	s23 =	simm.s32 $0x1B8B  }
0xa2: {  	_ =	swait.ge [sflag:s23], $0x1  }
0xa3: {  	[sflag:s23] =	ssyncset.done $0x0  }
0xa4: {  	s25 =	simm.s32 $0x1B8E;
	s24 =	sld [smem:$0x3FFE];
	[sflag:s23] =	ssyncadd.s32 $0xFFFFFFFF  }
0xa5: {  	s26 =	simm.s32 $execute0_lowered;
	[smem:$0x3FD2] =	sst s25  }
0xa6: {  	s4 =	sshll.u32 s26, $0x1;
	_ =	strace $0x8000004C;
	[dreg:$0x1] =	wrdreg $0xFFFFFFFF  }
0xa7: {  	s28 =	simm.s32 $_size_execute0_lowered;
	s2 =	sadd.s32 s2, s4;
	[dreg:$0x0] =	wrdreg $0x0  }
0xa8: {  	s4 =	sshll.u32 s28, $0x1;
	[dreg:$0x2] =	wrdreg s2  }
0xa9: {  	[dreg:$0x3] =	wrdreg s4  }
0xaa: {  	[dreg:$0x4] =	wrdreg $0xC0  }
0xab: {  	_ =	task [dreg:s6], $0x5FFFF  }
0xac: {  	[dreg:$0x1] =	wrdreg $0xFFFFFFFF  }
0xad: {  	[dreg:$0x0] =	wrdreg $0x60  }
0xae: {  	[dreg:$0x2] =	wrdreg s24  }
0xaf: {  	[dreg:$0x3] =	wrdreg $0x9  }
0xb0: {  	_ =	task.clear_ibuf [dreg:s6], $0x4FFFF;
	_ =	strace $0x9000004C  }
0xb1: {  	s29 =	simm.s32 $0x9;
	_ =	strace $0x8000004E  }
0xb2: {  	_ =	swait.ge [sflag:s29], $0x1  }
0xb3: {  	[sflag:s29] =	ssyncadd.s32 $0xFFFFFFFF  }
0xb4: {  	_ =	strace $0x9000004E  }
0xb5: {  	_ =	sfence  }
0xb6: {  	s30 =	sld [smem:$0x0];
	_ =	sdelay $0x2  }
0xb7: {  	s31 =	sshll.u32 s1, $0xD;
	s1 =	sshrl.u32 s1, $0x2  }
0xb8: {  	s3 =	sand.u32 $0x4000, s31;
	s1 =	sadd.s32 s1, s30  }
0xb9: {  	s0 =	sor.u32 s3, s0;
	s1 =	sshll.u32 s1, $0x11  }
0xba: {  	s0 =	sor.u32 s1, s0  }
0xbb: {  	s0 =	sadd.s32 $0x8F2B, s0  }
0xbc: {  	[sflag:s0] =	ssyncadd.remote.s32 $0x1  }
0xbd: {  	_ =	sfence.sel $0xFFFF  }
0xbe: {  	[dreg:$0x0] =	wrdreg $0xFFFFFFFF;
	(pc) =	sbr.abs _section_cstart, $3  }
0xbf: {  	[dreg:$0x1] =	wrdreg $0xFFFFFFFF  }
0xc0: {  	_ =	task.clear_ibuf [dreg:s6], $0x2FFFF;
	_ =	strace $0x9FFFFFFF  }
0xc1: {  	(tm) =	ssettm $0x7FFFFFFF  }
tec
execute0_lowered:
.L_overlay_start_1:
0x0: {  	(tag) =	ssettag $0x1  }
0x1: {  	s1 =	srdreg.scid;
	s0 =	stileid.u32  }
0x2: {  	s11 =	sand.u32 $0x1, s1;
	s30 =	sshll.u32 s0, $0x1  }
0x3: {  	s12 =	sor.u32 s11, s30  }
0x4: {  	s10 =	rddreg [dreg:$0x0];
	s3 =	smul.u32 $0x78, s12  }
0x5: {  	s2 =	simm.s32 $0x0;
	s1 =	rddreg [dreg:$0x1]  }
0x6: {  	[smem:$0x7FF] =	sst s2;
	s3 =	sadd.s32 s3, s10  }
0x7: {  	_ =	strace $0x8000004D;
	s4 =	sadd.s32 $0x32C00, s3;
	s3 =	simm.s32 $0x3  }
0x8: {  	[tilespmem:s2], [sflag:$0x3] =	stream.linear.gather [hbm4b:s4+s2], $0x3C0, $0x38;
	[tilespmem:$0xF3C0] =	vst v63  }
0x9: {  	_ =	swait.ge [sflag:s3], $0x3C0  }
0xa: {  	s6 =	simm.s32 $0x1E0;
	[sflag:s3] =	ssyncset.done $0x0  }
0xb: {  	s7 =	simm.s32 $0x3C0;
	s5 =	sadd.s32 $0x33C00, s10;
	[sflag:s3] =	ssyncadd.s32 $0xFFFFFC40  }
0xc: {  	[tilespmem:s7], [sflag:$0x1] =	stream.indirect.gather [hbm4b:s5+s6], $0x40, s2, s6, $0xb8;
	[tilespmem:$0xF3C0] =	vst v63  }
0xd: {  	s8 =	simm.s32 $0x7BC0;
	s9 =	simm.s32 $0x1  }
0xe: {  	[tilespmem:s8], [sflag:$0x2] =	stream.indirect.gather [hbm4b:s5+s6], $0x40, s6, s6, $0xb8;
	[tilespmem:$0xF3C0] =	vst v63  }
0xf: {  	s13 =	smul.u32 $0x1E00, s12;
	_ =	swait.ge [sflag:s9], $0x7800  }
0x10: {  	s14 =	sadd.s32 $0x119000, s10;
	[sflag:s9] =	ssyncset.done $0x0  }
0x11: {  	s31 =	ssub.s32 $0x2, s11;
	s10 =	sadd.s32 s14, s13;
	[sflag:s9] =	ssyncadd.s32 $0xFFFF8800  }
0x12: {  	[hbm4b:s10+s2] =	stream.linear.scatter [tilespmem:s7], [sflag:$0x3], $0x7800, $0x38;
	[tilespmem:$0xF3C0] =	vst v63  }
0x13: {  	s15 =	sshrl.u32 s31, $0x1;
	_ =	swait.ge [sflag:s3], $0x7800  }
0x14: {  	s12 =	smul.u32 $0xF000, s12;
	s13 =	ssub.s32 s31, s15;
	[sflag:s3] =	ssyncset.done $0x0  }
0x15: {  	s11 =	simm.s32 $0x2;
	s13 =	smax.u32 s13, $0x1;
	[sflag:s3] =	ssyncadd.s32 $0xFFFF8800  }
0x16: {  	s12 =	sshrl.u32 s12, $0x3;
	p0 =	sne.s32 s13, $0x1;
	_ =	swait.ge [sflag:s11], $0x7800  }
.Ltmp0:
0x17: {  	s12 =	sadd.s32 s14, s12;
	[sflag:s11] =	ssyncset.done $0x0;
	(pc) =	sbr.rel @!p0 .LBB2_2-.Ltmp0, $4  }
0x18: {  	s12 =	sadd.s32 $0xF00, s12;
	[sflag:s11] =	ssyncadd.s32 $0xFFFF8800  }
0x19: {  	[hbm4b:s12+s2] =	stream.linear.scatter [tilespmem:s8], [sflag:$0x3], $0x7800, $0x38;
	[tilespmem:$0xF3C0] =	vst v63  }
0x1a: {  	_ =	swait.ge [sflag:s3], $0x7800  }
0x1b: {  	s13 =	sadd.s32 $0xFFFFFFFF, s13;
	[sflag:s3] =	ssyncset.done $0x0  }
.LBB2_1:
0x1c: {  	p0 =	sne.s32 s13, $0x1;
	s13 =	sadd.s32 $0xFFFFFFFF, s13;
	[sflag:s3] =	ssyncadd.s32 $0xFFFF8800  }
0x1d: {  	[tilespmem:s2], [sflag:$0x3] =	stream.linear.gather [hbm4b:s4+s2], $0x3C0, $0x38;
	[tilespmem:$0xF3C0] =	vst v63  }
0x1e: {  	_ =	swait.ge [sflag:s3], $0x3C0  }
0x1f: {  	[sflag:s3] =	ssyncset.done $0x0  }
0x20: {  	[sflag:s3] =	ssyncadd.s32 $0xFFFFFC40  }
0x21: {  	[tilespmem:s7], [sflag:$0x1] =	stream.indirect.gather [hbm4b:s5+s6], $0x40, s2, s6, $0xb8;
	[tilespmem:$0xF3C0] =	vst v63  }
0x22: {  	_ = 	snop  }
0x23: {  	[tilespmem:s8], [sflag:$0x2] =	stream.indirect.gather [hbm4b:s5+s6], $0x40, s6, s6, $0xb8;
	[tilespmem:$0xF3C0] =	vst v63  }
0x24: {  	_ =	swait.ge [sflag:s9], $0x7800  }
0x25: {  	[sflag:s9] =	ssyncset.done $0x0  }
0x26: {  	[sflag:s9] =	ssyncadd.s32 $0xFFFF8800  }
0x27: {  	[hbm4b:s10+s2] =	stream.linear.scatter [tilespmem:s7], [sflag:$0x3], $0x7800, $0x38;
	[tilespmem:$0xF3C0] =	vst v63  }
0x28: {  	_ =	swait.ge [sflag:s3], $0x7800  }
0x29: {  	[sflag:s3] =	ssyncset.done $0x0  }
0x2a: {  	[sflag:s3] =	ssyncadd.s32 $0xFFFF8800  }
0x2b: {  	_ =	swait.ge [sflag:s11], $0x7800  }
.Ltmp1:
0x2c: {  	[sflag:s11] =	ssyncset.done $0x0;
	(pc) =	sbr.rel @p0 .LBB2_1-.Ltmp1, $4  }
0x2d: {  	[sflag:s11] =	ssyncadd.s32 $0xFFFF8800  }
0x2e: {  	[hbm4b:s12+s2] =	stream.linear.scatter [tilespmem:s8], [sflag:$0x3], $0x7800, $0x38;
	[tilespmem:$0xF3C0] =	vst v63  }
0x2f: {  	_ =	swait.ge [sflag:s3], $0x7800  }
0x30: {  	[sflag:s3] =	ssyncset.done $0x0  }
.LBB2_2:
0x31: {  	[sflag:s3] =	ssyncadd.s32 $0xFFFF8800  }
0x32: {  	_ =	sfence.sel $0x180000  }
0x33: {  	[bflag:$0x0] =	sbarrier.arrive $0xFFFF  }
0x34: {  	p0 =	sne.s32 s0, $0x0;
	_ =	strace $0x9000004D  }
0x35: {  	s0 =	sadd.s32 @!p0 $0x100000, s1;
	[bflag:$0x2] =	sbarrier.arrive $0xFFFF  }
0x36: {  	[sflag:s0] =	ssyncadd.tile.s32 @!p0 $0x1;
	_ =	shalt  }
.Lfunc_end2:
_tile_overlayer_lowered:
.L_overlay_start_2:
0x37: {  	(tag) =	ssettag $0x2  }
0x38: {  	s0 =	rddreg [dreg:$0x0];
	s2 =	stileid.u32  }
0x39: {  	s1 =	rddreg [dreg:$0x1];
	p0 =	sne.s32 s2, $0x0  }
0x3a: {  	s3 =	rddreg [dreg:$0x2];
	[bflag:$0x3] =	sbarrier.arrive $0xFFFF;
	s2 =	simm.s32 @!p0 $0x1C03  }
0x3b: {  	[timem:s3], [sflag:s2] =	dma.local @!p0 [hbm:s0], s1  }
0x3c: {  	s0 =	simm.s32 @!p0 $0x3  }
0x3d: {  	_ =	swait.ge @!p0 [sflag:s0], s1  }
0x3e: {  	s1 =	ssub.s32 @!p0 $0x0, s1;
	[sflag:s0] =	ssyncset.done @!p0 $0x0  }
0x3f: {  	[sflag:s0] =	ssyncadd.s32 @!p0 s1  }
0x40: {  	[bflag:$0x3] =	sbarrier.arrive $0xFFFF  }
0x41: {  	_ =	shalt  }

// kernel: kernel.19.cloned.1.call-start
scs
__scs_entry_jumppad:
0x0: {  	(pc) =	sbr.rel $0x88, $3  }
0x1: {  	(tag) =	ssettag $0x0;
	lr =	simm.s32 $0x1  }
0x2: {  	[smem:$0x3F89] =	sst lr;
	_ =	strace $0xD0000000  }
0x3: {  	_ = 	snop  }
0x4: {  	_ = 	snop  }
0x5: {  	_ = 	snop  }
0x6: {  	_ = 	snop  }
0x7: {  	_ = 	snop  }
__scs_overlays_trampoline_lowered:
0x8: {  	[smem:$0x3F98] =	sst s0  }
0x9: {  	[smem:$0x3F99] =	sst s1  }
0xa: {  	[smem:$0x3F9A] =	sst s2  }
0xb: {  	[smem:$0x3F9B] =	sst s3  }
0xc: {  	[smem:$0x3F9C] =	sst s4  }
0xd: {  	[smem:$0x3F9D] =	sst s5  }
0xe: {  	[smem:$0x3F9E] =	sst s6  }
0xf: {  	[smem:$0x3F9F] =	sst s7  }
0x10: {  	[smem:$0x3FA0] =	sst s8  }
0x11: {  	[smem:$0x3FA1] =	sst s9;
	s0 =	simm.s32 @!p0 $0x0  }
0x12: {  	s1 =	sld [smem:$0x3F87];
	s0 =	simm.s32 @p0 $0x1  }
0x13: {  	[smem:$0x3FA2] =	sst s0;
	s0 =	simm.s32 @!p1 $0x0  }
0x14: {  	s2 =	sld [smem:$0x3F86];
	s0 =	simm.s32 @p1 $0x1  }
0x15: {  	[smem:$0x3FA3] =	sst s0;
	s0 =	simm.s32 @!p2 $0x0  }
0x16: {  	s3 =	sld [smem:$0x3FDB];
	s0 =	simm.s32 @p2 $0x1  }
0x17: {  	s4 =	simm.s32 $0x1BF5;
	[smem:$0x3FA5] =	sst s0  }
0x18: {  	s0 =	sld [smem:$0x3F88];
	_ =	swait.ge [sflag:s4], $0x0  }
0x19: {  	s7 =	sld [smem:$0x3F89]  }
0x1a: {  	s8 =	sadd.s32 $0xFFFFE003, lr  }
0x1b: {  	s9 =	sadd.s32 $0xFFFFFEF7, lr;
	s5 =	simm.s32 $0xFFFFFFFF;
	p2 =	slt.u32 s8, $0xFFFFF086  }
0x1c: {  	p1 =	slt.u32 s9, $0xF7A;
	s5 =	simm.s32 @!p2 $0x0  }
0x1d: {  	s5 =	simm.s32 @p1 $0x1;
	p0 =	seq.s32 s7, s2  }
0x1e: {  	s7 =	smul.u32 @!p0 $0xF7A, s2;
	p2 =	seq.s32 @!p0 s5, $0x0  }
0x1f: {  	s9 =	smul.u32 $0xF7A, s1;
	s8 =	simm.s32 @!p0 $0x1BF5;
	p2 =	por !p2, p0  }
0x20: {  	[sflag:s8] =	ssyncset.s32 @!p0 $0xFFFFF086;
	s6 =	sadd.s32 @!p0 s3, s7;
	s7 =	simm.s32 @!p0 $0x108  }
0x21: {  	s3 =	sadd.s32 s3, s9;
	s6 =	sadd.s32 @!p0 $0x88, s6;
	s7 =	simm.s32 @p2 $0x1082  }
0x22: {  	[simem:s7], [sflag:s8] =	dma.local @!p0 [hbm:s6], $0xF7A  }
0x23: {  	s9 =	sor.u32 $0xD0000000, s2;
	s6 =	simm.s32 $0x108;
	_ =	swait.ge @!p0 [sflag:s8], $0x0  }
0x24: {  	s3 =	sadd.s32 $0x88, s3;
	s6 =	simm.s32 @!p1 $0x1082;
	[sflag:s4] =	ssyncset.s32 $0xFFFFF086  }
0x25: {  	[simem:s6], [sflag:s4] =	dma.local [hbm:s3], $0xF7A  }
0x26: {  	[smem:$0x3F89] =	sst s1;
	(tag) =	ssettag s2;
	_ =	strace s9  }
0x27: {  	s1 =	sld [smem:$0x3F99]  }
0x28: {  	s2 =	sld [smem:$0x3F9A]  }
0x29: {  	s4 =	sld [smem:$0x3F9C]  }
0x2a: {  	p0 =	seq.s32 s5, $0x0;
	s5 =	sld [smem:$0x3F9D]  }
0x2b: {  	s6 =	sld [smem:$0x3F9E]  }
0x2c: {  	s7 =	sld [smem:$0x3F9F]  }
0x2d: {  	s3 =	simm.s32 $0x108;
	s8 =	sld [smem:$0x3FA0]  }
0x2e: {  	s3 =	simm.s32 @!p0 $0x1082;
	s9 =	sld [smem:$0x3FA1]  }
0x2f: {  	lr =	sadd.s32 s0, s3;
	s0 =	sld [smem:$0x3F98]  }
0x30: {  	s3 =	sld [smem:$0x3F9B]  }
0x31: {  	[smem:$0x3FA4] =	sst s10  }
0x32: {  	s10 =	sld [smem:$0x3FA2];
	_ =	sdelay $0x3  }
0x33: {  	p0 =	seq.s32 s10, $0x1;
	s10 =	sld [smem:$0x3FA4];
	_ =	sdelay $0x3  }
0x34: {  	[smem:$0x3FA4] =	sst s10  }
0x35: {  	s10 =	sld [smem:$0x3FA3];
	_ =	sdelay $0x3  }
0x36: {  	p1 =	seq.s32 s10, $0x1;
	s10 =	sld [smem:$0x3FA4];
	_ =	sdelay $0x3  }
0x37: {  	[smem:$0x3FA4] =	sst s10  }
0x38: {  	s10 =	sld [smem:$0x3FA5]  }
0x39: {  	_ = 	snop;
	(pc) =	sbr.ind lr, $3  }
0x3a: {  	_ = 	snop  }
0x3b: {  	_ = 	snop  }
0x3c: {  	p2 =	seq.s32 s10, $0x1;
	s10 =	sld [smem:$0x3FA4]  }
0x3d: {  	_ =	shalt  }
0x3e: {  	_ =	shalt  }
0x3f: {  	_ =	shalt  }
0x40: {  	_ =	shalt  }
0x41: {  	_ =	shalt  }
0x42: {  	_ =	shalt  }
0x43: {  	_ =	shalt  }
0x44: {  	_ =	shalt  }
0x45: {  	_ =	shalt  }
0x46: {  	_ =	shalt  }
0x47: {  	_ =	shalt  }
0x48: {  	_ =	shalt  }
0x49: {  	_ =	shalt  }
0x4a: {  	_ =	shalt  }
0x4b: {  	_ =	shalt  }
0x4c: {  	_ =	shalt  }
0x4d: {  	_ =	shalt  }
0x4e: {  	_ =	shalt  }
0x4f: {  	_ =	shalt  }
0x50: {  	_ =	shalt  }
0x51: {  	_ =	shalt  }
0x52: {  	_ =	shalt  }
0x53: {  	_ =	shalt  }
0x54: {  	_ =	shalt  }
0x55: {  	_ =	shalt  }
0x56: {  	_ =	shalt  }
0x57: {  	_ =	shalt  }
0x58: {  	_ =	shalt  }
0x59: {  	_ =	shalt  }
0x5a: {  	_ =	shalt  }
0x5b: {  	_ =	shalt  }
0x5c: {  	_ =	shalt  }
0x5d: {  	_ =	shalt  }
0x5e: {  	_ =	shalt  }
0x5f: {  	_ =	shalt  }
0x60: {  	_ =	shalt  }
0x61: {  	_ =	shalt  }
0x62: {  	_ =	shalt  }
0x63: {  	_ =	shalt  }
0x64: {  	_ =	shalt  }
0x65: {  	_ =	shalt  }
0x66: {  	_ =	shalt  }
0x67: {  	_ =	shalt  }
0x68: {  	_ =	shalt  }
0x69: {  	_ =	shalt  }
0x6a: {  	_ =	shalt  }
0x6b: {  	_ =	shalt  }
0x6c: {  	_ =	shalt  }
0x6d: {  	_ =	shalt  }
0x6e: {  	_ =	shalt  }
0x6f: {  	_ =	shalt  }
0x70: {  	_ =	shalt  }
0x71: {  	_ =	shalt  }
0x72: {  	_ =	shalt  }
0x73: {  	_ =	shalt  }
0x74: {  	_ =	shalt  }
0x75: {  	_ =	shalt  }
0x76: {  	_ =	shalt  }
0x77: {  	_ =	shalt  }
0x78: {  	_ =	shalt  }
0x79: {  	_ =	shalt  }
0x7a: {  	_ =	shalt  }
0x7b: {  	_ =	shalt  }
0x7c: {  	_ =	shalt  }
0x7d: {  	_ =	shalt  }
0x7e: {  	_ =	shalt  }
0x7f: {  	_ =	shalt  }
0x80: {  	_ =	shalt  }
0x81: {  	_ =	shalt  }
0x82: {  	_ =	shalt  }
0x83: {  	_ =	shalt  }
0x84: {  	_ =	shalt  }
0x85: {  	_ =	shalt  }
0x86: {  	_ =	shalt  }
0x87: {  	_ =	shalt  }
.Lfunc_end0:
.L_simem_size_0:
called_computation.3_lowered:
.L_overlay_start_0:
0x88: {  	s2 =	sld [smem:$0x3FD9]  }
0x89: {  	s3 =	sld [smem:$0x3FFE];
	_ =	sdelay $0x1  }
0x8a: {  	s1 =	srdreg.scid  }
0x8b: {  	s0 =	sand.u32 $0x1, s1  }
0x8c: {  	s16 =	sshll.u32 s0, $0xA;
	s2 =	sadd.s32 s3, s2  }
0x8d: {  	s2 =	sadd.s32 s2, s16  }
0x8e: {  	[smem:$0x3FB0] =	sst s2  }
0x8f: {  	_ = 	snop  }
0x90: {  	(tm) =	ssettm $0x1  }
0x91: {  	s17 =	sld [smem:$0x3FFB];
	_ =	sdelay $0x3  }
0x92: {  	_ =	strace s17  }
0x93: {  	s2 =	sld [smem:$0x3FFC];
	_ =	sdelay $0x3  }
0x94: {  	_ =	strace s2  }
0x95: {  	s2 =	sld [smem:$0x3FFD];
	_ =	sdelay $0x3  }
0x96: {  	_ =	strace s2  }
0x97: {  	_ =	strace $0x8FFFFFFF  }
0x98: {  	s18 =	sld [smem:$0x3FDB];
	_ =	sdelay $0x1  }
0x99: {  	s19 =	simm.s32 $_scs_section_size  }
0x9a: {  	s4 =	simm.s32 $_size__tile_overlayer_lowered;
	s5 =	simm.s32 $_tile_overlayer_lowered  }
0x9b: {  	s22 =	simm.s32 $0x1BFF;
	s21 =	sshll.u32 s5, $0x1;
	s2 =	sadd.s32 s19, s18  }
0x9c: {  	s6 =	simm.s32 $0x0;
	s20 =	sshll.u32 s4, $0x1;
	s4 =	sadd.s32 s21, s2  }
0x9d: {  	[timem:s6], [sflag:s22] =	dma.local [hbm:s4], s20  }
0x9e: {  	_ =	swait.ge [sflag:s22], s20  }
0x9f: {  	s3 =	ssub.s32 $0x0, s20;
	[sflag:s22] =	ssyncset.done $0x0  }
0xa0: {  	[sflag:s22] =	ssyncadd.s32 s3;
	_ =	sdelay $0x1  }
0xa1: {  	s23 =	simm.s32 $0x1B8B  }
0xa2: {  	_ =	swait.ge [sflag:s23], $0x1  }
0xa3: {  	[sflag:s23] =	ssyncset.done $0x0  }
0xa4: {  	s25 =	simm.s32 $0x1B8E;
	s24 =	sld [smem:$0x3FFE];
	[sflag:s23] =	ssyncadd.s32 $0xFFFFFFFF  }
0xa5: {  	s26 =	simm.s32 $execute0_lowered;
	[smem:$0x3FD2] =	sst s25  }
0xa6: {  	s4 =	sshll.u32 s26, $0x1;
	_ =	strace $0x8000004F;
	[dreg:$0x1] =	wrdreg $0xFFFFFFFF  }
0xa7: {  	s28 =	simm.s32 $_size_execute0_lowered;
	s2 =	sadd.s32 s2, s4;
	[dreg:$0x0] =	wrdreg $0x0  }
0xa8: {  	s4 =	sshll.u32 s28, $0x1;
	[dreg:$0x2] =	wrdreg s2  }
0xa9: {  	[dreg:$0x3] =	wrdreg s4  }
0xaa: {  	[dreg:$0x4] =	wrdreg $0xC0  }
0xab: {  	_ =	task [dreg:s6], $0x5FFFF  }
0xac: {  	[dreg:$0x1] =	wrdreg $0xFFFFFFFF  }
0xad: {  	[dreg:$0x0] =	wrdreg $0x60  }
0xae: {  	[dreg:$0x2] =	wrdreg s24  }
0xaf: {  	[dreg:$0x3] =	wrdreg $0x7BC00  }
0xb0: {  	[dreg:$0x4] =	wrdreg $0x9  }
0xb1: {  	_ =	task.clear_ibuf [dreg:s6], $0x5FFFF;
	_ =	strace $0x9000004F  }
0xb2: {  	s29 =	simm.s32 $0x9;
	_ =	strace $0x80000051  }
0xb3: {  	_ =	swait.ge [sflag:s29], $0x1  }
0xb4: {  	[sflag:s29] =	ssyncadd.s32 $0xFFFFFFFF  }
0xb5: {  	_ =	strace $0x90000051  }
0xb6: {  	_ =	sfence  }
0xb7: {  	s30 =	sld [smem:$0x0];
	_ =	sdelay $0x2  }
0xb8: {  	s31 =	sshll.u32 s1, $0xD;
	s1 =	sshrl.u32 s1, $0x2  }
0xb9: {  	s3 =	sand.u32 $0x4000, s31;
	s1 =	sadd.s32 s1, s30  }
0xba: {  	s0 =	sor.u32 s3, s0;
	s1 =	sshll.u32 s1, $0x11  }
0xbb: {  	s0 =	sor.u32 s1, s0  }
0xbc: {  	s0 =	sadd.s32 $0x8F2B, s0  }
0xbd: {  	[sflag:s0] =	ssyncadd.remote.s32 $0x1  }
0xbe: {  	_ =	sfence.sel $0xFFFF  }
0xbf: {  	[dreg:$0x0] =	wrdreg $0xFFFFFFFF;
	(pc) =	sbr.abs _section_cstart, $3  }
0xc0: {  	[dreg:$0x1] =	wrdreg $0xFFFFFFFF  }
0xc1: {  	_ =	task.clear_ibuf [dreg:s6], $0x2FFFF;
	_ =	strace $0x9FFFFFFF  }
0xc2: {  	(tm) =	ssettm $0x7FFFFFFF  }
0xc3: {  	_ =	shalt  }
tec
execute0_lowered:
.L_overlay_start_1:
0x0: {  	(tag) =	ssettag $0x1  }
0x1: {  	s29 =	rddreg [dreg:$0x0];
	s1 =	srdreg.scid  }
0x2: {  	s0 =	stileid.u32;
	s2 =	rddreg [dreg:$0x1];
	s3 =	simm.s32 $0x0  }
0x3: {  	s30 =	sand.u32 $0x1, s1;
	s31 =	smul.u32 $0x14000, s0;
	[smem:$0x7FF] =	sst s3  }
0x4: {  	s5 =	sshll.u32 s0, $0x6;
	s4 =	sshll.u32 s30, $0x4;
	_ =	strace $0x80000050  }
0x5: {  	s5 =	sor.u32 $0x1C03, s5;
	s9 =	sor.u32 s0, s4;
	s26 =	sshrl.u32 s31, $0x3  }
0x6: {  	s6 =	sadd.s32 s31, s2;
	s8 =	smul.u32 $0x78, s9;
	s4 =	sadd.s32 s26, s29  }
0x7: {  	s7 =	sshrl.u32 s6, $0x3;
	s6 =	simm.s32 $0x3;
	s4 =	sadd.s32 $0x1C00, s4  }
0x8: {  	[spmem:s7], [sflag:s5] =	dma.local [hbm:s4], $0x2800  }
0x9: {  	_ =	swait.ge [sflag:s6], $0x2800  }
0xa: {  	s10 =	smul.u32 $0x3C00, s9;
	s8 =	sadd.s32 s8, s29;
	[sflag:s6] =	ssyncset.done $0x0  }
0xb: {  	s9 =	smul.u32 $0x1E000, s9;
	s8 =	sadd.s32 $0x51C00, s8;
	[sflag:s6] =	ssyncadd.s32 $0xFFFFD800  }
0xc: {  	[tilespmem:s3], [sflag:$0x3] =	stream.linear.gather [hbm4b:s8+s3], $0x3C0, $0x38;
	[tilespmem:$0x1BBC0] =	vst v63  }
0xd: {  	s13 =	simm.s32 $0x1;
	s11 =	sadd.s32 $0x1CD000, s29;
	_ =	swait.ge [sflag:s6], $0x3C0  }
0xe: {  	s12 =	sshrl.u32 s9, $0x3;
	s9 =	sadd.s32 s11, s10;
	[sflag:s6] =	ssyncset.done $0x0  }
0xf: {  	s25 =	sadd.s32 s11, s12;
	s11 =	simm.s32 $0x3C0;
	[sflag:s6] =	ssyncadd.s32 $0xFFFFFC40  }
0x10: {  	[tilespmem:s11], [sflag:$0x1] =	stream.linear.gather [hbm4b:s9+s3], $0x3C00, $0x38;
	[tilespmem:$0x1BBC0] =	vst v63  }
0x11: {  	s12 =	simm.s32 $0x3FC0;
	s10 =	sadd.s32 $0x780, s25;
	[bflag:$0x0] =	sbarrier.arrive $0xFFFF  }
0x12: {  	[tilespmem:s12], [sflag:$0x2] =	stream.linear.gather [hbm4b:s10+s3], $0x3C00, $0x38;
	[tilespmem:$0x1BBC0] =	vst v63  }
0x13: {  	_ =	swait.ge [sflag:s13], $0x3C00  }
0x14: {  	[sflag:s13] =	ssyncset.done $0x0  }
0x15: {  	s14 =	simm.s32 $0x78;
	[sflag:s13] =	ssyncadd.s32 $0xFFFFC400  }
0x16: {  	[spmem:s2] =	stream.indirect.scatter.add.f32 [tilespmem:s11], [sflag:$0x3], $0x80, s3, s14, $0xb8;
	[tilespmem:$0x1BBC0] =	vst v63  }
0x17: {  	_ =	swait.ge [sflag:s6], $0x3C00  }
0x18: {  	[sflag:s6] =	ssyncset.done $0x0  }
0x19: {  	s16 =	simm.s32 $0x2;
	s15 =	sadd.s32 $0xF00, s25;
	[sflag:s6] =	ssyncadd.s32 $0xFFFFC400  }
0x1a: {  	[tilespmem:s11], [sflag:$0x1] =	stream.linear.gather [hbm4b:s15+s3], $0x3C00, $0x38;
	[tilespmem:$0x1BBC0] =	vst v63  }
0x1b: {  	_ =	swait.ge [sflag:s16], $0x3C00  }
0x1c: {  	[sflag:s16] =	ssyncset.done $0x0  }
0x1d: {  	[sflag:s16] =	ssyncadd.s32 $0xFFFFC400  }
0x1e: {  	[spmem:s2] =	stream.indirect.scatter.add.f32 [tilespmem:s12], [sflag:$0x3], $0x80, s14, s14, $0xb8;
	[tilespmem:$0x1BBC0] =	vst v63  }
0x1f: {  	_ =	swait.ge [sflag:s6], $0x3C00  }
0x20: {  	[sflag:s6] =	ssyncset.done $0x0  }
0x21: {  	s17 =	sadd.s32 $0x1680, s25;
	[sflag:s6] =	ssyncadd.s32 $0xFFFFC400  }
0x22: {  	[tilespmem:s12], [sflag:$0x2] =	stream.linear.gather [hbm4b:s17+s3], $0x3C00, $0x38;
	[tilespmem:$0x1BBC0] =	vst v63  }
0x23: {  	_ =	swait.ge [sflag:s13], $0x3C00  }
0x24: {  	[sflag:s13] =	ssyncset.done $0x0  }
0x25: {  	s18 =	simm.s32 $0xF0;
	[sflag:s13] =	ssyncadd.s32 $0xFFFFC400  }
0x26: {  	[spmem:s2] =	stream.indirect.scatter.add.f32 [tilespmem:s11], [sflag:$0x3], $0x80, s18, s14, $0xb8;
	[tilespmem:$0x1BBC0] =	vst v63  }
0x27: {  	_ =	swait.ge [sflag:s6], $0x3C00  }
0x28: {  	[sflag:s6] =	ssyncset.done $0x0  }
0x29: {  	s19 =	sadd.s32 $0x1E00, s25;
	[sflag:s6] =	ssyncadd.s32 $0xFFFFC400  }
0x2a: {  	[tilespmem:s11], [sflag:$0x1] =	stream.linear.gather [hbm4b:s19+s3], $0x3C00, $0x38;
	[tilespmem:$0x1BBC0] =	vst v63  }
0x2b: {  	_ =	swait.ge [sflag:s16], $0x3C00  }
0x2c: {  	[sflag:s16] =	ssyncset.done $0x0  }
0x2d: {  	s20 =	simm.s32 $0x168;
	[sflag:s16] =	ssyncadd.s32 $0xFFFFC400  }
0x2e: {  	[spmem:s2] =	stream.indirect.scatter.add.f32 [tilespmem:s12], [sflag:$0x3], $0x80, s20, s14, $0xb8;
	[tilespmem:$0x1BBC0] =	vst v63  }
0x2f: {  	_ =	swait.ge [sflag:s6], $0x3C00  }
0x30: {  	[sflag:s6] =	ssyncset.done $0x0  }
0x31: {  	s21 =	sadd.s32 $0x2580, s25;
	[sflag:s6] =	ssyncadd.s32 $0xFFFFC400  }
0x32: {  	[tilespmem:s12], [sflag:$0x2] =	stream.linear.gather [hbm4b:s21+s3], $0x3C00, $0x38;
	[tilespmem:$0x1BBC0] =	vst v63  }
0x33: {  	_ =	swait.ge [sflag:s13], $0x3C00  }
0x34: {  	[sflag:s13] =	ssyncset.done $0x0  }
0x35: {  	s22 =	simm.s32 $0x1E0;
	[sflag:s13] =	ssyncadd.s32 $0xFFFFC400  }
0x36: {  	[spmem:s2] =	stream.indirect.scatter.add.f32 [tilespmem:s11], [sflag:$0x3], $0x80, s22, s14, $0xb8;
	[tilespmem:$0x1BBC0] =	vst v63  }
0x37: {  	_ =	swait.ge [sflag:s6], $0x3C00  }
0x38: {  	[sflag:s6] =	ssyncset.done $0x0  }
0x39: {  	s23 =	sadd.s32 $0x2D00, s25;
	[sflag:s6] =	ssyncadd.s32 $0xFFFFC400  }
0x3a: {  	[tilespmem:s11], [sflag:$0x1] =	stream.linear.gather [hbm4b:s23+s3], $0x3C00, $0x38;
	[tilespmem:$0x1BBC0] =	vst v63  }
0x3b: {  	_ =	swait.ge [sflag:s16], $0x3C00  }
0x3c: {  	[sflag:s16] =	ssyncset.done $0x0  }
0x3d: {  	s24 =	simm.s32 $0x258;
	[sflag:s16] =	ssyncadd.s32 $0xFFFFC400  }
0x3e: {  	[spmem:s2] =	stream.indirect.scatter.add.f32 [tilespmem:s12], [sflag:$0x3], $0x80, s24, s14, $0xb8;
	[tilespmem:$0x1BBC0] =	vst v63  }
0x3f: {  	_ =	swait.ge [sflag:s6], $0x3C00  }
0x40: {  	[sflag:s6] =	ssyncset.done $0x0  }
0x41: {  	s25 =	sadd.s32 $0x3480, s25;
	[sflag:s6] =	ssyncadd.s32 $0xFFFFC400  }
0x42: {  	[tilespmem:s12], [sflag:$0x2] =	stream.linear.gather [hbm4b:s25+s3], $0x3C00, $0x38;
	[tilespmem:$0x1BBC0] =	vst v63  }
0x43: {  	_ =	swait.ge [sflag:s13], $0x3C00  }
0x44: {  	[sflag:s13] =	ssyncset.done $0x0  }
0x45: {  	s26 =	simm.s32 $0x2D0;
	[sflag:s13] =	ssyncadd.s32 $0xFFFFC400  }
0x46: {  	[spmem:s2] =	stream.indirect.scatter.add.f32 [tilespmem:s11], [sflag:$0x3], $0x80, s26, s14, $0xb8;
	[tilespmem:$0x1BBC0] =	vst v63  }
0x47: {  	_ =	swait.ge [sflag:s6], $0x3C00  }
0x48: {  	[sflag:s6] =	ssyncset.done $0x0  }
0x49: {  	s1 =	smul.u32 $0x140000, s30;
	[sflag:s6] =	ssyncadd.s32 $0xFFFFC400  }
0x4a: {  	s30 =	ssub.s32 $0x2, s30;
	_ =	swait.ge [sflag:s16], $0x3C00  }
0x4b: {  	s1 =	sadd.s32 s31, s1;
	s31 =	sshrl.u32 s30, $0x1;
	[sflag:s16] =	ssyncset.done $0x0  }
0x4c: {  	s28 =	simm.s32 $0x348;
	s30 =	ssub.s32 s30, s31;
	[sflag:s16] =	ssyncadd.s32 $0xFFFFC400  }
0x4d: {  	[spmem:s2] =	stream.indirect.scatter.add.f32 [tilespmem:s12], [sflag:$0x3], $0x80, s28, s14, $0xb8;
	[tilespmem:$0x1BBC0] =	vst v63  }
0x4e: {  	s31 =	smax.u32 s30, $0x1;
	_ =	swait.ge [sflag:s6], $0x3C00  }
0x4f: {  	s1 =	sshrl.u32 s1, $0x3;
	p0 =	sne.s32 s31, $0x1;
	[sflag:s6] =	ssyncset.done $0x0  }
.Ltmp0:
0x50: {  	s1 =	sadd.s32 s1, s29;
	[sflag:s6] =	ssyncadd.s32 $0xFFFFC400;
	(pc) =	sbr.rel @!p0 .LBB2_2-.Ltmp0, $4  }
0x51: {  	s29 =	sadd.s32 $0x52C00, s1;
	[bflag:$0x0] =	sbarrier.arrive $0xFFFF  }
0x52: {  	[hbm:s29], [sflag:s5] =	dma.local [spmem:s7], $0x2800  }
0x53: {  	_ =	swait.ge [sflag:s6], $0x2800  }
0x54: {  	s30 =	sadd.s32 $0xFFFFFFFF, s31;
	[sflag:s6] =	ssyncset.done $0x0  }
.LBB2_1:
0x55: {  	p0 =	sne.s32 s30, $0x1;
	s30 =	sadd.s32 $0xFFFFFFFF, s30;
	[sflag:s6] =	ssyncadd.s32 $0xFFFFD800  }
0x56: {  	[spmem:s7], [sflag:s5] =	dma.local [hbm:s4], $0x2800  }
0x57: {  	_ =	swait.ge [sflag:s6], $0x2800  }
0x58: {  	[sflag:s6] =	ssyncset.done $0x0  }
0x59: {  	[sflag:s6] =	ssyncadd.s32 $0xFFFFD800  }
0x5a: {  	[tilespmem:s3], [sflag:$0x3] =	stream.linear.gather [hbm4b:s8+s3], $0x3C0, $0x38;
	[tilespmem:$0x1BBC0] =	vst v63  }
0x5b: {  	_ =	swait.ge [sflag:s6], $0x3C0  }
0x5c: {  	[sflag:s6] =	ssyncset.done $0x0  }
0x5d: {  	[sflag:s6] =	ssyncadd.s32 $0xFFFFFC40  }
0x5e: {  	[tilespmem:s11], [sflag:$0x1] =	stream.linear.gather [hbm4b:s9+s3], $0x3C00, $0x38;
	[tilespmem:$0x1BBC0] =	vst v63  }
0x5f: {  	[bflag:$0x0] =	sbarrier.arrive $0xFFFF  }
0x60: {  	[tilespmem:s12], [sflag:$0x2] =	stream.linear.gather [hbm4b:s10+s3], $0x3C00, $0x38;
	[tilespmem:$0x1BBC0] =	vst v63  }
0x61: {  	_ =	swait.ge [sflag:s13], $0x3C00  }
0x62: {  	[sflag:s13] =	ssyncset.done $0x0  }
0x63: {  	[sflag:s13] =	ssyncadd.s32 $0xFFFFC400  }
0x64: {  	[spmem:s2] =	stream.indirect.scatter.add.f32 [tilespmem:s11], [sflag:$0x3], $0x80, s3, s14, $0xb8;
	[tilespmem:$0x1BBC0] =	vst v63  }
0x65: {  	_ =	swait.ge [sflag:s6], $0x3C00  }
0x66: {  	[sflag:s6] =	ssyncset.done $0x0  }
0x67: {  	[sflag:s6] =	ssyncadd.s32 $0xFFFFC400  }
0x68: {  	[tilespmem:s11], [sflag:$0x1] =	stream.linear.gather [hbm4b:s15+s3], $0x3C00, $0x38;
	[tilespmem:$0x1BBC0] =	vst v63  }
0x69: {  	_ =	swait.ge [sflag:s16], $0x3C00  }
0x6a: {  	[sflag:s16] =	ssyncset.done $0x0  }
0x6b: {  	[sflag:s16] =	ssyncadd.s32 $0xFFFFC400  }
0x6c: {  	[spmem:s2] =	stream.indirect.scatter.add.f32 [tilespmem:s12], [sflag:$0x3], $0x80, s14, s14, $0xb8;
	[tilespmem:$0x1BBC0] =	vst v63  }
0x6d: {  	_ =	swait.ge [sflag:s6], $0x3C00  }
0x6e: {  	[sflag:s6] =	ssyncset.done $0x0  }
0x6f: {  	[sflag:s6] =	ssyncadd.s32 $0xFFFFC400  }
0x70: {  	[tilespmem:s12], [sflag:$0x2] =	stream.linear.gather [hbm4b:s17+s3], $0x3C00, $0x38;
	[tilespmem:$0x1BBC0] =	vst v63  }
0x71: {  	_ =	swait.ge [sflag:s13], $0x3C00  }
0x72: {  	[sflag:s13] =	ssyncset.done $0x0  }
0x73: {  	[sflag:s13] =	ssyncadd.s32 $0xFFFFC400  }
0x74: {  	[spmem:s2] =	stream.indirect.scatter.add.f32 [tilespmem:s11], [sflag:$0x3], $0x80, s18, s14, $0xb8;
	[tilespmem:$0x1BBC0] =	vst v63  }
0x75: {  	_ =	swait.ge [sflag:s6], $0x3C00  }
0x76: {  	[sflag:s6] =	ssyncset.done $0x0  }
0x77: {  	[sflag:s6] =	ssyncadd.s32 $0xFFFFC400  }
0x78: {  	[tilespmem:s11], [sflag:$0x1] =	stream.linear.gather [hbm4b:s19+s3], $0x3C00, $0x38;
	[tilespmem:$0x1BBC0] =	vst v63  }
0x79: {  	_ =	swait.ge [sflag:s16], $0x3C00  }
0x7a: {  	[sflag:s16] =	ssyncset.done $0x0  }
0x7b: {  	[sflag:s16] =	ssyncadd.s32 $0xFFFFC400  }
0x7c: {  	[spmem:s2] =	stream.indirect.scatter.add.f32 [tilespmem:s12], [sflag:$0x3], $0x80, s20, s14, $0xb8;
	[tilespmem:$0x1BBC0] =	vst v63  }
0x7d: {  	_ =	swait.ge [sflag:s6], $0x3C00  }
0x7e: {  	[sflag:s6] =	ssyncset.done $0x0  }
0x7f: {  	[sflag:s6] =	ssyncadd.s32 $0xFFFFC400  }
0x80: {  	[tilespmem:s12], [sflag:$0x2] =	stream.linear.gather [hbm4b:s21+s3], $0x3C00, $0x38;
	[tilespmem:$0x1BBC0] =	vst v63  }
0x81: {  	_ =	swait.ge [sflag:s13], $0x3C00  }
0x82: {  	[sflag:s13] =	ssyncset.done $0x0  }
0x83: {  	[sflag:s13] =	ssyncadd.s32 $0xFFFFC400  }
0x84: {  	[spmem:s2] =	stream.indirect.scatter.add.f32 [tilespmem:s11], [sflag:$0x3], $0x80, s22, s14, $0xb8;
	[tilespmem:$0x1BBC0] =	vst v63  }
0x85: {  	_ =	swait.ge [sflag:s6], $0x3C00  }
0x86: {  	[sflag:s6] =	ssyncset.done $0x0  }
0x87: {  	[sflag:s6] =	ssyncadd.s32 $0xFFFFC400  }
0x88: {  	[tilespmem:s11], [sflag:$0x1] =	stream.linear.gather [hbm4b:s23+s3], $0x3C00, $0x38;
	[tilespmem:$0x1BBC0] =	vst v63  }
0x89: {  	_ =	swait.ge [sflag:s16], $0x3C00  }
0x8a: {  	[sflag:s16] =	ssyncset.done $0x0  }
0x8b: {  	[sflag:s16] =	ssyncadd.s32 $0xFFFFC400  }
0x8c: {  	[spmem:s2] =	stream.indirect.scatter.add.f32 [tilespmem:s12], [sflag:$0x3], $0x80, s24, s14, $0xb8;
	[tilespmem:$0x1BBC0] =	vst v63  }
0x8d: {  	_ =	swait.ge [sflag:s6], $0x3C00  }
0x8e: {  	[sflag:s6] =	ssyncset.done $0x0  }
0x8f: {  	[sflag:s6] =	ssyncadd.s32 $0xFFFFC400  }
0x90: {  	[tilespmem:s12], [sflag:$0x2] =	stream.linear.gather [hbm4b:s25+s3], $0x3C00, $0x38;
	[tilespmem:$0x1BBC0] =	vst v63  }
0x91: {  	_ =	swait.ge [sflag:s13], $0x3C00  }
0x92: {  	[sflag:s13] =	ssyncset.done $0x0  }
0x93: {  	[sflag:s13] =	ssyncadd.s32 $0xFFFFC400  }
0x94: {  	[spmem:s2] =	stream.indirect.scatter.add.f32 [tilespmem:s11], [sflag:$0x3], $0x80, s26, s14, $0xb8;
	[tilespmem:$0x1BBC0] =	vst v63  }
0x95: {  	_ =	swait.ge [sflag:s6], $0x3C00  }
0x96: {  	[sflag:s6] =	ssyncset.done $0x0  }
0x97: {  	[sflag:s6] =	ssyncadd.s32 $0xFFFFC400  }
0x98: {  	_ =	swait.ge [sflag:s16], $0x3C00  }
0x99: {  	[sflag:s16] =	ssyncset.done $0x0  }
0x9a: {  	[sflag:s16] =	ssyncadd.s32 $0xFFFFC400  }
0x9b: {  	[spmem:s2] =	stream.indirect.scatter.add.f32 [tilespmem:s12], [sflag:$0x3], $0x80, s28, s14, $0xb8;
	[tilespmem:$0x1BBC0] =	vst v63  }
0x9c: {  	_ =	swait.ge [sflag:s6], $0x3C00  }
0x9d: {  	[sflag:s6] =	ssyncset.done $0x0  }
.Ltmp1:
0x9e: {  	[sflag:s6] =	ssyncadd.s32 $0xFFFFC400;
	(pc) =	sbr.rel @p0 .LBB2_1-.Ltmp1, $4  }
0x9f: {  	[bflag:$0x0] =	sbarrier.arrive $0xFFFF  }
0xa0: {  	[hbm:s29], [sflag:s5] =	dma.local [spmem:s7], $0x2800  }
0xa1: {  	_ =	swait.ge [sflag:s6], $0x2800  }
0xa2: {  	[sflag:s6] =	ssyncset.done $0x0  }
.LBB2_2:
0xa3: {  	[sflag:s6] =	ssyncadd.s32 $0xFFFFD800  }
0xa4: {  	_ =	sfence.sel $0x180000  }
0xa5: {  	[bflag:$0x0] =	sbarrier.arrive $0xFFFF  }
0xa6: {  	_ =	strace $0x90000050  }
0xa7: {  	[bflag:$0x2] =	sbarrier.arrive $0xFFFF  }
0xa8: {  	p0 =	sne.s32 s0, $0x0;
	s0 =	rddreg [dreg:$0x2]  }
0xa9: {  	s0 =	sadd.s32 @!p0 $0x100000, s0  }
0xaa: {  	[sflag:s0] =	ssyncadd.tile.s32 @!p0 $0x1;
	_ =	shalt  }
.Lfunc_end2:
_tile_overlayer_lowered:
.L_overlay_start_2:
0xab: {  	(tag) =	ssettag $0x2  }
0xac: {  	s0 =	rddreg [dreg:$0x0];
	s2 =	stileid.u32  }
0xad: {  	s1 =	rddreg [dreg:$0x1];
	p0 =	sne.s32 s2, $0x0  }
0xae: {  	s3 =	rddreg [dreg:$0x2];
	[bflag:$0x3] =	sbarrier.arrive $0xFFFF;
	s2 =	simm.s32 @!p0 $0x1C03  }
0xaf: {  	[timem:s3], [sflag:s2] =	dma.local @!p0 [hbm:s0], s1  }
0xb0: {  	s0 =	simm.s32 @!p0 $0x3  }
0xb1: {  	_ =	swait.ge @!p0 [sflag:s0], s1  }
0xb2: {  	s1 =	ssub.s32 @!p0 $0x0, s1;
	[sflag:s0] =	ssyncset.done @!p0 $0x0  }
0xb3: {  	[sflag:s0] =	ssyncadd.s32 @!p0 s1  }
0xb4: {  	[bflag:$0x3] =	sbarrier.arrive $0xFFFF  }
0xb5: {  	_ =	shalt  }

</sc_bundles>
